<compile_context>
chip_gen: v7x
topology: tpu7x:2x2x1
jax: 0.10.2.dev20260603
libtpu: 0.0.44.dev20260713+nightly
codegen_flags: <defaults>
</compile_context>

<pallas_src>
import functools

import jax
import jax.numpy as jnp
from jax import lax
from jax.experimental import pallas as pl
from jax.experimental.pallas import tpu as pltpu
from jax.experimental.pallas import tpu_sc as plsc

N = 10000
D = 128
DH = D // 2
NPAD = 10240
BLK = 1000
STRIPE = NPAD // 16
K = 128
H2 = 100000
H3 = 40000
NCH2 = 50
NCH3 = 20
HT2 = NCH2 * K
HT3 = NCH3 * K
E2P = 16 * HT2 * 2
E3P = 16 * HT3 * 3


def _z_body(x_ref, a2_ref, a3_ref, *z_refs):
    xb = x_ref[...]
    zb = [lax.dot_general(xb, a2_ref[t * D:(t + 1) * D, :],
                          (((1,), (0,)), ((), ())),
                          preferred_element_type=jnp.float32)
          for t in range(2)]
    zb += [lax.dot_general(xb, a3_ref[t * D:(t + 1) * D, :],
                           (((1,), (0,)), ((), ())),
                           preferred_element_type=jnp.float32)
           for t in range(3)]
    z_ref, = z_refs
    for i in range(5):
        zb16 = zb[i].astype(jnp.bfloat16)
        for h in range(2):
            z_ref[i, h] = zb16[:, h * DH:(h + 1) * DH]


_z_kernel = pl.pallas_call(
    _z_body,
    grid=(N // BLK,),
    in_specs=[
        pl.BlockSpec((BLK, D), lambda i: (i, 0)),
        pl.BlockSpec((2 * D, D), lambda i: (0, 0)),
        pl.BlockSpec((3 * D, D), lambda i: (0, 0)),
    ],
    out_specs=[pl.BlockSpec((5, 2, BLK, DH), lambda i: (0, 0, i, 0))],
    out_shape=[jax.ShapeDtypeStruct((5, 2, N, DH), jnp.bfloat16)],
)


@functools.lru_cache(maxsize=None)
def _get_sc_scatter():
  mesh = plsc.VectorSubcoreMesh(core_axis_name="c", subcore_axis_name="s")

  @functools.partial(
    pl.kernel,
    out_type=(
        jax.ShapeDtypeStruct((2, NPAD, D), jnp.bfloat16),
        jax.ShapeDtypeStruct((2, NPAD, 16), jnp.float32),
    ),
    mesh=mesh,
    compiler_params=pltpu.CompilerParams(use_tc_tiling_on_sc=False, needs_layout_passes=False),
    scratch_types=(
        pltpu.VMEM((2 * HT2,), jnp.int32),
        pltpu.VMEM((2 * HT2,), jnp.int32),
        pltpu.VMEM((2 * NCH2, K), jnp.int32),
        pltpu.VMEM((NCH2, K), jnp.int32),
        pltpu.VMEM((32,), jnp.int32),
        pltpu.VMEM((K, DH), jnp.bfloat16),
        pltpu.VMEM((K, DH), jnp.bfloat16),
        pltpu.VMEM((K, 16), jnp.float32),
        pltpu.VMEM((K, 16), jnp.float32),
        pltpu.VMEM_SHARED((NPAD, DH), jnp.bfloat16),
        pltpu.VMEM_SHARED((NPAD, 16), jnp.float32),
        pltpu.SemaphoreType.DMA,
        pltpu.SemaphoreType.DMA,
        pltpu.SemaphoreType.DMA,
    ),
  )
  def _sc_scatter(ztab_hbm, e2_hbm, e3_hbm,
                  w_out, cnt_out,
                  e0_v, e1_v, gsrc_v, gdst_v, stg_v, rows0_v, rows1_v,
                  zero16_v, ones_v, w_sh, cnt_sh, sem0, sem1, semc):
      c = lax.axis_index("c")
      s = lax.axis_index("s")
      row0 = s * STRIPE
      iota = lax.iota(jnp.int32, 16)

      def _fill(ref, val):
          lanes = 32 if ref.dtype == jnp.bfloat16 else 16
          def body(i, carry):
              for k in range(ref.shape[1] // lanes):
                  ref[i, pl.ds(k * lanes, lanes)] = jnp.full(
                      (lanes,), val, ref.dtype)
              return carry
          lax.fori_loop(0, ref.shape[0], body, 0)

      _fill(zero16_v, 0.0)
      _fill(ones_v, 1.0)

      def _zero_acc():
          _fill(rows0_v, 0.0)
          for p in range(STRIPE // K):
              pltpu.sync_copy(rows0_v, w_sh.at[pl.ds(row0 + p * K, K)])
              pltpu.sync_copy(zero16_v, cnt_sh.at[pl.ds(row0 + p * K, K)])

      _zero_acc()
      plsc.subcore_barrier()

      for rel, (e_hbm, ht, nch, arity, hreal, tab0) in enumerate((
              (e2_hbm, HT2, NCH2, 2, H2, 0),
              (e3_hbm, HT3, NCH3, 3, H3, 2))):
          span = arity * ht
          with jax.named_scope(f"spanload{rel}"):
              pltpu.sync_copy(e_hbm.at[0, pl.ds(s * span, span)],
                              e0_v.at[pl.ds(0, span)])
              pltpu.sync_copy(e_hbm.at[1, pl.ds(s * span, span)],
                              e1_v.at[pl.ds(0, span)])
          masks = [(iota + 16 * u) % arity == t
                   for u in range(arity) for t in range(arity)]
          offs = [0] * (arity * arity)
          for t in range(arity):
              acc = 0
              for u in range(arity):
                  offs[u * arity + t] = acc
                  acc += sum(1 for l in range(16) if (16 * u + l) % arity == t)

          def _build(w, carry):
              base = w * 16 * arity
              row = w // 8
              col = 16 * (w % 8)
              vs = [e0_v[pl.ds(base + 16 * u, 16)] for u in range(arity)]
              ws = [e1_v[pl.ds(base + 16 * u, 16)] for u in range(arity)]
              for t in range(arity):
                  for u in range(arity):
                      plsc.store_compressed(
                          stg_v.at[pl.ds(offs[u * arity + t], 16)],
                          jnp.minimum(vs[u], N - 1),
                          mask=masks[u * arity + t])
                  gsrc_v[t * nch + row, pl.ds(col, 16)] = stg_v[pl.ds(0, 16)]
              for u in range(arity):
                  plsc.store_compressed(stg_v.at[pl.ds(offs[u * arity], 16)],
                                        ws[u], mask=masks[u * arity])
              dv = stg_v[pl.ds(0, 16)]
              dv = jnp.where(dv == N, N + col + iota, dv)
              gdst_v[row, pl.ds(col, 16)] = dv
              return carry

          with jax.named_scope(f"build{rel}"):
              lax.fori_loop(0, ht // 16, _build, 0)

          for t in range(arity):
              zt = ztab_hbm.at[tab0 + t].at[c]
              toff = t * nch
              pltpu.async_copy(zt.at[gsrc_v.at[toff]], rows0_v, sem0)

              def _pair(g, carry):
                  j0 = 2 * g
                  if t == 0:
                      @pl.when(c == rel)
                      def _():
                          pltpu.async_copy(ones_v, cnt_sh.at[gdst_v.at[j0]],
                                           semc, add=True)
                          pltpu.async_copy(ones_v,
                                           cnt_sh.at[gdst_v.at[j0 + 1]],
                                           semc, add=True)

                  cp1 = pltpu.async_copy(zt.at[gsrc_v.at[toff + j0 + 1]],
                                         rows1_v, sem1)
                  pltpu.make_async_copy(zt.at[pl.ds(0, K)], rows0_v,
                                        sem0).wait()
                  pltpu.sync_copy(rows0_v, w_sh.at[gdst_v.at[j0]], add=True)

                  @pl.when(j0 + 2 < nch)
                  def _():
                      pltpu.async_copy(zt.at[gsrc_v.at[toff + j0 + 2]],
                                       rows0_v, sem0)

                  cp1.wait()
                  pltpu.sync_copy(rows1_v, w_sh.at[gdst_v.at[j0 + 1]],
                                  add=True)

                  if t == 0:
                      @pl.when(c == rel)
                      def _():
                          pltpu.make_async_copy(ones_v,
                                                cnt_sh.at[pl.ds(0, K)],
                                                semc).wait()
                          pltpu.make_async_copy(ones_v,
                                                cnt_sh.at[pl.ds(0, K)],
                                                semc).wait()
                  return carry

              with jax.named_scope(f"stream{rel}_{t}"):
                  lax.fori_loop(0, nch // 2, _pair, 0)

          plsc.subcore_barrier()
          pltpu.sync_copy(
              w_sh.at[pl.ds(row0, STRIPE)],
              w_out.at[rel, pl.ds(row0, STRIPE), pl.ds(c * DH, DH)])

          @pl.when(c == rel)
          def _():
              pltpu.sync_copy(cnt_sh.at[pl.ds(row0, STRIPE)],
                              cnt_out.at[rel, pl.ds(row0, STRIPE)])

          if rel == 0:
              _zero_acc()
              plsc.subcore_barrier()

  return _sc_scatter


def _final_body(x_ref, w_ref, cnt_ref, cw_ref, cb_ref, o_ref):
    xb = x_ref[...]
    c2 = cnt_ref[0][:, 0]
    c3 = cnt_ref[1][:, 0]
    r2 = jnp.where(c2 > 0, 1.0 / c2, 0.0)
    r3 = jnp.where(c3 > 0, 1.0 / c3, 0.0)
    wf = w_ref[...].astype(jnp.float32)
    agg = r2[:, None] * wf[0] + r3[:, None] * wf[1]
    h = lax.dot_general(xb, cw_ref[...], (((1,), (1,)), ((), ())),
                        preferred_element_type=jnp.float32)
    o_ref[...] = h + cb_ref[...] + agg


_final_kernel = pl.pallas_call(
    _final_body,
    grid=(N // BLK,),
    in_specs=[
        pl.BlockSpec((BLK, D), lambda i: (i, 0)),
        pl.BlockSpec((2, BLK, D), lambda i: (0, i, 0)),
        pl.BlockSpec((2, BLK, 16), lambda i: (0, i, 0)),
        pl.BlockSpec((D, D), lambda i: (0, 0)),
        pl.BlockSpec((1, D), lambda i: (0, 0)),
    ],
    out_specs=pl.BlockSpec((BLK, D), lambda i: (i, 0)),
    out_shape=jax.ShapeDtypeStruct((N, D), jnp.float32),
)


def kernel(x, edge_index_rel2, edge_index_rel3, A_rel2, A_rel3, C_w, C_b):
    z, = _z_kernel(x, A_rel2, A_rel3)
    e2p = jnp.pad(edge_index_rel2, ((0, 0), (0, E2P - 2 * H2)),
                  constant_values=N)
    e3p = jnp.pad(edge_index_rel3, ((0, 0), (0, E3P - 3 * H3)),
                  constant_values=N)
    w, cnt = _get_sc_scatter()(z, e2p, e3p)
    return _final_kernel(x, w, cnt, C_w, C_b.reshape(1, D))

# --- scband reference (transcript-rebuilt; emitter-appended) ---
"""Pipeline reference for scband-hgnnlayer-19868518711903 (READ-ONLY COPY).

The authoritative reference and input builder live on the scoring server;
editing this copy changes nothing except your own understanding.
"""

import jax, jax.numpy as jnp
import numpy as np

N = 10000
D_IN = 128
D_OUT = 128
E2 = 200000  # arity-2 relation: 100000 hyperedges
E3 = 120000  # arity-3 relation: 40000 hyperedges


def setup_inputs(seed: int = 0) -> dict:
    key = jax.random.key(seed)
    ks = jax.random.split(key, 8)
    x = jax.random.normal(ks[0], (N, D_IN), dtype=jnp.float32)
    edge_index_rel2 = jax.random.randint(ks[1], (2, E2), 0, N, dtype=jnp.int32)
    edge_index_rel3 = jax.random.randint(ks[2], (2, E3), 0, N, dtype=jnp.int32)
    # Hyperedge message weights A[edge]: [input_dim * arity, output_dim]
    std2 = float(np.sqrt(2.0 / (1 * D_IN * 2 + 1 * D_OUT)))
    std3 = float(np.sqrt(2.0 / (1 * D_IN * 3 + 1 * D_OUT)))
    A_rel2 = jax.random.normal(ks[3], (D_IN * 2, D_OUT), dtype=jnp.float32) * std2
    A_rel3 = jax.random.normal(ks[4], (D_IN * 3, D_OUT), dtype=jnp.float32) * std3
    # Self/root linear C: weight [D_OUT, D_IN], bias [D_OUT]
    C_w = jax.random.normal(ks[5], (D_OUT, D_IN), dtype=jnp.float32) * float(np.sqrt(1.0 / D_IN))
    C_b = jax.random.normal(ks[6], (D_OUT,), dtype=jnp.float32) * 0.01
    return {
        'x': x,
        'edge_index_rel2': edge_index_rel2,
        'edge_index_rel3': edge_index_rel3,
        'A_rel2': A_rel2,
        'A_rel3': A_rel3,
        'C_w': C_w,
        'C_b': C_b,
    }


def reference(x, edge_index_rel2, edge_index_rel3, A_rel2, A_rel3, C_w, C_b):
    msgs_list = []
    dest_list = []
    for eidx, A, arity in ((edge_index_rel2, A_rel2, 2), (edge_index_rel3, A_rel3, 3)):
        # destination node = first slot of each hyperedge's dst row
        i = eidx[1].reshape(-1, arity)[:, 0]
        # gather source features and flatten per hyperedge
        tmp = x[eidx[0]]                      # [E_type, D_IN]
        tmp = tmp.reshape(-1, D_IN * arity)   # [n_hyperedges, D_IN*arity]
        tmp = tmp @ A                         # [n_hyperedges, D_OUT]
        # normalization: 1 / (#hyperedges landing on same dest)
        counts = jnp.bincount(i, length=N)    # counts per node id
        norm = 1.0 / counts[i].astype(jnp.float32)
        tmp = norm[:, None] * tmp
        msgs_list.append(tmp)
        dest_list.append(i)
    msgs = jnp.concatenate(msgs_list, axis=0)
    dest = jnp.concatenate(dest_list, axis=0)
    agg = jnp.zeros((N, D_OUT), dtype=jnp.float32).at[dest].add(msgs)
    h = x @ C_w.T + C_b + agg
    return h

if __name__ == "__main__":
    import jax
    _d = setup_inputs()
    print(jax.jit(kernel)(*tuple(_d.values())))

</pallas_src>

<mosaic_0001>
#map = affine_map<(d0, d1) -> (0, 0, 0, 0)>
#map1 = affine_map<(d0, d1) -> (0, 0)>
#map2 = affine_map<(d0, d1) -> (0, 0, 0)>
module attributes {stable_mosaic.version = 14 : i64} {
  func.func @_sc_scatter(%arg0: i32, %arg1: i32, %arg2: memref<5x2x10000x64xbf16, #tpu.memory_space<hbm>>, %arg3: memref<2x204800xi32, #tpu.memory_space<hbm>>, %arg4: memref<2x122880xi32, #tpu.memory_space<hbm>>, %arg5: memref<2x10240x128xbf16, #tpu.memory_space<hbm>>, %arg6: memref<2x10240x16xf32, #tpu.memory_space<hbm>>, %arg7: memref<12800xi32, #tpu.memory_space<vmem>>, %arg8: memref<12800xi32, #tpu.memory_space<vmem>>, %arg9: memref<100x128xi32, #tpu.memory_space<vmem>>, %arg10: memref<50x128xi32, #tpu.memory_space<vmem>>, %arg11: memref<32xi32, #tpu.memory_space<vmem>>, %arg12: memref<128x64xbf16, #tpu.memory_space<vmem>>, %arg13: memref<128x64xbf16, #tpu.memory_space<vmem>>, %arg14: memref<128x16xf32, #tpu.memory_space<vmem>>, %arg15: memref<128x16xf32, #tpu.memory_space<vmem>>, %arg16: memref<10240x64xbf16, #tpu.memory_space<vmem_shared>>, %arg17: memref<10240x16xf32, #tpu.memory_space<vmem_shared>>, %arg18: memref<!tpu.dma_semaphore, #tpu.memory_space<semaphore_mem>>, %arg19: memref<!tpu.dma_semaphore, #tpu.memory_space<semaphore_mem>>, %arg20: memref<!tpu.dma_semaphore, #tpu.memory_space<semaphore_mem>>) attributes {dimension_semantics = [#tpu.dimension_semantics<core_parallel>, #tpu.dimension_semantics<subcore_parallel>], iteration_bounds = array<i64: 2, 16>, scalar_prefetch = 0 : i64, scratch_operands = 14 : i64, tpu.core_type = #tpu.core_type<sc_vector_subcore>, window_params = [{transform_indices = #map}, {transform_indices = #map1}, {transform_indices = #map1}, {transform_indices = #map2}, {transform_indices = #map2}]} {
    %mul3A = arith.constant 640 : i32
    %mul3A_0 = arith.muli %arg1, %mul3A : i32
    %iota3A = tpu.iota {dimensions = array<i32: 0>} : vector<16xi32>
    %scan3A = arith.constant 0 : i32
    %scan3A_1 = arith.constant 0 : i32
    %scan3A_2 = arith.constant 128 : i32
    %scan3A_3 = arith.addi %scan3A_1, %scan3A_2 : i32
    %scan3A_4 = arith.constant 1 : i32
    scf.for %scan3A_579 = %scan3A_1 to %scan3A_3 step %scan3A_4  : i32 {
      %broadcast_in_dim3A = arith.constant 0.000000e+00 : f32
      %broadcast_in_dim3A_580 = vector.broadcast %broadcast_in_dim3A : f32 to vector<16xf32>
      %swap3A = arith.index_cast %scan3A_579 : i32 to index
      %swap3A_581 = arith.constant 0 : index
      %swap3A_582 = tpu.vector_load %arg14[%swap3A, %swap3A_581] {strides = array<i32>} : memref<128x16xf32, #tpu.memory_space<vmem>>, vector<16xf32>,
      tpu.vector_store %arg14[%swap3A, %swap3A_581], %broadcast_in_dim3A_580 {strides = array<i32>} : memref<128x16xf32, #tpu.memory_space<vmem>>, vector<16xf32>,
    }
    %scan3A_5 = arith.constant 128 : i32
    %scan3A_6 = arith.constant 0 : i32
    %scan3A_7 = arith.constant 0 : i32
    %scan3A_8 = arith.constant 128 : i32
    %scan3A_9 = arith.addi %scan3A_7, %scan3A_8 : i32
    %scan3A_10 = arith.constant 1 : i32
    scf.for %scan3A_579 = %scan3A_7 to %scan3A_9 step %scan3A_10  : i32 {
      %broadcast_in_dim3A = arith.constant 1.000000e+00 : f32
      %broadcast_in_dim3A_580 = vector.broadcast %broadcast_in_dim3A : f32 to vector<16xf32>
      %swap3A = arith.index_cast %scan3A_579 : i32 to index
      %swap3A_581 = arith.constant 0 : index
      %swap3A_582 = tpu.vector_load %arg15[%swap3A, %swap3A_581] {strides = array<i32>} : memref<128x16xf32, #tpu.memory_space<vmem>>, vector<16xf32>,
      tpu.vector_store %arg15[%swap3A, %swap3A_581], %broadcast_in_dim3A_580 {strides = array<i32>} : memref<128x16xf32, #tpu.memory_space<vmem>>, vector<16xf32>,
    }
    %scan3A_11 = arith.constant 128 : i32
    %scan3A_12 = arith.constant 0 : i32
    %scan3A_13 = arith.constant 0 : i32
    %scan3A_14 = arith.constant 128 : i32
    %scan3A_15 = arith.addi %scan3A_13, %scan3A_14 : i32
    %scan3A_16 = arith.constant 1 : i32
    scf.for %scan3A_579 = %scan3A_13 to %scan3A_15 step %scan3A_16  : i32 {
      %broadcast_in_dim3A = arith.constant 0.000000e+00 : bf16
      %broadcast_in_dim3A_580 = vector.broadcast %broadcast_in_dim3A : bf16 to vector<32xbf16>
      %swap3A = arith.index_cast %scan3A_579 : i32 to index
      %swap3A_581 = arith.constant 0 : index
      %swap3A_582 = tpu.vector_load %arg12[%swap3A, %swap3A_581] {strides = array<i32>} : memref<128x64xbf16, #tpu.memory_space<vmem>>, vector<32xbf16>,
      tpu.vector_store %arg12[%swap3A, %swap3A_581], %broadcast_in_dim3A_580 {strides = array<i32>} : memref<128x64xbf16, #tpu.memory_space<vmem>>, vector<32xbf16>,
      %broadcast_in_dim3A_583 = arith.constant 0.000000e+00 : bf16
      %broadcast_in_dim3A_584 = vector.broadcast %broadcast_in_dim3A_583 : bf16 to vector<32xbf16>
      %swap3A_585 = arith.index_cast %scan3A_579 : i32 to index
      %swap3A_586 = arith.constant 32 : index
      %swap3A_587 = tpu.vector_load %arg12[%swap3A_585, %swap3A_586] {strides = array<i32>} : memref<128x64xbf16, #tpu.memory_space<vmem>>, vector<32xbf16>,
      tpu.vector_store %arg12[%swap3A_585, %swap3A_586], %broadcast_in_dim3A_584 {strides = array<i32>} : memref<128x64xbf16, #tpu.memory_space<vmem>>, vector<32xbf16>,
    }
    %scan3A_17 = arith.constant 128 : i32
    %add3A = arith.constant 0 : i32
    %add3A_18 = arith.addi %mul3A_0, %add3A : i32
    "tpu.region"() ({
      %run_scoped3A_579 = tpu.sem_alloc : memref<!tpu.dma_semaphore, #tpu.memory_space<semaphore_mem>>
      %dma_start3A_580 = arith.constant 0 : i32
      %dma_start3A_581 = tpu.memref_slice %arg16[%add3A_18, %dma_start3A_580] : memref<10240x64xbf16, #tpu.memory_space<vmem_shared>> -> memref<128x64xbf16, #tpu.memory_space<vmem_shared>>
      %dma_start3A_582 = arith.constant 0 : i32
      %dma_start3A_583 = tpu.memref_slice %arg16[%add3A_18, %dma_start3A_582] : memref<10240x64xbf16, #tpu.memory_space<vmem_shared>> -> memref<128x64xbf16, #tpu.memory_space<vmem_shared>>
      tpu.enqueue_dma source(%arg12 : memref<128x64xbf16, #tpu.memory_space<vmem>>) target(%dma_start3A_583 : memref<128x64xbf16, #tpu.memory_space<vmem_shared>>) target_semaphore(%run_scoped3A_579 : memref<!tpu.dma_semaphore, #tpu.memory_space<semaphore_mem>>)
      %dma_wait3A = arith.constant 0 : i32
      %dma_wait3A_584 = tpu.memref_slice %arg16[%add3A_18, %dma_wait3A] : memref<10240x64xbf16, #tpu.memory_space<vmem_shared>> -> memref<128x64xbf16, #tpu.memory_space<vmem_shared>>
      %dma_wait3A_585 = arith.constant 0 : i32
      %dma_wait3A_586 = tpu.memref_slice %arg16[%add3A_18, %dma_wait3A_585] : memref<10240x64xbf16, #tpu.memory_space<vmem_shared>> -> memref<128x64xbf16, #tpu.memory_space<vmem_shared>>
      tpu.wait_dma2 semaphore(%run_scoped3A_579 : memref<!tpu.dma_semaphore, #tpu.memory_space<semaphore_mem>>) src(%arg12 : memref<128x64xbf16, #tpu.memory_space<vmem>>) dst(%dma_wait3A_586 : memref<128x64xbf16, #tpu.memory_space<vmem_shared>>)
      tpu.yield
    }) : () -> ()
    %add3A_19 = arith.constant 0 : i32
    %add3A_20 = arith.addi %mul3A_0, %add3A_19 : i32
    "tpu.region"() ({
      %run_scoped3A_579 = tpu.sem_alloc : memref<!tpu.dma_semaphore, #tpu.memory_space<semaphore_mem>>
      %dma_start3A_580 = arith.constant 0 : i32
      %dma_start3A_581 = tpu.memref_slice %arg17[%add3A_20, %dma_start3A_580] : memref<10240x16xf32, #tpu.memory_space<vmem_shared>> -> memref<128x16xf32, #tpu.memory_space<vmem_shared>>
      %dma_start3A_582 = arith.constant 0 : i32
      %dma_start3A_583 = tpu.memref_slice %arg17[%add3A_20, %dma_start3A_582] : memref<10240x16xf32, #tpu.memory_space<vmem_shared>> -> memref<128x16xf32, #tpu.memory_space<vmem_shared>>
      tpu.enqueue_dma source(%arg14 : memref<128x16xf32, #tpu.memory_space<vmem>>) target(%dma_start3A_583 : memref<128x16xf32, #tpu.memory_space<vmem_shared>>) target_semaphore(%run_scoped3A_579 : memref<!tpu.dma_semaphore, #tpu.memory_space<semaphore_mem>>)
      %dma_wait3A = arith.constant 0 : i32
      %dma_wait3A_584 = tpu.memref_slice %arg17[%add3A_20, %dma_wait3A] : memref<10240x16xf32, #tpu.memory_space<vmem_shared>> -> memref<128x16xf32, #tpu.memory_space<vmem_shared>>
      %dma_wait3A_585 = arith.constant 0 : i32
      %dma_wait3A_586 = tpu.memref_slice %arg17[%add3A_20, %dma_wait3A_585] : memref<10240x16xf32, #tpu.memory_space<vmem_shared>> -> memref<128x16xf32, #tpu.memory_space<vmem_shared>>
      tpu.wait_dma2 semaphore(%run_scoped3A_579 : memref<!tpu.dma_semaphore, #tpu.memory_space<semaphore_mem>>) src(%arg14 : memref<128x16xf32, #tpu.memory_space<vmem>>) dst(%dma_wait3A_586 : memref<128x16xf32, #tpu.memory_space<vmem_shared>>)
      tpu.yield
    }) : () -> ()
    %add3A_21 = arith.constant 128 : i32
    %add3A_22 = arith.addi %mul3A_0, %add3A_21 : i32
    "tpu.region"() ({
      %run_scoped3A_579 = tpu.sem_alloc : memref<!tpu.dma_semaphore, #tpu.memory_space<semaphore_mem>>
      %dma_start3A_580 = arith.constant 0 : i32
      %dma_start3A_581 = tpu.memref_slice %arg16[%add3A_22, %dma_start3A_580] : memref<10240x64xbf16, #tpu.memory_space<vmem_shared>> -> memref<128x64xbf16, #tpu.memory_space<vmem_shared>>
      %dma_start3A_582 = arith.constant 0 : i32
      %dma_start3A_583 = tpu.memref_slice %arg16[%add3A_22, %dma_start3A_582] : memref<10240x64xbf16, #tpu.memory_space<vmem_shared>> -> memref<128x64xbf16, #tpu.memory_space<vmem_shared>>
      tpu.enqueue_dma source(%arg12 : memref<128x64xbf16, #tpu.memory_space<vmem>>) target(%dma_start3A_583 : memref<128x64xbf16, #tpu.memory_space<vmem_shared>>) target_semaphore(%run_scoped3A_579 : memref<!tpu.dma_semaphore, #tpu.memory_space<semaphore_mem>>)
      %dma_wait3A = arith.constant 0 : i32
      %dma_wait3A_584 = tpu.memref_slice %arg16[%add3A_22, %dma_wait3A] : memref<10240x64xbf16, #tpu.memory_space<vmem_shared>> -> memref<128x64xbf16, #tpu.memory_space<vmem_shared>>
      %dma_wait3A_585 = arith.constant 0 : i32
      %dma_wait3A_586 = tpu.memref_slice %arg16[%add3A_22, %dma_wait3A_585] : memref<10240x64xbf16, #tpu.memory_space<vmem_shared>> -> memref<128x64xbf16, #tpu.memory_space<vmem_shared>>
      tpu.wait_dma2 semaphore(%run_scoped3A_579 : memref<!tpu.dma_semaphore, #tpu.memory_space<semaphore_mem>>) src(%arg12 : memref<128x64xbf16, #tpu.memory_space<vmem>>) dst(%dma_wait3A_586 : memref<128x64xbf16, #tpu.memory_space<vmem_shared>>)
      tpu.yield
    }) : () -> ()
    %add3A_23 = arith.constant 128 : i32
    %add3A_24 = arith.addi %mul3A_0, %add3A_23 : i32
    "tpu.region"() ({
      %run_scoped3A_579 = tpu.sem_alloc : memref<!tpu.dma_semaphore, #tpu.memory_space<semaphore_mem>>
      %dma_start3A_580 = arith.constant 0 : i32
      %dma_start3A_581 = tpu.memref_slice %arg17[%add3A_24, %dma_start3A_580] : memref<10240x16xf32, #tpu.memory_space<vmem_shared>> -> memref<128x16xf32, #tpu.memory_space<vmem_shared>>
      %dma_start3A_582 = arith.constant 0 : i32
      %dma_start3A_583 = tpu.memref_slice %arg17[%add3A_24, %dma_start3A_582] : memref<10240x16xf32, #tpu.memory_space<vmem_shared>> -> memref<128x16xf32, #tpu.memory_space<vmem_shared>>
      tpu.enqueue_dma source(%arg14 : memref<128x16xf32, #tpu.memory_space<vmem>>) target(%dma_start3A_583 : memref<128x16xf32, #tpu.memory_space<vmem_shared>>) target_semaphore(%run_scoped3A_579 : memref<!tpu.dma_semaphore, #tpu.memory_space<semaphore_mem>>)
      %dma_wait3A = arith.constant 0 : i32
      %dma_wait3A_584 = tpu.memref_slice %arg17[%add3A_24, %dma_wait3A] : memref<10240x16xf32, #tpu.memory_space<vmem_shared>> -> memref<128x16xf32, #tpu.memory_space<vmem_shared>>
      %dma_wait3A_585 = arith.constant 0 : i32
      %dma_wait3A_586 = tpu.memref_slice %arg17[%add3A_24, %dma_wait3A_585] : memref<10240x16xf32, #tpu.memory_space<vmem_shared>> -> memref<128x16xf32, #tpu.memory_space<vmem_shared>>
      tpu.wait_dma2 semaphore(%run_scoped3A_579 : memref<!tpu.dma_semaphore, #tpu.memory_space<semaphore_mem>>) src(%arg14 : memref<128x16xf32, #tpu.memory_space<vmem>>) dst(%dma_wait3A_586 : memref<128x16xf32, #tpu.memory_space<vmem_shared>>)
      tpu.yield
    }) : () -> ()
    %add3A_25 = arith.constant 256 : i32
    %add3A_26 = arith.addi %mul3A_0, %add3A_25 : i32
    "tpu.region"() ({
      %run_scoped3A_579 = tpu.sem_alloc : memref<!tpu.dma_semaphore, #tpu.memory_space<semaphore_mem>>
      %dma_start3A_580 = arith.constant 0 : i32
      %dma_start3A_581 = tpu.memref_slice %arg16[%add3A_26, %dma_start3A_580] : memref<10240x64xbf16, #tpu.memory_space<vmem_shared>> -> memref<128x64xbf16, #tpu.memory_space<vmem_shared>>
      %dma_start3A_582 = arith.constant 0 : i32
      %dma_start3A_583 = tpu.memref_slice %arg16[%add3A_26, %dma_start3A_582] : memref<10240x64xbf16, #tpu.memory_space<vmem_shared>> -> memref<128x64xbf16, #tpu.memory_space<vmem_shared>>
      tpu.enqueue_dma source(%arg12 : memref<128x64xbf16, #tpu.memory_space<vmem>>) target(%dma_start3A_583 : memref<128x64xbf16, #tpu.memory_space<vmem_shared>>) target_semaphore(%run_scoped3A_579 : memref<!tpu.dma_semaphore, #tpu.memory_space<semaphore_mem>>)
      %dma_wait3A = arith.constant 0 : i32
      %dma_wait3A_584 = tpu.memref_slice %arg16[%add3A_26, %dma_wait3A] : memref<10240x64xbf16, #tpu.memory_space<vmem_shared>> -> memref<128x64xbf16, #tpu.memory_space<vmem_shared>>
      %dma_wait3A_585 = arith.constant 0 : i32
      %dma_wait3A_586 = tpu.memref_slice %arg16[%add3A_26, %dma_wait3A_585] : memref<10240x64xbf16, #tpu.memory_space<vmem_shared>> -> memref<128x64xbf16, #tpu.memory_space<vmem_shared>>
      tpu.wait_dma2 semaphore(%run_scoped3A_579 : memref<!tpu.dma_semaphore, #tpu.memory_space<semaphore_mem>>) src(%arg12 : memref<128x64xbf16, #tpu.memory_space<vmem>>) dst(%dma_wait3A_586 : memref<128x64xbf16, #tpu.memory_space<vmem_shared>>)
      tpu.yield
    }) : () -> ()
    %add3A_27 = arith.constant 256 : i32
    %add3A_28 = arith.addi %mul3A_0, %add3A_27 : i32
    "tpu.region"() ({
      %run_scoped3A_579 = tpu.sem_alloc : memref<!tpu.dma_semaphore, #tpu.memory_space<semaphore_mem>>
      %dma_start3A_580 = arith.constant 0 : i32
      %dma_start3A_581 = tpu.memref_slice %arg17[%add3A_28, %dma_start3A_580] : memref<10240x16xf32, #tpu.memory_space<vmem_shared>> -> memref<128x16xf32, #tpu.memory_space<vmem_shared>>
      %dma_start3A_582 = arith.constant 0 : i32
      %dma_start3A_583 = tpu.memref_slice %arg17[%add3A_28, %dma_start3A_582] : memref<10240x16xf32, #tpu.memory_space<vmem_shared>> -> memref<128x16xf32, #tpu.memory_space<vmem_shared>>
      tpu.enqueue_dma source(%arg14 : memref<128x16xf32, #tpu.memory_space<vmem>>) target(%dma_start3A_583 : memref<128x16xf32, #tpu.memory_space<vmem_shared>>) target_semaphore(%run_scoped3A_579 : memref<!tpu.dma_semaphore, #tpu.memory_space<semaphore_mem>>)
      %dma_wait3A = arith.constant 0 : i32
      %dma_wait3A_584 = tpu.memref_slice %arg17[%add3A_28, %dma_wait3A] : memref<10240x16xf32, #tpu.memory_space<vmem_shared>> -> memref<128x16xf32, #tpu.memory_space<vmem_shared>>
      %dma_wait3A_585 = arith.constant 0 : i32
      %dma_wait3A_586 = tpu.memref_slice %arg17[%add3A_28, %dma_wait3A_585] : memref<10240x16xf32, #tpu.memory_space<vmem_shared>> -> memref<128x16xf32, #tpu.memory_space<vmem_shared>>
      tpu.wait_dma2 semaphore(%run_scoped3A_579 : memref<!tpu.dma_semaphore, #tpu.memory_space<semaphore_mem>>) src(%arg14 : memref<128x16xf32, #tpu.memory_space<vmem>>) dst(%dma_wait3A_586 : memref<128x16xf32, #tpu.memory_space<vmem_shared>>)
      tpu.yield
    }) : () -> ()
    %add3A_29 = arith.constant 384 : i32
    %add3A_30 = arith.addi %mul3A_0, %add3A_29 : i32
    "tpu.region"() ({
      %run_scoped3A_579 = tpu.sem_alloc : memref<!tpu.dma_semaphore, #tpu.memory_space<semaphore_mem>>
      %dma_start3A_580 = arith.constant 0 : i32
      %dma_start3A_581 = tpu.memref_slice %arg16[%add3A_30, %dma_start3A_580] : memref<10240x64xbf16, #tpu.memory_space<vmem_shared>> -> memref<128x64xbf16, #tpu.memory_space<vmem_shared>>
      %dma_start3A_582 = arith.constant 0 : i32
      %dma_start3A_583 = tpu.memref_slice %arg16[%add3A_30, %dma_start3A_582] : memref<10240x64xbf16, #tpu.memory_space<vmem_shared>> -> memref<128x64xbf16, #tpu.memory_space<vmem_shared>>
      tpu.enqueue_dma source(%arg12 : memref<128x64xbf16, #tpu.memory_space<vmem>>) target(%dma_start3A_583 : memref<128x64xbf16, #tpu.memory_space<vmem_shared>>) target_semaphore(%run_scoped3A_579 : memref<!tpu.dma_semaphore, #tpu.memory_space<semaphore_mem>>)
      %dma_wait3A = arith.constant 0 : i32
      %dma_wait3A_584 = tpu.memref_slice %arg16[%add3A_30, %dma_wait3A] : memref<10240x64xbf16, #tpu.memory_space<vmem_shared>> -> memref<128x64xbf16, #tpu.memory_space<vmem_shared>>
      %dma_wait3A_585 = arith.constant 0 : i32
      %dma_wait3A_586 = tpu.memref_slice %arg16[%add3A_30, %dma_wait3A_585] : memref<10240x64xbf16, #tpu.memory_space<vmem_shared>> -> memref<128x64xbf16, #tpu.memory_space<vmem_shared>>
      tpu.wait_dma2 semaphore(%run_scoped3A_579 : memref<!tpu.dma_semaphore, #tpu.memory_space<semaphore_mem>>) src(%arg12 : memref<128x64xbf16, #tpu.memory_space<vmem>>) dst(%dma_wait3A_586 : memref<128x64xbf16, #tpu.memory_space<vmem_shared>>)
      tpu.yield
    }) : () -> ()
    %add3A_31 = arith.constant 384 : i32
    %add3A_32 = arith.addi %mul3A_0, %add3A_31 : i32
    "tpu.region"() ({
      %run_scoped3A_579 = tpu.sem_alloc : memref<!tpu.dma_semaphore, #tpu.memory_space<semaphore_mem>>
      %dma_start3A_580 = arith.constant 0 : i32
      %dma_start3A_581 = tpu.memref_slice %arg17[%add3A_32, %dma_start3A_580] : memref<10240x16xf32, #tpu.memory_space<vmem_shared>> -> memref<128x16xf32, #tpu.memory_space<vmem_shared>>
      %dma_start3A_582 = arith.constant 0 : i32
      %dma_start3A_583 = tpu.memref_slice %arg17[%add3A_32, %dma_start3A_582] : memref<10240x16xf32, #tpu.memory_space<vmem_shared>> -> memref<128x16xf32, #tpu.memory_space<vmem_shared>>
      tpu.enqueue_dma source(%arg14 : memref<128x16xf32, #tpu.memory_space<vmem>>) target(%dma_start3A_583 : memref<128x16xf32, #tpu.memory_space<vmem_shared>>) target_semaphore(%run_scoped3A_579 : memref<!tpu.dma_semaphore, #tpu.memory_space<semaphore_mem>>)
      %dma_wait3A = arith.constant 0 : i32
      %dma_wait3A_584 = tpu.memref_slice %arg17[%add3A_32, %dma_wait3A] : memref<10240x16xf32, #tpu.memory_space<vmem_shared>> -> memref<128x16xf32, #tpu.memory_space<vmem_shared>>
      %dma_wait3A_585 = arith.constant 0 : i32
      %dma_wait3A_586 = tpu.memref_slice %arg17[%add3A_32, %dma_wait3A_585] : memref<10240x16xf32, #tpu.memory_space<vmem_shared>> -> memref<128x16xf32, #tpu.memory_space<vmem_shared>>
      tpu.wait_dma2 semaphore(%run_scoped3A_579 : memref<!tpu.dma_semaphore, #tpu.memory_space<semaphore_mem>>) src(%arg14 : memref<128x16xf32, #tpu.memory_space<vmem>>) dst(%dma_wait3A_586 : memref<128x16xf32, #tpu.memory_space<vmem_shared>>)
      tpu.yield
    }) : () -> ()
    %add3A_33 = arith.constant 512 : i32
    %add3A_34 = arith.addi %mul3A_0, %add3A_33 : i32
    "tpu.region"() ({
      %run_scoped3A_579 = tpu.sem_alloc : memref<!tpu.dma_semaphore, #tpu.memory_space<semaphore_mem>>
      %dma_start3A_580 = arith.constant 0 : i32
      %dma_start3A_581 = tpu.memref_slice %arg16[%add3A_34, %dma_start3A_580] : memref<10240x64xbf16, #tpu.memory_space<vmem_shared>> -> memref<128x64xbf16, #tpu.memory_space<vmem_shared>>
      %dma_start3A_582 = arith.constant 0 : i32
      %dma_start3A_583 = tpu.memref_slice %arg16[%add3A_34, %dma_start3A_582] : memref<10240x64xbf16, #tpu.memory_space<vmem_shared>> -> memref<128x64xbf16, #tpu.memory_space<vmem_shared>>
      tpu.enqueue_dma source(%arg12 : memref<128x64xbf16, #tpu.memory_space<vmem>>) target(%dma_start3A_583 : memref<128x64xbf16, #tpu.memory_space<vmem_shared>>) target_semaphore(%run_scoped3A_579 : memref<!tpu.dma_semaphore, #tpu.memory_space<semaphore_mem>>)
      %dma_wait3A = arith.constant 0 : i32
      %dma_wait3A_584 = tpu.memref_slice %arg16[%add3A_34, %dma_wait3A] : memref<10240x64xbf16, #tpu.memory_space<vmem_shared>> -> memref<128x64xbf16, #tpu.memory_space<vmem_shared>>
      %dma_wait3A_585 = arith.constant 0 : i32
      %dma_wait3A_586 = tpu.memref_slice %arg16[%add3A_34, %dma_wait3A_585] : memref<10240x64xbf16, #tpu.memory_space<vmem_shared>> -> memref<128x64xbf16, #tpu.memory_space<vmem_shared>>
      tpu.wait_dma2 semaphore(%run_scoped3A_579 : memref<!tpu.dma_semaphore, #tpu.memory_space<semaphore_mem>>) src(%arg12 : memref<128x64xbf16, #tpu.memory_space<vmem>>) dst(%dma_wait3A_586 : memref<128x64xbf16, #tpu.memory_space<vmem_shared>>)
      tpu.yield
    }) : () -> ()
    %add3A_35 = arith.constant 512 : i32
    %add3A_36 = arith.addi %mul3A_0, %add3A_35 : i32
    "tpu.region"() ({
      %run_scoped3A_579 = tpu.sem_alloc : memref<!tpu.dma_semaphore, #tpu.memory_space<semaphore_mem>>
      %dma_start3A_580 = arith.constant 0 : i32
      %dma_start3A_581 = tpu.memref_slice %arg17[%add3A_36, %dma_start3A_580] : memref<10240x16xf32, #tpu.memory_space<vmem_shared>> -> memref<128x16xf32, #tpu.memory_space<vmem_shared>>
      %dma_start3A_582 = arith.constant 0 : i32
      %dma_start3A_583 = tpu.memref_slice %arg17[%add3A_36, %dma_start3A_582] : memref<10240x16xf32, #tpu.memory_space<vmem_shared>> -> memref<128x16xf32, #tpu.memory_space<vmem_shared>>
      tpu.enqueue_dma source(%arg14 : memref<128x16xf32, #tpu.memory_space<vmem>>) target(%dma_start3A_583 : memref<128x16xf32, #tpu.memory_space<vmem_shared>>) target_semaphore(%run_scoped3A_579 : memref<!tpu.dma_semaphore, #tpu.memory_space<semaphore_mem>>)
      %dma_wait3A = arith.constant 0 : i32
      %dma_wait3A_584 = tpu.memref_slice %arg17[%add3A_36, %dma_wait3A] : memref<10240x16xf32, #tpu.memory_space<vmem_shared>> -> memref<128x16xf32, #tpu.memory_space<vmem_shared>>
      %dma_wait3A_585 = arith.constant 0 : i32
      %dma_wait3A_586 = tpu.memref_slice %arg17[%add3A_36, %dma_wait3A_585] : memref<10240x16xf32, #tpu.memory_space<vmem_shared>> -> memref<128x16xf32, #tpu.memory_space<vmem_shared>>
      tpu.wait_dma2 semaphore(%run_scoped3A_579 : memref<!tpu.dma_semaphore, #tpu.memory_space<semaphore_mem>>) src(%arg14 : memref<128x16xf32, #tpu.memory_space<vmem>>) dst(%dma_wait3A_586 : memref<128x16xf32, #tpu.memory_space<vmem_shared>>)
      tpu.yield
    }) : () -> ()
    %barrier3A = arith.constant 0 : index
    tpu.barrier barrier_id(%barrier3A)
    "tpu.trace_start"() <{level = 10 : i32, message = "spanload0"}> : () -> ()
    %mul3A_37 = arith.constant 12800 : i32
    %mul3A_38 = arith.muli %arg1, %mul3A_37 : i32
    %run_scoped3A = arith.constant 0 : i32
    "tpu.region"() ({
      %run_scoped3A_579 = tpu.sem_alloc : memref<!tpu.dma_semaphore, #tpu.memory_space<semaphore_mem>>
      %dma_start3A_580 = arith.constant 0 : i32
      %dma_start3A_581 = tpu.memref_slice %arg7[%dma_start3A_580] : memref<12800xi32, #tpu.memory_space<vmem>> -> memref<12800xi32, #tpu.memory_space<vmem>>
      %dma_start3A_582 = tpu.memref_slice %arg3[%run_scoped3A, %mul3A_38] : memref<2x204800xi32, #tpu.memory_space<hbm>> -> memref<1x12800xi32, #tpu.memory_space<hbm>>
      %dma_start3A_583 = tpu.memref_squeeze %dma_start3A_582 : memref<1x12800xi32, #tpu.memory_space<hbm>> -> memref<12800xi32, #tpu.memory_space<hbm>>
      %dma_start3A_584 = arith.constant 0 : i32
      %dma_start3A_585 = tpu.memref_slice %arg7[%dma_start3A_584] : memref<12800xi32, #tpu.memory_space<vmem>> -> memref<12800xi32, #tpu.memory_space<vmem>>
      %dma_start3A_586 = tpu.memref_slice %arg3[%run_scoped3A, %mul3A_38] : memref<2x204800xi32, #tpu.memory_space<hbm>> -> memref<1x12800xi32, #tpu.memory_space<hbm>>
      %dma_start3A_587 = tpu.memref_squeeze %dma_start3A_586 : memref<1x12800xi32, #tpu.memory_space<hbm>> -> memref<12800xi32, #tpu.memory_space<hbm>>
      tpu.enqueue_dma source(%dma_start3A_587 : memref<12800xi32, #tpu.memory_space<hbm>>) target(%dma_start3A_585 : memref<12800xi32, #tpu.memory_space<vmem>>) target_semaphore(%run_scoped3A_579 : memref<!tpu.dma_semaphore, #tpu.memory_space<semaphore_mem>>)
      %dma_wait3A = arith.constant 0 : i32
      %dma_wait3A_588 = tpu.memref_slice %arg7[%dma_wait3A] : memref<12800xi32, #tpu.memory_space<vmem>> -> memref<12800xi32, #tpu.memory_space<vmem>>
      %dma_wait3A_589 = tpu.memref_slice %arg3[%run_scoped3A, %mul3A_38] : memref<2x204800xi32, #tpu.memory_space<hbm>> -> memref<1x12800xi32, #tpu.memory_space<hbm>>
      %dma_wait3A_590 = tpu.memref_squeeze %dma_wait3A_589 : memref<1x12800xi32, #tpu.memory_space<hbm>> -> memref<12800xi32, #tpu.memory_space<hbm>>
      %dma_wait3A_591 = arith.constant 0 : i32
      %dma_wait3A_592 = tpu.memref_slice %arg7[%dma_wait3A_591] : memref<12800xi32, #tpu.memory_space<vmem>> -> memref<12800xi32, #tpu.memory_space<vmem>>
      %dma_wait3A_593 = tpu.memref_slice %arg3[%run_scoped3A, %mul3A_38] : memref<2x204800xi32, #tpu.memory_space<hbm>> -> memref<1x12800xi32, #tpu.memory_space<hbm>>
      %dma_wait3A_594 = tpu.memref_squeeze %dma_wait3A_593 : memref<1x12800xi32, #tpu.memory_space<hbm>> -> memref<12800xi32, #tpu.memory_space<hbm>>
      tpu.wait_dma2 semaphore(%run_scoped3A_579 : memref<!tpu.dma_semaphore, #tpu.memory_space<semaphore_mem>>) src(%dma_wait3A_594 : memref<12800xi32, #tpu.memory_space<hbm>>) dst(%dma_wait3A_592 : memref<12800xi32, #tpu.memory_space<vmem>>)
      tpu.yield
    }) : () -> ()
    %mul3A_39 = arith.constant 12800 : i32
    %mul3A_40 = arith.muli %arg1, %mul3A_39 : i32
    %run_scoped3A_41 = arith.constant 1 : i32
    "tpu.region"() ({
      %run_scoped3A_579 = tpu.sem_alloc : memref<!tpu.dma_semaphore, #tpu.memory_space<semaphore_mem>>
      %dma_start3A_580 = arith.constant 0 : i32
      %dma_start3A_581 = tpu.memref_slice %arg8[%dma_start3A_580] : memref<12800xi32, #tpu.memory_space<vmem>> -> memref<12800xi32, #tpu.memory_space<vmem>>
      %dma_start3A_582 = tpu.memref_slice %arg3[%run_scoped3A_41, %mul3A_40] : memref<2x204800xi32, #tpu.memory_space<hbm>> -> memref<1x12800xi32, #tpu.memory_space<hbm>>
      %dma_start3A_583 = tpu.memref_squeeze %dma_start3A_582 : memref<1x12800xi32, #tpu.memory_space<hbm>> -> memref<12800xi32, #tpu.memory_space<hbm>>
      %dma_start3A_584 = arith.constant 0 : i32
      %dma_start3A_585 = tpu.memref_slice %arg8[%dma_start3A_584] : memref<12800xi32, #tpu.memory_space<vmem>> -> memref<12800xi32, #tpu.memory_space<vmem>>
      %dma_start3A_586 = tpu.memref_slice %arg3[%run_scoped3A_41, %mul3A_40] : memref<2x204800xi32, #tpu.memory_space<hbm>> -> memref<1x12800xi32, #tpu.memory_space<hbm>>
      %dma_start3A_587 = tpu.memref_squeeze %dma_start3A_586 : memref<1x12800xi32, #tpu.memory_space<hbm>> -> memref<12800xi32, #tpu.memory_space<hbm>>
      tpu.enqueue_dma source(%dma_start3A_587 : memref<12800xi32, #tpu.memory_space<hbm>>) target(%dma_start3A_585 : memref<12800xi32, #tpu.memory_space<vmem>>) target_semaphore(%run_scoped3A_579 : memref<!tpu.dma_semaphore, #tpu.memory_space<semaphore_mem>>)
      %dma_wait3A = arith.constant 0 : i32
      %dma_wait3A_588 = tpu.memref_slice %arg8[%dma_wait3A] : memref<12800xi32, #tpu.memory_space<vmem>> -> memref<12800xi32, #tpu.memory_space<vmem>>
      %dma_wait3A_589 = tpu.memref_slice %arg3[%run_scoped3A_41, %mul3A_40] : memref<2x204800xi32, #tpu.memory_space<hbm>> -> memref<1x12800xi32, #tpu.memory_space<hbm>>
      %dma_wait3A_590 = tpu.memref_squeeze %dma_wait3A_589 : memref<1x12800xi32, #tpu.memory_space<hbm>> -> memref<12800xi32, #tpu.memory_space<hbm>>
      %dma_wait3A_591 = arith.constant 0 : i32
      %dma_wait3A_592 = tpu.memref_slice %arg8[%dma_wait3A_591] : memref<12800xi32, #tpu.memory_space<vmem>> -> memref<12800xi32, #tpu.memory_space<vmem>>
      %dma_wait3A_593 = tpu.memref_slice %arg3[%run_scoped3A_41, %mul3A_40] : memref<2x204800xi32, #tpu.memory_space<hbm>> -> memref<1x12800xi32, #tpu.memory_space<hbm>>
      %dma_wait3A_594 = tpu.memref_squeeze %dma_wait3A_593 : memref<1x12800xi32, #tpu.memory_space<hbm>> -> memref<12800xi32, #tpu.memory_space<hbm>>
      tpu.wait_dma2 semaphore(%run_scoped3A_579 : memref<!tpu.dma_semaphore, #tpu.memory_space<semaphore_mem>>) src(%dma_wait3A_594 : memref<12800xi32, #tpu.memory_space<hbm>>) dst(%dma_wait3A_592 : memref<12800xi32, #tpu.memory_space<vmem>>)
      tpu.yield
    }) : () -> ()
    "tpu.trace_stop"() : () -> ()
    %add3A_42 = arith.constant 0 : i32
    %add3A_43 = vector.broadcast %add3A_42 : i32 to vector<16xi32>
    %add3A_44 = arith.addi %iota3A, %add3A_43 : vector<16xi32>
    %jit3A = arith.constant 2 : i32
    %eq3A = arith.constant 0 : i32
    %eq3A_45 = arith.cmpi eq, %jit3A, %eq3A : i32
    %jit3A_46 = arith.constant 1 : i32
    %select_n3A = arith.select %eq3A_45, %jit3A_46, %jit3A : i32
    %rem3A = vector.broadcast %select_n3A : i32 to vector<16xi32>
    %rem3A_47 = arith.remsi %add3A_44, %rem3A : vector<16xi32>
    %ne3A = arith.constant 0 : i32
    %ne3A_48 = vector.broadcast %ne3A : i32 to vector<16xi32>
    %ne3A_49 = arith.cmpi ne, %rem3A_47, %ne3A_48 : vector<16xi32>
    %lt3A = arith.constant 0 : i32
    %lt3A_50 = vector.broadcast %lt3A : i32 to vector<16xi32>
    %lt3A_51 = arith.cmpi slt, %rem3A_47, %lt3A_50 : vector<16xi32>
    %lt3A_52 = arith.constant 0 : i32
    %lt3A_53 = arith.cmpi slt, %select_n3A, %lt3A_52 : i32
    %ne3A_54 = vector.broadcast %lt3A_53 : i1 to vector<16xi1>
    %ne3A_55 = vector.broadcast %ne3A_54 : vector<16xi1> to vector<16xi1>
    %ne3A_56 = arith.xori %lt3A_51, %ne3A_55 : vector<16xi1>
    %and3A = arith.andi %ne3A_56, %ne3A_49 : vector<16xi1>
    %add3A_57 = vector.broadcast %select_n3A : i32 to vector<16xi32>
    %add3A_58 = arith.addi %rem3A_47, %add3A_57 : vector<16xi32>
    %select_n3A_59 = arith.select %and3A, %add3A_58, %rem3A_47 : vector<16xi1>, vector<16xi32>
    %eq3A_60 = arith.constant 0 : i32
    %eq3A_61 = vector.broadcast %eq3A_60 : i32 to vector<16xi32>
    %eq3A_62 = arith.cmpi eq, %select_n3A_59, %eq3A_61 : vector<16xi32>
    %add3A_63 = arith.constant 0 : i32
    %add3A_64 = vector.broadcast %add3A_63 : i32 to vector<16xi32>
    %add3A_65 = arith.addi %iota3A, %add3A_64 : vector<16xi32>
    %jit3A_66 = arith.constant 2 : i32
    %eq3A_67 = arith.constant 0 : i32
    %eq3A_68 = arith.cmpi eq, %jit3A_66, %eq3A_67 : i32
    %jit3A_69 = arith.constant 1 : i32
    %select_n3A_70 = arith.select %eq3A_68, %jit3A_69, %jit3A_66 : i32
    %rem3A_71 = vector.broadcast %select_n3A_70 : i32 to vector<16xi32>
    %rem3A_72 = arith.remsi %add3A_65, %rem3A_71 : vector<16xi32>
    %ne3A_73 = arith.constant 0 : i32
    %ne3A_74 = vector.broadcast %ne3A_73 : i32 to vector<16xi32>
    %ne3A_75 = arith.cmpi ne, %rem3A_72, %ne3A_74 : vector<16xi32>
    %lt3A_76 = arith.constant 0 : i32
    %lt3A_77 = vector.broadcast %lt3A_76 : i32 to vector<16xi32>
    %lt3A_78 = arith.cmpi slt, %rem3A_72, %lt3A_77 : vector<16xi32>
    %lt3A_79 = arith.constant 0 : i32
    %lt3A_80 = arith.cmpi slt, %select_n3A_70, %lt3A_79 : i32
    %ne3A_81 = vector.broadcast %lt3A_80 : i1 to vector<16xi1>
    %ne3A_82 = vector.broadcast %ne3A_81 : vector<16xi1> to vector<16xi1>
    %ne3A_83 = arith.xori %lt3A_78, %ne3A_82 : vector<16xi1>
    %and3A_84 = arith.andi %ne3A_83, %ne3A_75 : vector<16xi1>
    %add3A_85 = vector.broadcast %select_n3A_70 : i32 to vector<16xi32>
    %add3A_86 = arith.addi %rem3A_72, %add3A_85 : vector<16xi32>
    %select_n3A_87 = arith.select %and3A_84, %add3A_86, %rem3A_72 : vector<16xi1>, vector<16xi32>
    %eq3A_88 = arith.constant 1 : i32
    %eq3A_89 = vector.broadcast %eq3A_88 : i32 to vector<16xi32>
    %eq3A_90 = arith.cmpi eq, %select_n3A_87, %eq3A_89 : vector<16xi32>
    %add3A_91 = arith.constant 16 : i32
    %add3A_92 = vector.broadcast %add3A_91 : i32 to vector<16xi32>
    %add3A_93 = arith.addi %iota3A, %add3A_92 : vector<16xi32>
    %jit3A_94 = arith.constant 2 : i32
    %eq3A_95 = arith.constant 0 : i32
    %eq3A_96 = arith.cmpi eq, %jit3A_94, %eq3A_95 : i32
    %jit3A_97 = arith.constant 1 : i32
    %select_n3A_98 = arith.select %eq3A_96, %jit3A_97, %jit3A_94 : i32
    %rem3A_99 = vector.broadcast %select_n3A_98 : i32 to vector<16xi32>
    %rem3A_100 = arith.remsi %add3A_93, %rem3A_99 : vector<16xi32>
    %ne3A_101 = arith.constant 0 : i32
    %ne3A_102 = vector.broadcast %ne3A_101 : i32 to vector<16xi32>
    %ne3A_103 = arith.cmpi ne, %rem3A_100, %ne3A_102 : vector<16xi32>
    %lt3A_104 = arith.constant 0 : i32
    %lt3A_105 = vector.broadcast %lt3A_104 : i32 to vector<16xi32>
    %lt3A_106 = arith.cmpi slt, %rem3A_100, %lt3A_105 : vector<16xi32>
    %lt3A_107 = arith.constant 0 : i32
    %lt3A_108 = arith.cmpi slt, %select_n3A_98, %lt3A_107 : i32
    %ne3A_109 = vector.broadcast %lt3A_108 : i1 to vector<16xi1>
    %ne3A_110 = vector.broadcast %ne3A_109 : vector<16xi1> to vector<16xi1>
    %ne3A_111 = arith.xori %lt3A_106, %ne3A_110 : vector<16xi1>
    %and3A_112 = arith.andi %ne3A_111, %ne3A_103 : vector<16xi1>
    %add3A_113 = vector.broadcast %select_n3A_98 : i32 to vector<16xi32>
    %add3A_114 = arith.addi %rem3A_100, %add3A_113 : vector<16xi32>
    %select_n3A_115 = arith.select %and3A_112, %add3A_114, %rem3A_100 : vector<16xi1>, vector<16xi32>
    %eq3A_116 = arith.constant 0 : i32
    %eq3A_117 = vector.broadcast %eq3A_116 : i32 to vector<16xi32>
    %eq3A_118 = arith.cmpi eq, %select_n3A_115, %eq3A_117 : vector<16xi32>
    %add3A_119 = arith.constant 16 : i32
    %add3A_120 = vector.broadcast %add3A_119 : i32 to vector<16xi32>
    %add3A_121 = arith.addi %iota3A, %add3A_120 : vector<16xi32>
    %jit3A_122 = arith.constant 2 : i32
    %eq3A_123 = arith.constant 0 : i32
    %eq3A_124 = arith.cmpi eq, %jit3A_122, %eq3A_123 : i32
    %jit3A_125 = arith.constant 1 : i32
    %select_n3A_126 = arith.select %eq3A_124, %jit3A_125, %jit3A_122 : i32
    %rem3A_127 = vector.broadcast %select_n3A_126 : i32 to vector<16xi32>
    %rem3A_128 = arith.remsi %add3A_121, %rem3A_127 : vector<16xi32>
    %ne3A_129 = arith.constant 0 : i32
    %ne3A_130 = vector.broadcast %ne3A_129 : i32 to vector<16xi32>
    %ne3A_131 = arith.cmpi ne, %rem3A_128, %ne3A_130 : vector<16xi32>
    %lt3A_132 = arith.constant 0 : i32
    %lt3A_133 = vector.broadcast %lt3A_132 : i32 to vector<16xi32>
    %lt3A_134 = arith.cmpi slt, %rem3A_128, %lt3A_133 : vector<16xi32>
    %lt3A_135 = arith.constant 0 : i32
    %lt3A_136 = arith.cmpi slt, %select_n3A_126, %lt3A_135 : i32
    %ne3A_137 = vector.broadcast %lt3A_136 : i1 to vector<16xi1>
    %ne3A_138 = vector.broadcast %ne3A_137 : vector<16xi1> to vector<16xi1>
    %ne3A_139 = arith.xori %lt3A_134, %ne3A_138 : vector<16xi1>
    %and3A_140 = arith.andi %ne3A_139, %ne3A_131 : vector<16xi1>
    %add3A_141 = vector.broadcast %select_n3A_126 : i32 to vector<16xi32>
    %add3A_142 = arith.addi %rem3A_128, %add3A_141 : vector<16xi32>
    %select_n3A_143 = arith.select %and3A_140, %add3A_142, %rem3A_128 : vector<16xi1>, vector<16xi32>
    %eq3A_144 = arith.constant 1 : i32
    %eq3A_145 = vector.broadcast %eq3A_144 : i32 to vector<16xi32>
    %eq3A_146 = arith.cmpi eq, %select_n3A_143, %eq3A_145 : vector<16xi32>
    "tpu.trace_start"() <{level = 10 : i32, message = "build0"}> : () -> ()
    %scan3A_147 = arith.constant 0 : i32
    %scan3A_148 = arith.constant 0 : i32
    %scan3A_149 = arith.constant 400 : i32
    %scan3A_150 = arith.addi %scan3A_148, %scan3A_149 : i32
    %scan3A_151 = arith.constant 1 : i32
    scf.for %scan3A_579 = %scan3A_148 to %scan3A_150 step %scan3A_151  : i32 {
      %mul3A_580 = arith.constant 16 : i32
      %mul3A_581 = arith.muli %scan3A_579, %mul3A_580 : i32
      %mul3A_582 = arith.constant 2 : i32
      %mul3A_583 = arith.muli %mul3A_581, %mul3A_582 : i32
      %jit3A_584 = arith.constant 8 : i32
      %div3A = arith.divsi %scan3A_579, %jit3A_584 : i32
      %sign3A = arith.constant 0 : i32
      %sign3A_585 = arith.cmpi sgt, %scan3A_579, %sign3A : i32
      %sign3A_586 = arith.extui %sign3A_585 : i1 to i32
      %sign3A_587 = arith.constant 0 : i32
      %sign3A_588 = arith.cmpi slt, %scan3A_579, %sign3A_587 : i32
      %sign3A_589 = arith.extui %sign3A_588 : i1 to i32
      %sign3A_590 = arith.subi %sign3A_586, %sign3A_589 : i32
      %sign3A_591 = arith.constant 0 : i32
      %sign3A_592 = arith.cmpi sgt, %jit3A_584, %sign3A_591 : i32
      %sign3A_593 = arith.extui %sign3A_592 : i1 to i32
      %sign3A_594 = arith.constant 0 : i32
      %sign3A_595 = arith.cmpi slt, %jit3A_584, %sign3A_594 : i32
      %sign3A_596 = arith.extui %sign3A_595 : i1 to i32
      %sign3A_597 = arith.subi %sign3A_593, %sign3A_596 : i32
      %ne3A_598 = arith.cmpi ne, %sign3A_590, %sign3A_597 : i32
      %rem3A_599 = arith.remsi %scan3A_579, %jit3A_584 : i32
      %ne3A_600 = arith.constant 0 : i32
      %ne3A_601 = arith.cmpi ne, %rem3A_599, %ne3A_600 : i32
      %and3A_602 = arith.andi %ne3A_598, %ne3A_601 : i1
      %sub3A = arith.constant 1 : i32
      %sub3A_603 = arith.subi %div3A, %sub3A : i32
      %select_n3A_604 = arith.select %and3A_602, %sub3A_603, %div3A : i32
      %jit3A_605 = arith.constant 8 : i32
      %eq3A_606 = arith.constant 0 : i32
      %eq3A_607 = arith.cmpi eq, %jit3A_605, %eq3A_606 : i32
      %jit3A_608 = arith.constant 1 : i32
      %select_n3A_609 = arith.select %eq3A_607, %jit3A_608, %jit3A_605 : i32
      %rem3A_610 = arith.remsi %scan3A_579, %select_n3A_609 : i32
      %ne3A_611 = arith.constant 0 : i32
      %ne3A_612 = arith.cmpi ne, %rem3A_610, %ne3A_611 : i32
      %lt3A_613 = arith.constant 0 : i32
      %lt3A_614 = arith.cmpi slt, %rem3A_610, %lt3A_613 : i32
      %lt3A_615 = arith.constant 0 : i32
      %lt3A_616 = arith.cmpi slt, %select_n3A_609, %lt3A_615 : i32
      %ne3A_617 = arith.xori %lt3A_614, %lt3A_616 : i1
      %and3A_618 = arith.andi %ne3A_617, %ne3A_612 : i1
      %add3A_619 = arith.addi %rem3A_610, %select_n3A_609 : i32
      %select_n3A_620 = arith.select %and3A_618, %add3A_619, %rem3A_610 : i32
      %mul3A_621 = arith.constant 16 : i32
      %mul3A_622 = arith.muli %mul3A_621, %select_n3A_620 : i32
      %add3A_623 = arith.constant 0 : i32
      %add3A_624 = arith.addi %mul3A_583, %add3A_623 : i32
      %get3A = arith.index_cast %add3A_624 : i32 to index
      %get3A_625 = tpu.vector_load %arg7[%get3A] {strides = array<i32>} : memref<12800xi32, #tpu.memory_space<vmem>>, vector<16xi32>,
      %add3A_626 = arith.constant 16 : i32
      %add3A_627 = arith.addi %mul3A_583, %add3A_626 : i32
      %get3A_628 = arith.index_cast %add3A_627 : i32 to index
      %get3A_629 = tpu.vector_load %arg7[%get3A_628] {strides = array<i32>} : memref<12800xi32, #tpu.memory_space<vmem>>, vector<16xi32>,
      %add3A_630 = arith.constant 0 : i32
      %add3A_631 = arith.addi %mul3A_583, %add3A_630 : i32
      %get3A_632 = arith.index_cast %add3A_631 : i32 to index
      %get3A_633 = tpu.vector_load %arg8[%get3A_632] {strides = array<i32>} : memref<12800xi32, #tpu.memory_space<vmem>>, vector<16xi32>,
      %add3A_634 = arith.constant 16 : i32
      %add3A_635 = arith.addi %mul3A_583, %add3A_634 : i32
      %get3A_636 = arith.index_cast %add3A_635 : i32 to index
      %get3A_637 = tpu.vector_load %arg8[%get3A_636] {strides = array<i32>} : memref<12800xi32, #tpu.memory_space<vmem>>, vector<16xi32>,
      %min3A = arith.constant 9999 : i32
      %min3A_638 = vector.broadcast %min3A : i32 to vector<16xi32>
      %min3A_639 = arith.minsi %get3A_625, %min3A_638 : vector<16xi32>
      %swap3A = arith.constant 0 : index
      %swap3A_640 = tpu.vector_load %arg11[%swap3A] masked %eq3A_62 {strides = array<i32>} : memref<32xi32, #tpu.memory_space<vmem>>, vector<16xi32>, vector<16xi1>
      tpu.vector_store %arg11[%swap3A], %min3A_639 masked %eq3A_62 {strides = array<i32>} : memref<32xi32, #tpu.memory_space<vmem>>, vector<16xi32>, vector<16xi1>
      %min3A_641 = arith.constant 9999 : i32
      %min3A_642 = vector.broadcast %min3A_641 : i32 to vector<16xi32>
      %min3A_643 = arith.minsi %get3A_629, %min3A_642 : vector<16xi32>
      %swap3A_644 = arith.constant 8 : index
      %swap3A_645 = tpu.vector_load %arg11[%swap3A_644] masked %eq3A_118 {strides = array<i32>} : memref<32xi32, #tpu.memory_space<vmem>>, vector<16xi32>, vector<16xi1>
      tpu.vector_store %arg11[%swap3A_644], %min3A_643 masked %eq3A_118 {strides = array<i32>} : memref<32xi32, #tpu.memory_space<vmem>>, vector<16xi32>, vector<16xi1>
      %get3A_646 = arith.constant 0 : index
      %get3A_647 = tpu.vector_load %arg11[%get3A_646] {strides = array<i32>} : memref<32xi32, #tpu.memory_space<vmem>>, vector<16xi32>,
      %add3A_648 = arith.constant 0 : i32
      %add3A_649 = arith.addi %add3A_648, %select_n3A_604 : i32
      %swap3A_650 = arith.index_cast %add3A_649 : i32 to index
      %swap3A_651 = arith.index_cast %mul3A_622 : i32 to index
      %swap3A_652 = tpu.vector_load %arg9[%swap3A_650, %swap3A_651] {strides = array<i32>} : memref<100x128xi32, #tpu.memory_space<vmem>>, vector<16xi32>,
      tpu.vector_store %arg9[%swap3A_650, %swap3A_651], %get3A_647 {strides = array<i32>} : memref<100x128xi32, #tpu.memory_space<vmem>>, vector<16xi32>,
      %min3A_653 = arith.constant 9999 : i32
      %min3A_654 = vector.broadcast %min3A_653 : i32 to vector<16xi32>
      %min3A_655 = arith.minsi %get3A_625, %min3A_654 : vector<16xi32>
      %swap3A_656 = arith.constant 0 : index
      %swap3A_657 = tpu.vector_load %arg11[%swap3A_656] masked %eq3A_90 {strides = array<i32>} : memref<32xi32, #tpu.memory_space<vmem>>, vector<16xi32>, vector<16xi1>
      tpu.vector_store %arg11[%swap3A_656], %min3A_655 masked %eq3A_90 {strides = array<i32>} : memref<32xi32, #tpu.memory_space<vmem>>, vector<16xi32>, vector<16xi1>
      %min3A_658 = arith.constant 9999 : i32
      %min3A_659 = vector.broadcast %min3A_658 : i32 to vector<16xi32>
      %min3A_660 = arith.minsi %get3A_629, %min3A_659 : vector<16xi32>
      %swap3A_661 = arith.constant 8 : index
      %swap3A_662 = tpu.vector_load %arg11[%swap3A_661] masked %eq3A_146 {strides = array<i32>} : memref<32xi32, #tpu.memory_space<vmem>>, vector<16xi32>, vector<16xi1>
      tpu.vector_store %arg11[%swap3A_661], %min3A_660 masked %eq3A_146 {strides = array<i32>} : memref<32xi32, #tpu.memory_space<vmem>>, vector<16xi32>, vector<16xi1>
      %get3A_663 = arith.constant 0 : index
      %get3A_664 = tpu.vector_load %arg11[%get3A_663] {strides = array<i32>} : memref<32xi32, #tpu.memory_space<vmem>>, vector<16xi32>,
      %add3A_665 = arith.constant 50 : i32
      %add3A_666 = arith.addi %add3A_665, %select_n3A_604 : i32
      %swap3A_667 = arith.index_cast %add3A_666 : i32 to index
      %swap3A_668 = arith.index_cast %mul3A_622 : i32 to index
      %swap3A_669 = tpu.vector_load %arg9[%swap3A_667, %swap3A_668] {strides = array<i32>} : memref<100x128xi32, #tpu.memory_space<vmem>>, vector<16xi32>,
      tpu.vector_store %arg9[%swap3A_667, %swap3A_668], %get3A_664 {strides = array<i32>} : memref<100x128xi32, #tpu.memory_space<vmem>>, vector<16xi32>,
      %swap3A_670 = arith.constant 0 : index
      %swap3A_671 = tpu.vector_load %arg11[%swap3A_670] masked %eq3A_62 {strides = array<i32>} : memref<32xi32, #tpu.memory_space<vmem>>, vector<16xi32>, vector<16xi1>
      tpu.vector_store %arg11[%swap3A_670], %get3A_633 masked %eq3A_62 {strides = array<i32>} : memref<32xi32, #tpu.memory_space<vmem>>, vector<16xi32>, vector<16xi1>
      %swap3A_672 = arith.constant 8 : index
      %swap3A_673 = tpu.vector_load %arg11[%swap3A_672] masked %eq3A_118 {strides = array<i32>} : memref<32xi32, #tpu.memory_space<vmem>>, vector<16xi32>, vector<16xi1>
      tpu.vector_store %arg11[%swap3A_672], %get3A_637 masked %eq3A_118 {strides = array<i32>} : memref<32xi32, #tpu.memory_space<vmem>>, vector<16xi32>, vector<16xi1>
      %get3A_674 = arith.constant 0 : index
      %get3A_675 = tpu.vector_load %arg11[%get3A_674] {strides = array<i32>} : memref<32xi32, #tpu.memory_space<vmem>>, vector<16xi32>,
      %eq3A_676 = arith.constant 10000 : i32
      %eq3A_677 = vector.broadcast %eq3A_676 : i32 to vector<16xi32>
      %eq3A_678 = arith.cmpi eq, %get3A_675, %eq3A_677 : vector<16xi32>
      %add3A_679 = arith.constant 10000 : i32
      %add3A_680 = arith.addi %add3A_679, %mul3A_622 : i32
      %add3A_681 = vector.broadcast %add3A_680 : i32 to vector<16xi32>
      %add3A_682 = arith.addi %add3A_681, %iota3A : vector<16xi32>
      %select_n3A_683 = arith.select %eq3A_678, %add3A_682, %get3A_675 : vector<16xi1>, vector<16xi32>
      %swap3A_684 = arith.index_cast %select_n3A_604 : i32 to index
      %swap3A_685 = arith.index_cast %mul3A_622 : i32 to index
      %swap3A_686 = tpu.vector_load %arg10[%swap3A_684, %swap3A_685] {strides = array<i32>} : memref<50x128xi32, #tpu.memory_space<vmem>>, vector<16xi32>,
      tpu.vector_store %arg10[%swap3A_684, %swap3A_685], %select_n3A_683 {strides = array<i32>} : memref<50x128xi32, #tpu.memory_space<vmem>>, vector<16xi32>,
    }
    %scan3A_152 = arith.constant 400 : i32
    %dma_start3A = arith.constant 0 : i32
    %dma_start3A_153 = arith.constant 0 : i32
    "tpu.trace_stop"() : () -> ()
    %dma_start3A_154 = arith.constant 0 : i32
    %dma_start3A_155 = tpu.memref_slice %arg9[%dma_start3A_153, %dma_start3A_154] : memref<100x128xi32, #tpu.memory_space<vmem>> -> memref<1x128xi32, #tpu.memory_space<vmem>>
    %dma_start3A_156 = tpu.memref_squeeze %dma_start3A_155 : memref<1x128xi32, #tpu.memory_space<vmem>> -> memref<128xi32, #tpu.memory_space<vmem>>
    %dma_start3A_157 = arith.constant 0 : i32
    %dma_start3A_158 = arith.constant 0 : i32
    %dma_start3A_159 = arith.constant 0 : i32
    %dma_start3A_160 = tpu.memref_slice %arg2[%dma_start3A, %dma_start3A_157, %dma_start3A_158, %dma_start3A_159] : memref<5x2x10000x64xbf16, #tpu.memory_space<hbm>> -> memref<1x2x10000x64xbf16, #tpu.memory_space<hbm>>
    %dma_start3A_161 = tpu.memref_squeeze %dma_start3A_160 : memref<1x2x10000x64xbf16, #tpu.memory_space<hbm>> -> memref<2x10000x64xbf16, #tpu.memory_space<hbm>>
    %dma_start3A_162 = arith.constant 0 : i32
    %dma_start3A_163 = arith.constant 0 : i32
    %dma_start3A_164 = tpu.memref_slice %dma_start3A_161[%arg0, %dma_start3A_162, %dma_start3A_163] : memref<2x10000x64xbf16, #tpu.memory_space<hbm>> -> memref<1x10000x64xbf16, #tpu.memory_space<hbm>>
    %dma_start3A_165 = tpu.memref_squeeze %dma_start3A_164 : memref<1x10000x64xbf16, #tpu.memory_space<hbm>> -> memref<10000x64xbf16, #tpu.memory_space<hbm>>
    %dma_start3A_166 = arith.constant 0 : i32
    %dma_start3A_167 = arith.constant 0 : i32
    %dma_start3A_168 = tpu.memref_slice %dma_start3A_165[%dma_start3A_166, %dma_start3A_167] : memref<10000x64xbf16, #tpu.memory_space<hbm>> -> memref<10000x64xbf16, #tpu.memory_space<hbm>>
    tpu.enqueue_indirect_dma source(%dma_start3A_168 : memref<10000x64xbf16, #tpu.memory_space<hbm>>) target(%arg12 : memref<128x64xbf16, #tpu.memory_space<vmem>>) offsets(%dma_start3A_156 : memref<128xi32, #tpu.memory_space<vmem>>) semaphore(%arg18 : memref<!tpu.dma_semaphore, #tpu.memory_space<semaphore_mem>>)
    "tpu.trace_start"() <{level = 10 : i32, message = "stream0_0"}> : () -> ()
    %scan3A_169 = arith.constant 0 : i32
    %scan3A_170 = arith.constant 0 : i32
    %scan3A_171 = arith.constant 0 : i32
    %scan3A_172 = arith.constant 25 : i32
    %scan3A_173 = arith.addi %scan3A_171, %scan3A_172 : i32
    %scan3A_174 = arith.constant 1 : i32
    scf.for %scan3A_579 = %scan3A_171 to %scan3A_173 step %scan3A_174  : i32 {
      %mul3A_580 = arith.constant 2 : i32
      %mul3A_581 = arith.muli %mul3A_580, %scan3A_579 : i32
      %eq3A_582 = arith.constant 0 : i32
      %eq3A_583 = arith.cmpi eq, %arg0, %eq3A_582 : i32
      %convert_element_type3A_584 = arith.extui %eq3A_583 : i1 to i32
      %cond3A_585 = arith.constant 0 : i32
      %cond3A_586 = arith.cmpi ne, %convert_element_type3A_584, %cond3A_585 : i32
      scf.if %cond3A_586 {
        %dma_start3A_658 = arith.constant 0 : i32
        %dma_start3A_659 = tpu.memref_slice %arg10[%mul3A_581, %dma_start3A_658] : memref<50x128xi32, #tpu.memory_space<vmem>> -> memref<1x128xi32, #tpu.memory_space<vmem>>
        %dma_start3A_660 = tpu.memref_squeeze %dma_start3A_659 : memref<1x128xi32, #tpu.memory_space<vmem>> -> memref<128xi32, #tpu.memory_space<vmem>>
        %dma_start3A_661 = arith.constant 0 : i32
        %dma_start3A_662 = arith.constant 0 : i32
        %dma_start3A_663 = tpu.memref_slice %arg17[%dma_start3A_661, %dma_start3A_662] : memref<10240x16xf32, #tpu.memory_space<vmem_shared>> -> memref<10240x16xf32, #tpu.memory_space<vmem_shared>>
        tpu.enqueue_indirect_dma source(%arg15 : memref<128x16xf32, #tpu.memory_space<vmem>>) target(%dma_start3A_663 : memref<10240x16xf32, #tpu.memory_space<vmem_shared>>) offsets(%dma_start3A_660 : memref<128xi32, #tpu.memory_space<vmem>>) semaphore(%arg20 : memref<!tpu.dma_semaphore, #tpu.memory_space<semaphore_mem>>) {add = true}
        %add3A_664 = arith.constant 1 : i32
        %add3A_665 = arith.addi %mul3A_581, %add3A_664 : i32
        %dma_start3A_666 = arith.constant 0 : i32
        %dma_start3A_667 = tpu.memref_slice %arg10[%add3A_665, %dma_start3A_666] : memref<50x128xi32, #tpu.memory_space<vmem>> -> memref<1x128xi32, #tpu.memory_space<vmem>>
        %dma_start3A_668 = tpu.memref_squeeze %dma_start3A_667 : memref<1x128xi32, #tpu.memory_space<vmem>> -> memref<128xi32, #tpu.memory_space<vmem>>
        %dma_start3A_669 = arith.constant 0 : i32
        %dma_start3A_670 = arith.constant 0 : i32
        %dma_start3A_671 = tpu.memref_slice %arg17[%dma_start3A_669, %dma_start3A_670] : memref<10240x16xf32, #tpu.memory_space<vmem_shared>> -> memref<10240x16xf32, #tpu.memory_space<vmem_shared>>
        tpu.enqueue_indirect_dma source(%arg15 : memref<128x16xf32, #tpu.memory_space<vmem>>) target(%dma_start3A_671 : memref<10240x16xf32, #tpu.memory_space<vmem_shared>>) offsets(%dma_start3A_668 : memref<128xi32, #tpu.memory_space<vmem>>) semaphore(%arg20 : memref<!tpu.dma_semaphore, #tpu.memory_space<semaphore_mem>>) {add = true}
      } else {
      }
      %add3A_587 = arith.constant 0 : i32
      %add3A_588 = arith.addi %add3A_587, %mul3A_581 : i32
      %add3A_589 = arith.constant 1 : i32
      %add3A_590 = arith.addi %add3A_588, %add3A_589 : i32
      %dma_start3A_591 = arith.constant 0 : i32
      %dma_start3A_592 = tpu.memref_slice %arg9[%add3A_590, %dma_start3A_591] : memref<100x128xi32, #tpu.memory_space<vmem>> -> memref<1x128xi32, #tpu.memory_space<vmem>>
      %dma_start3A_593 = tpu.memref_squeeze %dma_start3A_592 : memref<1x128xi32, #tpu.memory_space<vmem>> -> memref<128xi32, #tpu.memory_space<vmem>>
      %dma_start3A_594 = arith.constant 0 : i32
      %dma_start3A_595 = arith.constant 0 : i32
      %dma_start3A_596 = arith.constant 0 : i32
      %dma_start3A_597 = tpu.memref_slice %arg2[%scan3A_170, %dma_start3A_594, %dma_start3A_595, %dma_start3A_596] : memref<5x2x10000x64xbf16, #tpu.memory_space<hbm>> -> memref<1x2x10000x64xbf16, #tpu.memory_space<hbm>>
      %dma_start3A_598 = tpu.memref_squeeze %dma_start3A_597 : memref<1x2x10000x64xbf16, #tpu.memory_space<hbm>> -> memref<2x10000x64xbf16, #tpu.memory_space<hbm>>
      %dma_start3A_599 = arith.constant 0 : i32
      %dma_start3A_600 = arith.constant 0 : i32
      %dma_start3A_601 = tpu.memref_slice %dma_start3A_598[%arg0, %dma_start3A_599, %dma_start3A_600] : memref<2x10000x64xbf16, #tpu.memory_space<hbm>> -> memref<1x10000x64xbf16, #tpu.memory_space<hbm>>
      %dma_start3A_602 = tpu.memref_squeeze %dma_start3A_601 : memref<1x10000x64xbf16, #tpu.memory_space<hbm>> -> memref<10000x64xbf16, #tpu.memory_space<hbm>>
      %dma_start3A_603 = arith.constant 0 : i32
      %dma_start3A_604 = arith.constant 0 : i32
      %dma_start3A_605 = tpu.memref_slice %dma_start3A_602[%dma_start3A_603, %dma_start3A_604] : memref<10000x64xbf16, #tpu.memory_space<hbm>> -> memref<10000x64xbf16, #tpu.memory_space<hbm>>
      tpu.enqueue_indirect_dma source(%dma_start3A_605 : memref<10000x64xbf16, #tpu.memory_space<hbm>>) target(%arg13 : memref<128x64xbf16, #tpu.memory_space<vmem>>) offsets(%dma_start3A_593 : memref<128xi32, #tpu.memory_space<vmem>>) semaphore(%arg19 : memref<!tpu.dma_semaphore, #tpu.memory_space<semaphore_mem>>)
      %dma_wait3A = arith.constant 0 : i32
      %dma_wait3A_606 = arith.constant 0 : i32
      %dma_wait3A_607 = arith.constant 0 : i32
      %dma_wait3A_608 = tpu.memref_slice %arg2[%scan3A_170, %dma_wait3A, %dma_wait3A_606, %dma_wait3A_607] : memref<5x2x10000x64xbf16, #tpu.memory_space<hbm>> -> memref<1x2x10000x64xbf16, #tpu.memory_space<hbm>>
      %dma_wait3A_609 = tpu.memref_squeeze %dma_wait3A_608 : memref<1x2x10000x64xbf16, #tpu.memory_space<hbm>> -> memref<2x10000x64xbf16, #tpu.memory_space<hbm>>
      %dma_wait3A_610 = arith.constant 0 : i32
      %dma_wait3A_611 = arith.constant 0 : i32
      %dma_wait3A_612 = tpu.memref_slice %dma_wait3A_609[%arg0, %dma_wait3A_610, %dma_wait3A_611] : memref<2x10000x64xbf16, #tpu.memory_space<hbm>> -> memref<1x10000x64xbf16, #tpu.memory_space<hbm>>
      %dma_wait3A_613 = tpu.memref_squeeze %dma_wait3A_612 : memref<1x10000x64xbf16, #tpu.memory_space<hbm>> -> memref<10000x64xbf16, #tpu.memory_space<hbm>>
      %dma_wait3A_614 = arith.constant 0 : i32
      %dma_wait3A_615 = arith.constant 0 : i32
      %dma_wait3A_616 = tpu.memref_slice %dma_wait3A_613[%dma_wait3A_614, %dma_wait3A_615] : memref<10000x64xbf16, #tpu.memory_space<hbm>> -> memref<128x64xbf16, #tpu.memory_space<hbm>>
      %dma_wait3A_617 = arith.constant 0 : i32
      %dma_wait3A_618 = arith.constant 0 : i32
      %dma_wait3A_619 = arith.constant 0 : i32
      %dma_wait3A_620 = tpu.memref_slice %arg2[%scan3A_170, %dma_wait3A_617, %dma_wait3A_618, %dma_wait3A_619] : memref<5x2x10000x64xbf16, #tpu.memory_space<hbm>> -> memref<1x2x10000x64xbf16, #tpu.memory_space<hbm>>
      %dma_wait3A_621 = tpu.memref_squeeze %dma_wait3A_620 : memref<1x2x10000x64xbf16, #tpu.memory_space<hbm>> -> memref<2x10000x64xbf16, #tpu.memory_space<hbm>>
      %dma_wait3A_622 = arith.constant 0 : i32
      %dma_wait3A_623 = arith.constant 0 : i32
      %dma_wait3A_624 = tpu.memref_slice %dma_wait3A_621[%arg0, %dma_wait3A_622, %dma_wait3A_623] : memref<2x10000x64xbf16, #tpu.memory_space<hbm>> -> memref<1x10000x64xbf16, #tpu.memory_space<hbm>>
      %dma_wait3A_625 = tpu.memref_squeeze %dma_wait3A_624 : memref<1x10000x64xbf16, #tpu.memory_space<hbm>> -> memref<10000x64xbf16, #tpu.memory_space<hbm>>
      %dma_wait3A_626 = arith.constant 0 : i32
      %dma_wait3A_627 = arith.constant 0 : i32
      %dma_wait3A_628 = tpu.memref_slice %dma_wait3A_625[%dma_wait3A_626, %dma_wait3A_627] : memref<10000x64xbf16, #tpu.memory_space<hbm>> -> memref<128x64xbf16, #tpu.memory_space<hbm>>
      tpu.wait_dma2 semaphore(%arg18 : memref<!tpu.dma_semaphore, #tpu.memory_space<semaphore_mem>>) src(%dma_wait3A_628 : memref<128x64xbf16, #tpu.memory_space<hbm>>) dst(%arg12 : memref<128x64xbf16, #tpu.memory_space<vmem>>)
      "tpu.region"() ({
        %run_scoped3A_658 = tpu.sem_alloc : memref<!tpu.dma_semaphore, #tpu.memory_space<semaphore_mem>>
        %dma_start3A_659 = arith.constant 0 : i32
        %dma_start3A_660 = tpu.memref_slice %arg10[%mul3A_581, %dma_start3A_659] : memref<50x128xi32, #tpu.memory_space<vmem>> -> memref<1x128xi32, #tpu.memory_space<vmem>>
        %dma_start3A_661 = tpu.memref_squeeze %dma_start3A_660 : memref<1x128xi32, #tpu.memory_space<vmem>> -> memref<128xi32, #tpu.memory_space<vmem>>
        %dma_start3A_662 = arith.constant 0 : i32
        %dma_start3A_663 = arith.constant 0 : i32
        %dma_start3A_664 = tpu.memref_slice %arg16[%dma_start3A_662, %dma_start3A_663] : memref<10240x64xbf16, #tpu.memory_space<vmem_shared>> -> memref<10240x64xbf16, #tpu.memory_space<vmem_shared>>
        tpu.enqueue_indirect_dma source(%arg12 : memref<128x64xbf16, #tpu.memory_space<vmem>>) target(%dma_start3A_664 : memref<10240x64xbf16, #tpu.memory_space<vmem_shared>>) offsets(%dma_start3A_661 : memref<128xi32, #tpu.memory_space<vmem>>) semaphore(%run_scoped3A_658 : memref<!tpu.dma_semaphore, #tpu.memory_space<semaphore_mem>>) {add = true}
        %dma_wait3A_665 = arith.constant 0 : i32
        %dma_wait3A_666 = tpu.memref_slice %arg10[%mul3A_581, %dma_wait3A_665] : memref<50x128xi32, #tpu.memory_space<vmem>> -> memref<1x128xi32, #tpu.memory_space<vmem>>
        %dma_wait3A_667 = tpu.memref_squeeze %dma_wait3A_666 : memref<1x128xi32, #tpu.memory_space<vmem>> -> memref<128xi32, #tpu.memory_space<vmem>>
        %dma_wait3A_668 = arith.constant 0 : i32
        %dma_wait3A_669 = arith.constant 0 : i32
        %dma_wait3A_670 = tpu.memref_slice %arg16[%dma_wait3A_668, %dma_wait3A_669] : memref<10240x64xbf16, #tpu.memory_space<vmem_shared>> -> memref<10240x64xbf16, #tpu.memory_space<vmem_shared>>
        tpu.wait_indirect_dma semaphore(%run_scoped3A_658 : memref<!tpu.dma_semaphore, #tpu.memory_space<semaphore_mem>>) src(%arg12 : memref<128x64xbf16, #tpu.memory_space<vmem>>) dst(%dma_wait3A_670 : memref<10240x64xbf16, #tpu.memory_space<vmem_shared>>)
        tpu.yield
      }) : () -> ()
      %add3A_629 = arith.constant 2 : i32
      %add3A_630 = arith.addi %mul3A_581, %add3A_629 : i32
      %lt3A_631 = arith.constant 50 : i32
      %lt3A_632 = arith.cmpi slt, %add3A_630, %lt3A_631 : i32
      %convert_element_type3A_633 = arith.extui %lt3A_632 : i1 to i32
      %cond3A_634 = arith.constant 0 : i32
      %cond3A_635 = arith.cmpi ne, %convert_element_type3A_633, %cond3A_634 : i32
      scf.if %cond3A_635 {
        %add3A_658 = arith.constant 0 : i32
        %add3A_659 = arith.addi %add3A_658, %mul3A_581 : i32
        %add3A_660 = arith.constant 2 : i32
        %add3A_661 = arith.addi %add3A_659, %add3A_660 : i32
        %dma_start3A_662 = arith.constant 0 : i32
        %dma_start3A_663 = tpu.memref_slice %arg9[%add3A_661, %dma_start3A_662] : memref<100x128xi32, #tpu.memory_space<vmem>> -> memref<1x128xi32, #tpu.memory_space<vmem>>
        %dma_start3A_664 = tpu.memref_squeeze %dma_start3A_663 : memref<1x128xi32, #tpu.memory_space<vmem>> -> memref<128xi32, #tpu.memory_space<vmem>>
        %dma_start3A_665 = arith.constant 0 : i32
        %dma_start3A_666 = arith.constant 0 : i32
        %dma_start3A_667 = arith.constant 0 : i32
        %dma_start3A_668 = tpu.memref_slice %arg2[%scan3A_170, %dma_start3A_665, %dma_start3A_666, %dma_start3A_667] : memref<5x2x10000x64xbf16, #tpu.memory_space<hbm>> -> memref<1x2x10000x64xbf16, #tpu.memory_space<hbm>>
        %dma_start3A_669 = tpu.memref_squeeze %dma_start3A_668 : memref<1x2x10000x64xbf16, #tpu.memory_space<hbm>> -> memref<2x10000x64xbf16, #tpu.memory_space<hbm>>
        %dma_start3A_670 = arith.constant 0 : i32
        %dma_start3A_671 = arith.constant 0 : i32
        %dma_start3A_672 = tpu.memref_slice %dma_start3A_669[%arg0, %dma_start3A_670, %dma_start3A_671] : memref<2x10000x64xbf16, #tpu.memory_space<hbm>> -> memref<1x10000x64xbf16, #tpu.memory_space<hbm>>
        %dma_start3A_673 = tpu.memref_squeeze %dma_start3A_672 : memref<1x10000x64xbf16, #tpu.memory_space<hbm>> -> memref<10000x64xbf16, #tpu.memory_space<hbm>>
        %dma_start3A_674 = arith.constant 0 : i32
        %dma_start3A_675 = arith.constant 0 : i32
        %dma_start3A_676 = tpu.memref_slice %dma_start3A_673[%dma_start3A_674, %dma_start3A_675] : memref<10000x64xbf16, #tpu.memory_space<hbm>> -> memref<10000x64xbf16, #tpu.memory_space<hbm>>
        tpu.enqueue_indirect_dma source(%dma_start3A_676 : memref<10000x64xbf16, #tpu.memory_space<hbm>>) target(%arg12 : memref<128x64xbf16, #tpu.memory_space<vmem>>) offsets(%dma_start3A_664 : memref<128xi32, #tpu.memory_space<vmem>>) semaphore(%arg18 : memref<!tpu.dma_semaphore, #tpu.memory_space<semaphore_mem>>)
      } else {
      }
      %dma_wait3A_636 = arith.constant 0 : i32
      %dma_wait3A_637 = tpu.memref_slice %arg9[%add3A_590, %dma_wait3A_636] : memref<100x128xi32, #tpu.memory_space<vmem>> -> memref<1x128xi32, #tpu.memory_space<vmem>>
      %dma_wait3A_638 = tpu.memref_squeeze %dma_wait3A_637 : memref<1x128xi32, #tpu.memory_space<vmem>> -> memref<128xi32, #tpu.memory_space<vmem>>
      %dma_wait3A_639 = arith.constant 0 : i32
      %dma_wait3A_640 = arith.constant 0 : i32
      %dma_wait3A_641 = arith.constant 0 : i32
      %dma_wait3A_642 = tpu.memref_slice %arg2[%scan3A_170, %dma_wait3A_639, %dma_wait3A_640, %dma_wait3A_641] : memref<5x2x10000x64xbf16, #tpu.memory_space<hbm>> -> memref<1x2x10000x64xbf16, #tpu.memory_space<hbm>>
      %dma_wait3A_643 = tpu.memref_squeeze %dma_wait3A_642 : memref<1x2x10000x64xbf16, #tpu.memory_space<hbm>> -> memref<2x10000x64xbf16, #tpu.memory_space<hbm>>
      %dma_wait3A_644 = arith.constant 0 : i32
      %dma_wait3A_645 = arith.constant 0 : i32
      %dma_wait3A_646 = tpu.memref_slice %dma_wait3A_643[%arg0, %dma_wait3A_644, %dma_wait3A_645] : memref<2x10000x64xbf16, #tpu.memory_space<hbm>> -> memref<1x10000x64xbf16, #tpu.memory_space<hbm>>
      %dma_wait3A_647 = tpu.memref_squeeze %dma_wait3A_646 : memref<1x10000x64xbf16, #tpu.memory_space<hbm>> -> memref<10000x64xbf16, #tpu.memory_space<hbm>>
      %dma_wait3A_648 = arith.constant 0 : i32
      %dma_wait3A_649 = arith.constant 0 : i32
      %dma_wait3A_650 = tpu.memref_slice %dma_wait3A_647[%dma_wait3A_648, %dma_wait3A_649] : memref<10000x64xbf16, #tpu.memory_space<hbm>> -> memref<10000x64xbf16, #tpu.memory_space<hbm>>
      tpu.wait_indirect_dma semaphore(%arg19 : memref<!tpu.dma_semaphore, #tpu.memory_space<semaphore_mem>>) src(%dma_wait3A_650 : memref<10000x64xbf16, #tpu.memory_space<hbm>>) dst(%arg13 : memref<128x64xbf16, #tpu.memory_space<vmem>>)
      %add3A_651 = arith.constant 1 : i32
      %add3A_652 = arith.addi %mul3A_581, %add3A_651 : i32
      "tpu.region"() ({
        %run_scoped3A_658 = tpu.sem_alloc : memref<!tpu.dma_semaphore, #tpu.memory_space<semaphore_mem>>
        %dma_start3A_659 = arith.constant 0 : i32
        %dma_start3A_660 = tpu.memref_slice %arg10[%add3A_652, %dma_start3A_659] : memref<50x128xi32, #tpu.memory_space<vmem>> -> memref<1x128xi32, #tpu.memory_space<vmem>>
        %dma_start3A_661 = tpu.memref_squeeze %dma_start3A_660 : memref<1x128xi32, #tpu.memory_space<vmem>> -> memref<128xi32, #tpu.memory_space<vmem>>
        %dma_start3A_662 = arith.constant 0 : i32
        %dma_start3A_663 = arith.constant 0 : i32
        %dma_start3A_664 = tpu.memref_slice %arg16[%dma_start3A_662, %dma_start3A_663] : memref<10240x64xbf16, #tpu.memory_space<vmem_shared>> -> memref<10240x64xbf16, #tpu.memory_space<vmem_shared>>
        tpu.enqueue_indirect_dma source(%arg13 : memref<128x64xbf16, #tpu.memory_space<vmem>>) target(%dma_start3A_664 : memref<10240x64xbf16, #tpu.memory_space<vmem_shared>>) offsets(%dma_start3A_661 : memref<128xi32, #tpu.memory_space<vmem>>) semaphore(%run_scoped3A_658 : memref<!tpu.dma_semaphore, #tpu.memory_space<semaphore_mem>>) {add = true}
        %dma_wait3A_665 = arith.constant 0 : i32
        %dma_wait3A_666 = tpu.memref_slice %arg10[%add3A_652, %dma_wait3A_665] : memref<50x128xi32, #tpu.memory_space<vmem>> -> memref<1x128xi32, #tpu.memory_space<vmem>>
        %dma_wait3A_667 = tpu.memref_squeeze %dma_wait3A_666 : memref<1x128xi32, #tpu.memory_space<vmem>> -> memref<128xi32, #tpu.memory_space<vmem>>
        %dma_wait3A_668 = arith.constant 0 : i32
        %dma_wait3A_669 = arith.constant 0 : i32
        %dma_wait3A_670 = tpu.memref_slice %arg16[%dma_wait3A_668, %dma_wait3A_669] : memref<10240x64xbf16, #tpu.memory_space<vmem_shared>> -> memref<10240x64xbf16, #tpu.memory_space<vmem_shared>>
        tpu.wait_indirect_dma semaphore(%run_scoped3A_658 : memref<!tpu.dma_semaphore, #tpu.memory_space<semaphore_mem>>) src(%arg13 : memref<128x64xbf16, #tpu.memory_space<vmem>>) dst(%dma_wait3A_670 : memref<10240x64xbf16, #tpu.memory_space<vmem_shared>>)
        tpu.yield
      }) : () -> ()
      %eq3A_653 = arith.constant 0 : i32
      %eq3A_654 = arith.cmpi eq, %arg0, %eq3A_653 : i32
      %convert_element_type3A_655 = arith.extui %eq3A_654 : i1 to i32
      %cond3A_656 = arith.constant 0 : i32
      %cond3A_657 = arith.cmpi ne, %convert_element_type3A_655, %cond3A_656 : i32
      scf.if %cond3A_657 {
        %dma_wait3A_658 = arith.constant 0 : i32
        %dma_wait3A_659 = arith.constant 0 : i32
        %dma_wait3A_660 = tpu.memref_slice %arg17[%dma_wait3A_658, %dma_wait3A_659] : memref<10240x16xf32, #tpu.memory_space<vmem_shared>> -> memref<128x16xf32, #tpu.memory_space<vmem_shared>>
        %dma_wait3A_661 = arith.constant 0 : i32
        %dma_wait3A_662 = arith.constant 0 : i32
        %dma_wait3A_663 = tpu.memref_slice %arg17[%dma_wait3A_661, %dma_wait3A_662] : memref<10240x16xf32, #tpu.memory_space<vmem_shared>> -> memref<128x16xf32, #tpu.memory_space<vmem_shared>>
        tpu.wait_dma2 semaphore(%arg20 : memref<!tpu.dma_semaphore, #tpu.memory_space<semaphore_mem>>) src(%arg15 : memref<128x16xf32, #tpu.memory_space<vmem>>) dst(%dma_wait3A_663 : memref<128x16xf32, #tpu.memory_space<vmem_shared>>)
        %dma_wait3A_664 = arith.constant 0 : i32
        %dma_wait3A_665 = arith.constant 0 : i32
        %dma_wait3A_666 = tpu.memref_slice %arg17[%dma_wait3A_664, %dma_wait3A_665] : memref<10240x16xf32, #tpu.memory_space<vmem_shared>> -> memref<128x16xf32, #tpu.memory_space<vmem_shared>>
        %dma_wait3A_667 = arith.constant 0 : i32
        %dma_wait3A_668 = arith.constant 0 : i32
        %dma_wait3A_669 = tpu.memref_slice %arg17[%dma_wait3A_667, %dma_wait3A_668] : memref<10240x16xf32, #tpu.memory_space<vmem_shared>> -> memref<128x16xf32, #tpu.memory_space<vmem_shared>>
        tpu.wait_dma2 semaphore(%arg20 : memref<!tpu.dma_semaphore, #tpu.memory_space<semaphore_mem>>) src(%arg15 : memref<128x16xf32, #tpu.memory_space<vmem>>) dst(%dma_wait3A_669 : memref<128x16xf32, #tpu.memory_space<vmem_shared>>)
      } else {
      }
    }
    %scan3A_175 = arith.constant 25 : i32
    %dma_start3A_176 = arith.constant 1 : i32
    %dma_start3A_177 = arith.constant 50 : i32
    "tpu.trace_stop"() : () -> ()
    %dma_start3A_178 = arith.constant 0 : i32
    %dma_start3A_179 = tpu.memref_slice %arg9[%dma_start3A_177, %dma_start3A_178] : memref<100x128xi32, #tpu.memory_space<vmem>> -> memref<1x128xi32, #tpu.memory_space<vmem>>
    %dma_start3A_180 = tpu.memref_squeeze %dma_start3A_179 : memref<1x128xi32, #tpu.memory_space<vmem>> -> memref<128xi32, #tpu.memory_space<vmem>>
    %dma_start3A_181 = arith.constant 0 : i32
    %dma_start3A_182 = arith.constant 0 : i32
    %dma_start3A_183 = arith.constant 0 : i32
    %dma_start3A_184 = tpu.memref_slice %arg2[%dma_start3A_176, %dma_start3A_181, %dma_start3A_182, %dma_start3A_183] : memref<5x2x10000x64xbf16, #tpu.memory_space<hbm>> -> memref<1x2x10000x64xbf16, #tpu.memory_space<hbm>>
    %dma_start3A_185 = tpu.memref_squeeze %dma_start3A_184 : memref<1x2x10000x64xbf16, #tpu.memory_space<hbm>> -> memref<2x10000x64xbf16, #tpu.memory_space<hbm>>
    %dma_start3A_186 = arith.constant 0 : i32
    %dma_start3A_187 = arith.constant 0 : i32
    %dma_start3A_188 = tpu.memref_slice %dma_start3A_185[%arg0, %dma_start3A_186, %dma_start3A_187] : memref<2x10000x64xbf16, #tpu.memory_space<hbm>> -> memref<1x10000x64xbf16, #tpu.memory_space<hbm>>
    %dma_start3A_189 = tpu.memref_squeeze %dma_start3A_188 : memref<1x10000x64xbf16, #tpu.memory_space<hbm>> -> memref<10000x64xbf16, #tpu.memory_space<hbm>>
    %dma_start3A_190 = arith.constant 0 : i32
    %dma_start3A_191 = arith.constant 0 : i32
    %dma_start3A_192 = tpu.memref_slice %dma_start3A_189[%dma_start3A_190, %dma_start3A_191] : memref<10000x64xbf16, #tpu.memory_space<hbm>> -> memref<10000x64xbf16, #tpu.memory_space<hbm>>
    tpu.enqueue_indirect_dma source(%dma_start3A_192 : memref<10000x64xbf16, #tpu.memory_space<hbm>>) target(%arg12 : memref<128x64xbf16, #tpu.memory_space<vmem>>) offsets(%dma_start3A_180 : memref<128xi32, #tpu.memory_space<vmem>>) semaphore(%arg18 : memref<!tpu.dma_semaphore, #tpu.memory_space<semaphore_mem>>)
    "tpu.trace_start"() <{level = 10 : i32, message = "stream0_1"}> : () -> ()
    %scan3A_193 = arith.constant 0 : i32
    %scan3A_194 = arith.constant 1 : i32
    %scan3A_195 = arith.constant 0 : i32
    %scan3A_196 = arith.constant 25 : i32
    %scan3A_197 = arith.addi %scan3A_195, %scan3A_196 : i32
    %scan3A_198 = arith.constant 1 : i32
    scf.for %scan3A_579 = %scan3A_195 to %scan3A_197 step %scan3A_198  : i32 {
      %mul3A_580 = arith.constant 2 : i32
      %mul3A_581 = arith.muli %mul3A_580, %scan3A_579 : i32
      %add3A_582 = arith.constant 50 : i32
      %add3A_583 = arith.addi %add3A_582, %mul3A_581 : i32
      %add3A_584 = arith.constant 1 : i32
      %add3A_585 = arith.addi %add3A_583, %add3A_584 : i32
      %dma_start3A_586 = arith.constant 0 : i32
      %dma_start3A_587 = tpu.memref_slice %arg9[%add3A_585, %dma_start3A_586] : memref<100x128xi32, #tpu.memory_space<vmem>> -> memref<1x128xi32, #tpu.memory_space<vmem>>
      %dma_start3A_588 = tpu.memref_squeeze %dma_start3A_587 : memref<1x128xi32, #tpu.memory_space<vmem>> -> memref<128xi32, #tpu.memory_space<vmem>>
      %dma_start3A_589 = arith.constant 0 : i32
      %dma_start3A_590 = arith.constant 0 : i32
      %dma_start3A_591 = arith.constant 0 : i32
      %dma_start3A_592 = tpu.memref_slice %arg2[%scan3A_194, %dma_start3A_589, %dma_start3A_590, %dma_start3A_591] : memref<5x2x10000x64xbf16, #tpu.memory_space<hbm>> -> memref<1x2x10000x64xbf16, #tpu.memory_space<hbm>>
      %dma_start3A_593 = tpu.memref_squeeze %dma_start3A_592 : memref<1x2x10000x64xbf16, #tpu.memory_space<hbm>> -> memref<2x10000x64xbf16, #tpu.memory_space<hbm>>
      %dma_start3A_594 = arith.constant 0 : i32
      %dma_start3A_595 = arith.constant 0 : i32
      %dma_start3A_596 = tpu.memref_slice %dma_start3A_593[%arg0, %dma_start3A_594, %dma_start3A_595] : memref<2x10000x64xbf16, #tpu.memory_space<hbm>> -> memref<1x10000x64xbf16, #tpu.memory_space<hbm>>
      %dma_start3A_597 = tpu.memref_squeeze %dma_start3A_596 : memref<1x10000x64xbf16, #tpu.memory_space<hbm>> -> memref<10000x64xbf16, #tpu.memory_space<hbm>>
      %dma_start3A_598 = arith.constant 0 : i32
      %dma_start3A_599 = arith.constant 0 : i32
      %dma_start3A_600 = tpu.memref_slice %dma_start3A_597[%dma_start3A_598, %dma_start3A_599] : memref<10000x64xbf16, #tpu.memory_space<hbm>> -> memref<10000x64xbf16, #tpu.memory_space<hbm>>
      tpu.enqueue_indirect_dma source(%dma_start3A_600 : memref<10000x64xbf16, #tpu.memory_space<hbm>>) target(%arg13 : memref<128x64xbf16, #tpu.memory_space<vmem>>) offsets(%dma_start3A_588 : memref<128xi32, #tpu.memory_space<vmem>>) semaphore(%arg19 : memref<!tpu.dma_semaphore, #tpu.memory_space<semaphore_mem>>)
      %dma_wait3A = arith.constant 0 : i32
      %dma_wait3A_601 = arith.constant 0 : i32
      %dma_wait3A_602 = arith.constant 0 : i32
      %dma_wait3A_603 = tpu.memref_slice %arg2[%scan3A_194, %dma_wait3A, %dma_wait3A_601, %dma_wait3A_602] : memref<5x2x10000x64xbf16, #tpu.memory_space<hbm>> -> memref<1x2x10000x64xbf16, #tpu.memory_space<hbm>>
      %dma_wait3A_604 = tpu.memref_squeeze %dma_wait3A_603 : memref<1x2x10000x64xbf16, #tpu.memory_space<hbm>> -> memref<2x10000x64xbf16, #tpu.memory_space<hbm>>
      %dma_wait3A_605 = arith.constant 0 : i32
      %dma_wait3A_606 = arith.constant 0 : i32
      %dma_wait3A_607 = tpu.memref_slice %dma_wait3A_604[%arg0, %dma_wait3A_605, %dma_wait3A_606] : memref<2x10000x64xbf16, #tpu.memory_space<hbm>> -> memref<1x10000x64xbf16, #tpu.memory_space<hbm>>
      %dma_wait3A_608 = tpu.memref_squeeze %dma_wait3A_607 : memref<1x10000x64xbf16, #tpu.memory_space<hbm>> -> memref<10000x64xbf16, #tpu.memory_space<hbm>>
      %dma_wait3A_609 = arith.constant 0 : i32
      %dma_wait3A_610 = arith.constant 0 : i32
      %dma_wait3A_611 = tpu.memref_slice %dma_wait3A_608[%dma_wait3A_609, %dma_wait3A_610] : memref<10000x64xbf16, #tpu.memory_space<hbm>> -> memref<128x64xbf16, #tpu.memory_space<hbm>>
      %dma_wait3A_612 = arith.constant 0 : i32
      %dma_wait3A_613 = arith.constant 0 : i32
      %dma_wait3A_614 = arith.constant 0 : i32
      %dma_wait3A_615 = tpu.memref_slice %arg2[%scan3A_194, %dma_wait3A_612, %dma_wait3A_613, %dma_wait3A_614] : memref<5x2x10000x64xbf16, #tpu.memory_space<hbm>> -> memref<1x2x10000x64xbf16, #tpu.memory_space<hbm>>
      %dma_wait3A_616 = tpu.memref_squeeze %dma_wait3A_615 : memref<1x2x10000x64xbf16, #tpu.memory_space<hbm>> -> memref<2x10000x64xbf16, #tpu.memory_space<hbm>>
      %dma_wait3A_617 = arith.constant 0 : i32
      %dma_wait3A_618 = arith.constant 0 : i32
      %dma_wait3A_619 = tpu.memref_slice %dma_wait3A_616[%arg0, %dma_wait3A_617, %dma_wait3A_618] : memref<2x10000x64xbf16, #tpu.memory_space<hbm>> -> memref<1x10000x64xbf16, #tpu.memory_space<hbm>>
      %dma_wait3A_620 = tpu.memref_squeeze %dma_wait3A_619 : memref<1x10000x64xbf16, #tpu.memory_space<hbm>> -> memref<10000x64xbf16, #tpu.memory_space<hbm>>
      %dma_wait3A_621 = arith.constant 0 : i32
      %dma_wait3A_622 = arith.constant 0 : i32
      %dma_wait3A_623 = tpu.memref_slice %dma_wait3A_620[%dma_wait3A_621, %dma_wait3A_622] : memref<10000x64xbf16, #tpu.memory_space<hbm>> -> memref<128x64xbf16, #tpu.memory_space<hbm>>
      tpu.wait_dma2 semaphore(%arg18 : memref<!tpu.dma_semaphore, #tpu.memory_space<semaphore_mem>>) src(%dma_wait3A_623 : memref<128x64xbf16, #tpu.memory_space<hbm>>) dst(%arg12 : memref<128x64xbf16, #tpu.memory_space<vmem>>)
      "tpu.region"() ({
        %run_scoped3A_648 = tpu.sem_alloc : memref<!tpu.dma_semaphore, #tpu.memory_space<semaphore_mem>>
        %dma_start3A_649 = arith.constant 0 : i32
        %dma_start3A_650 = tpu.memref_slice %arg10[%mul3A_581, %dma_start3A_649] : memref<50x128xi32, #tpu.memory_space<vmem>> -> memref<1x128xi32, #tpu.memory_space<vmem>>
        %dma_start3A_651 = tpu.memref_squeeze %dma_start3A_650 : memref<1x128xi32, #tpu.memory_space<vmem>> -> memref<128xi32, #tpu.memory_space<vmem>>
        %dma_start3A_652 = arith.constant 0 : i32
        %dma_start3A_653 = arith.constant 0 : i32
        %dma_start3A_654 = tpu.memref_slice %arg16[%dma_start3A_652, %dma_start3A_653] : memref<10240x64xbf16, #tpu.memory_space<vmem_shared>> -> memref<10240x64xbf16, #tpu.memory_space<vmem_shared>>
        tpu.enqueue_indirect_dma source(%arg12 : memref<128x64xbf16, #tpu.memory_space<vmem>>) target(%dma_start3A_654 : memref<10240x64xbf16, #tpu.memory_space<vmem_shared>>) offsets(%dma_start3A_651 : memref<128xi32, #tpu.memory_space<vmem>>) semaphore(%run_scoped3A_648 : memref<!tpu.dma_semaphore, #tpu.memory_space<semaphore_mem>>) {add = true}
        %dma_wait3A_655 = arith.constant 0 : i32
        %dma_wait3A_656 = tpu.memref_slice %arg10[%mul3A_581, %dma_wait3A_655] : memref<50x128xi32, #tpu.memory_space<vmem>> -> memref<1x128xi32, #tpu.memory_space<vmem>>
        %dma_wait3A_657 = tpu.memref_squeeze %dma_wait3A_656 : memref<1x128xi32, #tpu.memory_space<vmem>> -> memref<128xi32, #tpu.memory_space<vmem>>
        %dma_wait3A_658 = arith.constant 0 : i32
        %dma_wait3A_659 = arith.constant 0 : i32
        %dma_wait3A_660 = tpu.memref_slice %arg16[%dma_wait3A_658, %dma_wait3A_659] : memref<10240x64xbf16, #tpu.memory_space<vmem_shared>> -> memref<10240x64xbf16, #tpu.memory_space<vmem_shared>>
        tpu.wait_indirect_dma semaphore(%run_scoped3A_648 : memref<!tpu.dma_semaphore, #tpu.memory_space<semaphore_mem>>) src(%arg12 : memref<128x64xbf16, #tpu.memory_space<vmem>>) dst(%dma_wait3A_660 : memref<10240x64xbf16, #tpu.memory_space<vmem_shared>>)
        tpu.yield
      }) : () -> ()
      %add3A_624 = arith.constant 2 : i32
      %add3A_625 = arith.addi %mul3A_581, %add3A_624 : i32
      %lt3A_626 = arith.constant 50 : i32
      %lt3A_627 = arith.cmpi slt, %add3A_625, %lt3A_626 : i32
      %convert_element_type3A_628 = arith.extui %lt3A_627 : i1 to i32
      %cond3A_629 = arith.constant 0 : i32
      %cond3A_630 = arith.cmpi ne, %convert_element_type3A_628, %cond3A_629 : i32
      scf.if %cond3A_630 {
        %add3A_648 = arith.constant 50 : i32
        %add3A_649 = arith.addi %add3A_648, %mul3A_581 : i32
        %add3A_650 = arith.constant 2 : i32
        %add3A_651 = arith.addi %add3A_649, %add3A_650 : i32
        %dma_start3A_652 = arith.constant 0 : i32
        %dma_start3A_653 = tpu.memref_slice %arg9[%add3A_651, %dma_start3A_652] : memref<100x128xi32, #tpu.memory_space<vmem>> -> memref<1x128xi32, #tpu.memory_space<vmem>>
        %dma_start3A_654 = tpu.memref_squeeze %dma_start3A_653 : memref<1x128xi32, #tpu.memory_space<vmem>> -> memref<128xi32, #tpu.memory_space<vmem>>
        %dma_start3A_655 = arith.constant 0 : i32
        %dma_start3A_656 = arith.constant 0 : i32
        %dma_start3A_657 = arith.constant 0 : i32
        %dma_start3A_658 = tpu.memref_slice %arg2[%scan3A_194, %dma_start3A_655, %dma_start3A_656, %dma_start3A_657] : memref<5x2x10000x64xbf16, #tpu.memory_space<hbm>> -> memref<1x2x10000x64xbf16, #tpu.memory_space<hbm>>
        %dma_start3A_659 = tpu.memref_squeeze %dma_start3A_658 : memref<1x2x10000x64xbf16, #tpu.memory_space<hbm>> -> memref<2x10000x64xbf16, #tpu.memory_space<hbm>>
        %dma_start3A_660 = arith.constant 0 : i32
        %dma_start3A_661 = arith.constant 0 : i32
        %dma_start3A_662 = tpu.memref_slice %dma_start3A_659[%arg0, %dma_start3A_660, %dma_start3A_661] : memref<2x10000x64xbf16, #tpu.memory_space<hbm>> -> memref<1x10000x64xbf16, #tpu.memory_space<hbm>>
        %dma_start3A_663 = tpu.memref_squeeze %dma_start3A_662 : memref<1x10000x64xbf16, #tpu.memory_space<hbm>> -> memref<10000x64xbf16, #tpu.memory_space<hbm>>
        %dma_start3A_664 = arith.constant 0 : i32
        %dma_start3A_665 = arith.constant 0 : i32
        %dma_start3A_666 = tpu.memref_slice %dma_start3A_663[%dma_start3A_664, %dma_start3A_665] : memref<10000x64xbf16, #tpu.memory_space<hbm>> -> memref<10000x64xbf16, #tpu.memory_space<hbm>>
        tpu.enqueue_indirect_dma source(%dma_start3A_666 : memref<10000x64xbf16, #tpu.memory_space<hbm>>) target(%arg12 : memref<128x64xbf16, #tpu.memory_space<vmem>>) offsets(%dma_start3A_654 : memref<128xi32, #tpu.memory_space<vmem>>) semaphore(%arg18 : memref<!tpu.dma_semaphore, #tpu.memory_space<semaphore_mem>>)
      } else {
      }
      %dma_wait3A_631 = arith.constant 0 : i32
      %dma_wait3A_632 = tpu.memref_slice %arg9[%add3A_585, %dma_wait3A_631] : memref<100x128xi32, #tpu.memory_space<vmem>> -> memref<1x128xi32, #tpu.memory_space<vmem>>
      %dma_wait3A_633 = tpu.memref_squeeze %dma_wait3A_632 : memref<1x128xi32, #tpu.memory_space<vmem>> -> memref<128xi32, #tpu.memory_space<vmem>>
      %dma_wait3A_634 = arith.constant 0 : i32
      %dma_wait3A_635 = arith.constant 0 : i32
      %dma_wait3A_636 = arith.constant 0 : i32
      %dma_wait3A_637 = tpu.memref_slice %arg2[%scan3A_194, %dma_wait3A_634, %dma_wait3A_635, %dma_wait3A_636] : memref<5x2x10000x64xbf16, #tpu.memory_space<hbm>> -> memref<1x2x10000x64xbf16, #tpu.memory_space<hbm>>
      %dma_wait3A_638 = tpu.memref_squeeze %dma_wait3A_637 : memref<1x2x10000x64xbf16, #tpu.memory_space<hbm>> -> memref<2x10000x64xbf16, #tpu.memory_space<hbm>>
      %dma_wait3A_639 = arith.constant 0 : i32
      %dma_wait3A_640 = arith.constant 0 : i32
      %dma_wait3A_641 = tpu.memref_slice %dma_wait3A_638[%arg0, %dma_wait3A_639, %dma_wait3A_640] : memref<2x10000x64xbf16, #tpu.memory_space<hbm>> -> memref<1x10000x64xbf16, #tpu.memory_space<hbm>>
      %dma_wait3A_642 = tpu.memref_squeeze %dma_wait3A_641 : memref<1x10000x64xbf16, #tpu.memory_space<hbm>> -> memref<10000x64xbf16, #tpu.memory_space<hbm>>
      %dma_wait3A_643 = arith.constant 0 : i32
      %dma_wait3A_644 = arith.constant 0 : i32
      %dma_wait3A_645 = tpu.memref_slice %dma_wait3A_642[%dma_wait3A_643, %dma_wait3A_644] : memref<10000x64xbf16, #tpu.memory_space<hbm>> -> memref<10000x64xbf16, #tpu.memory_space<hbm>>
      tpu.wait_indirect_dma semaphore(%arg19 : memref<!tpu.dma_semaphore, #tpu.memory_space<semaphore_mem>>) src(%dma_wait3A_645 : memref<10000x64xbf16, #tpu.memory_space<hbm>>) dst(%arg13 : memref<128x64xbf16, #tpu.memory_space<vmem>>)
      %add3A_646 = arith.constant 1 : i32
      %add3A_647 = arith.addi %mul3A_581, %add3A_646 : i32
      "tpu.region"() ({
        %run_scoped3A_648 = tpu.sem_alloc : memref<!tpu.dma_semaphore, #tpu.memory_space<semaphore_mem>>
        %dma_start3A_649 = arith.constant 0 : i32
        %dma_start3A_650 = tpu.memref_slice %arg10[%add3A_647, %dma_start3A_649] : memref<50x128xi32, #tpu.memory_space<vmem>> -> memref<1x128xi32, #tpu.memory_space<vmem>>
        %dma_start3A_651 = tpu.memref_squeeze %dma_start3A_650 : memref<1x128xi32, #tpu.memory_space<vmem>> -> memref<128xi32, #tpu.memory_space<vmem>>
        %dma_start3A_652 = arith.constant 0 : i32
        %dma_start3A_653 = arith.constant 0 : i32
        %dma_start3A_654 = tpu.memref_slice %arg16[%dma_start3A_652, %dma_start3A_653] : memref<10240x64xbf16, #tpu.memory_space<vmem_shared>> -> memref<10240x64xbf16, #tpu.memory_space<vmem_shared>>
        tpu.enqueue_indirect_dma source(%arg13 : memref<128x64xbf16, #tpu.memory_space<vmem>>) target(%dma_start3A_654 : memref<10240x64xbf16, #tpu.memory_space<vmem_shared>>) offsets(%dma_start3A_651 : memref<128xi32, #tpu.memory_space<vmem>>) semaphore(%run_scoped3A_648 : memref<!tpu.dma_semaphore, #tpu.memory_space<semaphore_mem>>) {add = true}
        %dma_wait3A_655 = arith.constant 0 : i32
        %dma_wait3A_656 = tpu.memref_slice %arg10[%add3A_647, %dma_wait3A_655] : memref<50x128xi32, #tpu.memory_space<vmem>> -> memref<1x128xi32, #tpu.memory_space<vmem>>
        %dma_wait3A_657 = tpu.memref_squeeze %dma_wait3A_656 : memref<1x128xi32, #tpu.memory_space<vmem>> -> memref<128xi32, #tpu.memory_space<vmem>>
        %dma_wait3A_658 = arith.constant 0 : i32
        %dma_wait3A_659 = arith.constant 0 : i32
        %dma_wait3A_660 = tpu.memref_slice %arg16[%dma_wait3A_658, %dma_wait3A_659] : memref<10240x64xbf16, #tpu.memory_space<vmem_shared>> -> memref<10240x64xbf16, #tpu.memory_space<vmem_shared>>
        tpu.wait_indirect_dma semaphore(%run_scoped3A_648 : memref<!tpu.dma_semaphore, #tpu.memory_space<semaphore_mem>>) src(%arg13 : memref<128x64xbf16, #tpu.memory_space<vmem>>) dst(%dma_wait3A_660 : memref<10240x64xbf16, #tpu.memory_space<vmem_shared>>)
        tpu.yield
      }) : () -> ()
    }
    %scan3A_199 = arith.constant 25 : i32
    "tpu.trace_stop"() : () -> ()
    %barrier3A_200 = arith.constant 0 : index
    tpu.barrier barrier_id(%barrier3A_200)
    %mul3A_201 = arith.constant 64 : i32
    %mul3A_202 = arith.muli %arg0, %mul3A_201 : i32
    %run_scoped3A_203 = arith.constant 0 : i32
    "tpu.region"() ({
      %run_scoped3A_579 = tpu.sem_alloc : memref<!tpu.dma_semaphore, #tpu.memory_space<semaphore_mem>>
      %dma_start3A_580 = tpu.memref_slice %arg5[%run_scoped3A_203, %mul3A_0, %mul3A_202] : memref<2x10240x128xbf16, #tpu.memory_space<hbm>> -> memref<1x640x64xbf16, #tpu.memory_space<hbm>>
      %dma_start3A_581 = tpu.memref_squeeze %dma_start3A_580 : memref<1x640x64xbf16, #tpu.memory_space<hbm>> -> memref<640x64xbf16, #tpu.memory_space<hbm>>
      %dma_start3A_582 = arith.constant 0 : i32
      %dma_start3A_583 = tpu.memref_slice %arg16[%mul3A_0, %dma_start3A_582] : memref<10240x64xbf16, #tpu.memory_space<vmem_shared>> -> memref<640x64xbf16, #tpu.memory_space<vmem_shared>>
      tpu.enqueue_dma source(%dma_start3A_583 : memref<640x64xbf16, #tpu.memory_space<vmem_shared>>) target(%dma_start3A_581 : memref<640x64xbf16, #tpu.memory_space<hbm>>) target_semaphore(%run_scoped3A_579 : memref<!tpu.dma_semaphore, #tpu.memory_space<semaphore_mem>>)
      %dma_wait3A = tpu.memref_slice %arg5[%run_scoped3A_203, %mul3A_0, %mul3A_202] : memref<2x10240x128xbf16, #tpu.memory_space<hbm>> -> memref<1x640x64xbf16, #tpu.memory_space<hbm>>
      %dma_wait3A_584 = tpu.memref_squeeze %dma_wait3A : memref<1x640x64xbf16, #tpu.memory_space<hbm>> -> memref<640x64xbf16, #tpu.memory_space<hbm>>
      %dma_wait3A_585 = arith.constant 0 : i32
      %dma_wait3A_586 = tpu.memref_slice %arg16[%mul3A_0, %dma_wait3A_585] : memref<10240x64xbf16, #tpu.memory_space<vmem_shared>> -> memref<640x64xbf16, #tpu.memory_space<vmem_shared>>
      tpu.wait_dma2 semaphore(%run_scoped3A_579 : memref<!tpu.dma_semaphore, #tpu.memory_space<semaphore_mem>>) src(%dma_wait3A_586 : memref<640x64xbf16, #tpu.memory_space<vmem_shared>>) dst(%dma_wait3A_584 : memref<640x64xbf16, #tpu.memory_space<hbm>>)
      tpu.yield
    }) : () -> ()
    %eq3A_204 = arith.constant 0 : i32
    %eq3A_205 = arith.cmpi eq, %arg0, %eq3A_204 : i32
    %convert_element_type3A = arith.extui %eq3A_205 : i1 to i32
    %cond3A = arith.constant 0 : i32
    %cond3A_206 = arith.cmpi ne, %convert_element_type3A, %cond3A : i32
    scf.if %cond3A_206 {
      %run_scoped3A_579 = arith.constant 0 : i32
      "tpu.region"() ({
        %run_scoped3A_580 = tpu.sem_alloc : memref<!tpu.dma_semaphore, #tpu.memory_space<semaphore_mem>>
        %dma_start3A_581 = arith.constant 0 : i32
        %dma_start3A_582 = tpu.memref_slice %arg6[%run_scoped3A_579, %mul3A_0, %dma_start3A_581] : memref<2x10240x16xf32, #tpu.memory_space<hbm>> -> memref<1x640x16xf32, #tpu.memory_space<hbm>>
        %dma_start3A_583 = tpu.memref_squeeze %dma_start3A_582 : memref<1x640x16xf32, #tpu.memory_space<hbm>> -> memref<640x16xf32, #tpu.memory_space<hbm>>
        %dma_start3A_584 = arith.constant 0 : i32
        %dma_start3A_585 = tpu.memref_slice %arg17[%mul3A_0, %dma_start3A_584] : memref<10240x16xf32, #tpu.memory_space<vmem_shared>> -> memref<640x16xf32, #tpu.memory_space<vmem_shared>>
        tpu.enqueue_dma source(%dma_start3A_585 : memref<640x16xf32, #tpu.memory_space<vmem_shared>>) target(%dma_start3A_583 : memref<640x16xf32, #tpu.memory_space<hbm>>) target_semaphore(%run_scoped3A_580 : memref<!tpu.dma_semaphore, #tpu.memory_space<semaphore_mem>>)
        %dma_wait3A = arith.constant 0 : i32
        %dma_wait3A_586 = tpu.memref_slice %arg6[%run_scoped3A_579, %mul3A_0, %dma_wait3A] : memref<2x10240x16xf32, #tpu.memory_space<hbm>> -> memref<1x640x16xf32, #tpu.memory_space<hbm>>
        %dma_wait3A_587 = tpu.memref_squeeze %dma_wait3A_586 : memref<1x640x16xf32, #tpu.memory_space<hbm>> -> memref<640x16xf32, #tpu.memory_space<hbm>>
        %dma_wait3A_588 = arith.constant 0 : i32
        %dma_wait3A_589 = tpu.memref_slice %arg17[%mul3A_0, %dma_wait3A_588] : memref<10240x16xf32, #tpu.memory_space<vmem_shared>> -> memref<640x16xf32, #tpu.memory_space<vmem_shared>>
        tpu.wait_dma2 semaphore(%run_scoped3A_580 : memref<!tpu.dma_semaphore, #tpu.memory_space<semaphore_mem>>) src(%dma_wait3A_589 : memref<640x16xf32, #tpu.memory_space<vmem_shared>>) dst(%dma_wait3A_587 : memref<640x16xf32, #tpu.memory_space<hbm>>)
        tpu.yield
      }) : () -> ()
    } else {
    }
    %scan3A_207 = arith.constant 0 : i32
    %scan3A_208 = arith.constant 0 : i32
    %scan3A_209 = arith.constant 128 : i32
    %scan3A_210 = arith.addi %scan3A_208, %scan3A_209 : i32
    %scan3A_211 = arith.constant 1 : i32
    scf.for %scan3A_579 = %scan3A_208 to %scan3A_210 step %scan3A_211  : i32 {
      %broadcast_in_dim3A = arith.constant 0.000000e+00 : bf16
      %broadcast_in_dim3A_580 = vector.broadcast %broadcast_in_dim3A : bf16 to vector<32xbf16>
      %swap3A = arith.index_cast %scan3A_579 : i32 to index
      %swap3A_581 = arith.constant 0 : index
      %swap3A_582 = tpu.vector_load %arg12[%swap3A, %swap3A_581] {strides = array<i32>} : memref<128x64xbf16, #tpu.memory_space<vmem>>, vector<32xbf16>,
      tpu.vector_store %arg12[%swap3A, %swap3A_581], %broadcast_in_dim3A_580 {strides = array<i32>} : memref<128x64xbf16, #tpu.memory_space<vmem>>, vector<32xbf16>,
      %broadcast_in_dim3A_583 = arith.constant 0.000000e+00 : bf16
      %broadcast_in_dim3A_584 = vector.broadcast %broadcast_in_dim3A_583 : bf16 to vector<32xbf16>
      %swap3A_585 = arith.index_cast %scan3A_579 : i32 to index
      %swap3A_586 = arith.constant 32 : index
      %swap3A_587 = tpu.vector_load %arg12[%swap3A_585, %swap3A_586] {strides = array<i32>} : memref<128x64xbf16, #tpu.memory_space<vmem>>, vector<32xbf16>,
      tpu.vector_store %arg12[%swap3A_585, %swap3A_586], %broadcast_in_dim3A_584 {strides = array<i32>} : memref<128x64xbf16, #tpu.memory_space<vmem>>, vector<32xbf16>,
    }
    %scan3A_212 = arith.constant 128 : i32
    %add3A_213 = arith.constant 0 : i32
    %add3A_214 = arith.addi %mul3A_0, %add3A_213 : i32
    "tpu.region"() ({
      %run_scoped3A_579 = tpu.sem_alloc : memref<!tpu.dma_semaphore, #tpu.memory_space<semaphore_mem>>
      %dma_start3A_580 = arith.constant 0 : i32
      %dma_start3A_581 = tpu.memref_slice %arg16[%add3A_214, %dma_start3A_580] : memref<10240x64xbf16, #tpu.memory_space<vmem_shared>> -> memref<128x64xbf16, #tpu.memory_space<vmem_shared>>
      %dma_start3A_582 = arith.constant 0 : i32
      %dma_start3A_583 = tpu.memref_slice %arg16[%add3A_214, %dma_start3A_582] : memref<10240x64xbf16, #tpu.memory_space<vmem_shared>> -> memref<128x64xbf16, #tpu.memory_space<vmem_shared>>
      tpu.enqueue_dma source(%arg12 : memref<128x64xbf16, #tpu.memory_space<vmem>>) target(%dma_start3A_583 : memref<128x64xbf16, #tpu.memory_space<vmem_shared>>) target_semaphore(%run_scoped3A_579 : memref<!tpu.dma_semaphore, #tpu.memory_space<semaphore_mem>>)
      %dma_wait3A = arith.constant 0 : i32
      %dma_wait3A_584 = tpu.memref_slice %arg16[%add3A_214, %dma_wait3A] : memref<10240x64xbf16, #tpu.memory_space<vmem_shared>> -> memref<128x64xbf16, #tpu.memory_space<vmem_shared>>
      %dma_wait3A_585 = arith.constant 0 : i32
      %dma_wait3A_586 = tpu.memref_slice %arg16[%add3A_214, %dma_wait3A_585] : memref<10240x64xbf16, #tpu.memory_space<vmem_shared>> -> memref<128x64xbf16, #tpu.memory_space<vmem_shared>>
      tpu.wait_dma2 semaphore(%run_scoped3A_579 : memref<!tpu.dma_semaphore, #tpu.memory_space<semaphore_mem>>) src(%arg12 : memref<128x64xbf16, #tpu.memory_space<vmem>>) dst(%dma_wait3A_586 : memref<128x64xbf16, #tpu.memory_space<vmem_shared>>)
      tpu.yield
    }) : () -> ()
    %add3A_215 = arith.constant 0 : i32
    %add3A_216 = arith.addi %mul3A_0, %add3A_215 : i32
    "tpu.region"() ({
      %run_scoped3A_579 = tpu.sem_alloc : memref<!tpu.dma_semaphore, #tpu.memory_space<semaphore_mem>>
      %dma_start3A_580 = arith.constant 0 : i32
      %dma_start3A_581 = tpu.memref_slice %arg17[%add3A_216, %dma_start3A_580] : memref<10240x16xf32, #tpu.memory_space<vmem_shared>> -> memref<128x16xf32, #tpu.memory_space<vmem_shared>>
      %dma_start3A_582 = arith.constant 0 : i32
      %dma_start3A_583 = tpu.memref_slice %arg17[%add3A_216, %dma_start3A_582] : memref<10240x16xf32, #tpu.memory_space<vmem_shared>> -> memref<128x16xf32, #tpu.memory_space<vmem_shared>>
      tpu.enqueue_dma source(%arg14 : memref<128x16xf32, #tpu.memory_space<vmem>>) target(%dma_start3A_583 : memref<128x16xf32, #tpu.memory_space<vmem_shared>>) target_semaphore(%run_scoped3A_579 : memref<!tpu.dma_semaphore, #tpu.memory_space<semaphore_mem>>)
      %dma_wait3A = arith.constant 0 : i32
      %dma_wait3A_584 = tpu.memref_slice %arg17[%add3A_216, %dma_wait3A] : memref<10240x16xf32, #tpu.memory_space<vmem_shared>> -> memref<128x16xf32, #tpu.memory_space<vmem_shared>>
      %dma_wait3A_585 = arith.constant 0 : i32
      %dma_wait3A_586 = tpu.memref_slice %arg17[%add3A_216, %dma_wait3A_585] : memref<10240x16xf32, #tpu.memory_space<vmem_shared>> -> memref<128x16xf32, #tpu.memory_space<vmem_shared>>
      tpu.wait_dma2 semaphore(%run_scoped3A_579 : memref<!tpu.dma_semaphore, #tpu.memory_space<semaphore_mem>>) src(%arg14 : memref<128x16xf32, #tpu.memory_space<vmem>>) dst(%dma_wait3A_586 : memref<128x16xf32, #tpu.memory_space<vmem_shared>>)
      tpu.yield
    }) : () -> ()
    %add3A_217 = arith.constant 128 : i32
    %add3A_218 = arith.addi %mul3A_0, %add3A_217 : i32
    "tpu.region"() ({
      %run_scoped3A_579 = tpu.sem_alloc : memref<!tpu.dma_semaphore, #tpu.memory_space<semaphore_mem>>
      %dma_start3A_580 = arith.constant 0 : i32
      %dma_start3A_581 = tpu.memref_slice %arg16[%add3A_218, %dma_start3A_580] : memref<10240x64xbf16, #tpu.memory_space<vmem_shared>> -> memref<128x64xbf16, #tpu.memory_space<vmem_shared>>
      %dma_start3A_582 = arith.constant 0 : i32
      %dma_start3A_583 = tpu.memref_slice %arg16[%add3A_218, %dma_start3A_582] : memref<10240x64xbf16, #tpu.memory_space<vmem_shared>> -> memref<128x64xbf16, #tpu.memory_space<vmem_shared>>
      tpu.enqueue_dma source(%arg12 : memref<128x64xbf16, #tpu.memory_space<vmem>>) target(%dma_start3A_583 : memref<128x64xbf16, #tpu.memory_space<vmem_shared>>) target_semaphore(%run_scoped3A_579 : memref<!tpu.dma_semaphore, #tpu.memory_space<semaphore_mem>>)
      %dma_wait3A = arith.constant 0 : i32
      %dma_wait3A_584 = tpu.memref_slice %arg16[%add3A_218, %dma_wait3A] : memref<10240x64xbf16, #tpu.memory_space<vmem_shared>> -> memref<128x64xbf16, #tpu.memory_space<vmem_shared>>
      %dma_wait3A_585 = arith.constant 0 : i32
      %dma_wait3A_586 = tpu.memref_slice %arg16[%add3A_218, %dma_wait3A_585] : memref<10240x64xbf16, #tpu.memory_space<vmem_shared>> -> memref<128x64xbf16, #tpu.memory_space<vmem_shared>>
      tpu.wait_dma2 semaphore(%run_scoped3A_579 : memref<!tpu.dma_semaphore, #tpu.memory_space<semaphore_mem>>) src(%arg12 : memref<128x64xbf16, #tpu.memory_space<vmem>>) dst(%dma_wait3A_586 : memref<128x64xbf16, #tpu.memory_space<vmem_shared>>)
      tpu.yield
    }) : () -> ()
    %add3A_219 = arith.constant 128 : i32
    %add3A_220 = arith.addi %mul3A_0, %add3A_219 : i32
    "tpu.region"() ({
      %run_scoped3A_579 = tpu.sem_alloc : memref<!tpu.dma_semaphore, #tpu.memory_space<semaphore_mem>>
      %dma_start3A_580 = arith.constant 0 : i32
      %dma_start3A_581 = tpu.memref_slice %arg17[%add3A_220, %dma_start3A_580] : memref<10240x16xf32, #tpu.memory_space<vmem_shared>> -> memref<128x16xf32, #tpu.memory_space<vmem_shared>>
      %dma_start3A_582 = arith.constant 0 : i32
      %dma_start3A_583 = tpu.memref_slice %arg17[%add3A_220, %dma_start3A_582] : memref<10240x16xf32, #tpu.memory_space<vmem_shared>> -> memref<128x16xf32, #tpu.memory_space<vmem_shared>>
      tpu.enqueue_dma source(%arg14 : memref<128x16xf32, #tpu.memory_space<vmem>>) target(%dma_start3A_583 : memref<128x16xf32, #tpu.memory_space<vmem_shared>>) target_semaphore(%run_scoped3A_579 : memref<!tpu.dma_semaphore, #tpu.memory_space<semaphore_mem>>)
      %dma_wait3A = arith.constant 0 : i32
      %dma_wait3A_584 = tpu.memref_slice %arg17[%add3A_220, %dma_wait3A] : memref<10240x16xf32, #tpu.memory_space<vmem_shared>> -> memref<128x16xf32, #tpu.memory_space<vmem_shared>>
      %dma_wait3A_585 = arith.constant 0 : i32
      %dma_wait3A_586 = tpu.memref_slice %arg17[%add3A_220, %dma_wait3A_585] : memref<10240x16xf32, #tpu.memory_space<vmem_shared>> -> memref<128x16xf32, #tpu.memory_space<vmem_shared>>
      tpu.wait_dma2 semaphore(%run_scoped3A_579 : memref<!tpu.dma_semaphore, #tpu.memory_space<semaphore_mem>>) src(%arg14 : memref<128x16xf32, #tpu.memory_space<vmem>>) dst(%dma_wait3A_586 : memref<128x16xf32, #tpu.memory_space<vmem_shared>>)
      tpu.yield
    }) : () -> ()
    %add3A_221 = arith.constant 256 : i32
    %add3A_222 = arith.addi %mul3A_0, %add3A_221 : i32
    "tpu.region"() ({
      %run_scoped3A_579 = tpu.sem_alloc : memref<!tpu.dma_semaphore, #tpu.memory_space<semaphore_mem>>
      %dma_start3A_580 = arith.constant 0 : i32
      %dma_start3A_581 = tpu.memref_slice %arg16[%add3A_222, %dma_start3A_580] : memref<10240x64xbf16, #tpu.memory_space<vmem_shared>> -> memref<128x64xbf16, #tpu.memory_space<vmem_shared>>
      %dma_start3A_582 = arith.constant 0 : i32
      %dma_start3A_583 = tpu.memref_slice %arg16[%add3A_222, %dma_start3A_582] : memref<10240x64xbf16, #tpu.memory_space<vmem_shared>> -> memref<128x64xbf16, #tpu.memory_space<vmem_shared>>
      tpu.enqueue_dma source(%arg12 : memref<128x64xbf16, #tpu.memory_space<vmem>>) target(%dma_start3A_583 : memref<128x64xbf16, #tpu.memory_space<vmem_shared>>) target_semaphore(%run_scoped3A_579 : memref<!tpu.dma_semaphore, #tpu.memory_space<semaphore_mem>>)
      %dma_wait3A = arith.constant 0 : i32
      %dma_wait3A_584 = tpu.memref_slice %arg16[%add3A_222, %dma_wait3A] : memref<10240x64xbf16, #tpu.memory_space<vmem_shared>> -> memref<128x64xbf16, #tpu.memory_space<vmem_shared>>
      %dma_wait3A_585 = arith.constant 0 : i32
      %dma_wait3A_586 = tpu.memref_slice %arg16[%add3A_222, %dma_wait3A_585] : memref<10240x64xbf16, #tpu.memory_space<vmem_shared>> -> memref<128x64xbf16, #tpu.memory_space<vmem_shared>>
      tpu.wait_dma2 semaphore(%run_scoped3A_579 : memref<!tpu.dma_semaphore, #tpu.memory_space<semaphore_mem>>) src(%arg12 : memref<128x64xbf16, #tpu.memory_space<vmem>>) dst(%dma_wait3A_586 : memref<128x64xbf16, #tpu.memory_space<vmem_shared>>)
      tpu.yield
    }) : () -> ()
    %add3A_223 = arith.constant 256 : i32
    %add3A_224 = arith.addi %mul3A_0, %add3A_223 : i32
    "tpu.region"() ({
      %run_scoped3A_579 = tpu.sem_alloc : memref<!tpu.dma_semaphore, #tpu.memory_space<semaphore_mem>>
      %dma_start3A_580 = arith.constant 0 : i32
      %dma_start3A_581 = tpu.memref_slice %arg17[%add3A_224, %dma_start3A_580] : memref<10240x16xf32, #tpu.memory_space<vmem_shared>> -> memref<128x16xf32, #tpu.memory_space<vmem_shared>>
      %dma_start3A_582 = arith.constant 0 : i32
      %dma_start3A_583 = tpu.memref_slice %arg17[%add3A_224, %dma_start3A_582] : memref<10240x16xf32, #tpu.memory_space<vmem_shared>> -> memref<128x16xf32, #tpu.memory_space<vmem_shared>>
      tpu.enqueue_dma source(%arg14 : memref<128x16xf32, #tpu.memory_space<vmem>>) target(%dma_start3A_583 : memref<128x16xf32, #tpu.memory_space<vmem_shared>>) target_semaphore(%run_scoped3A_579 : memref<!tpu.dma_semaphore, #tpu.memory_space<semaphore_mem>>)
      %dma_wait3A = arith.constant 0 : i32
      %dma_wait3A_584 = tpu.memref_slice %arg17[%add3A_224, %dma_wait3A] : memref<10240x16xf32, #tpu.memory_space<vmem_shared>> -> memref<128x16xf32, #tpu.memory_space<vmem_shared>>
      %dma_wait3A_585 = arith.constant 0 : i32
      %dma_wait3A_586 = tpu.memref_slice %arg17[%add3A_224, %dma_wait3A_585] : memref<10240x16xf32, #tpu.memory_space<vmem_shared>> -> memref<128x16xf32, #tpu.memory_space<vmem_shared>>
      tpu.wait_dma2 semaphore(%run_scoped3A_579 : memref<!tpu.dma_semaphore, #tpu.memory_space<semaphore_mem>>) src(%arg14 : memref<128x16xf32, #tpu.memory_space<vmem>>) dst(%dma_wait3A_586 : memref<128x16xf32, #tpu.memory_space<vmem_shared>>)
      tpu.yield
    }) : () -> ()
    %add3A_225 = arith.constant 384 : i32
    %add3A_226 = arith.addi %mul3A_0, %add3A_225 : i32
    "tpu.region"() ({
      %run_scoped3A_579 = tpu.sem_alloc : memref<!tpu.dma_semaphore, #tpu.memory_space<semaphore_mem>>
      %dma_start3A_580 = arith.constant 0 : i32
      %dma_start3A_581 = tpu.memref_slice %arg16[%add3A_226, %dma_start3A_580] : memref<10240x64xbf16, #tpu.memory_space<vmem_shared>> -> memref<128x64xbf16, #tpu.memory_space<vmem_shared>>
      %dma_start3A_582 = arith.constant 0 : i32
      %dma_start3A_583 = tpu.memref_slice %arg16[%add3A_226, %dma_start3A_582] : memref<10240x64xbf16, #tpu.memory_space<vmem_shared>> -> memref<128x64xbf16, #tpu.memory_space<vmem_shared>>
      tpu.enqueue_dma source(%arg12 : memref<128x64xbf16, #tpu.memory_space<vmem>>) target(%dma_start3A_583 : memref<128x64xbf16, #tpu.memory_space<vmem_shared>>) target_semaphore(%run_scoped3A_579 : memref<!tpu.dma_semaphore, #tpu.memory_space<semaphore_mem>>)
      %dma_wait3A = arith.constant 0 : i32
      %dma_wait3A_584 = tpu.memref_slice %arg16[%add3A_226, %dma_wait3A] : memref<10240x64xbf16, #tpu.memory_space<vmem_shared>> -> memref<128x64xbf16, #tpu.memory_space<vmem_shared>>
      %dma_wait3A_585 = arith.constant 0 : i32
      %dma_wait3A_586 = tpu.memref_slice %arg16[%add3A_226, %dma_wait3A_585] : memref<10240x64xbf16, #tpu.memory_space<vmem_shared>> -> memref<128x64xbf16, #tpu.memory_space<vmem_shared>>
      tpu.wait_dma2 semaphore(%run_scoped3A_579 : memref<!tpu.dma_semaphore, #tpu.memory_space<semaphore_mem>>) src(%arg12 : memref<128x64xbf16, #tpu.memory_space<vmem>>) dst(%dma_wait3A_586 : memref<128x64xbf16, #tpu.memory_space<vmem_shared>>)
      tpu.yield
    }) : () -> ()
    %add3A_227 = arith.constant 384 : i32
    %add3A_228 = arith.addi %mul3A_0, %add3A_227 : i32
    "tpu.region"() ({
      %run_scoped3A_579 = tpu.sem_alloc : memref<!tpu.dma_semaphore, #tpu.memory_space<semaphore_mem>>
      %dma_start3A_580 = arith.constant 0 : i32
      %dma_start3A_581 = tpu.memref_slice %arg17[%add3A_228, %dma_start3A_580] : memref<10240x16xf32, #tpu.memory_space<vmem_shared>> -> memref<128x16xf32, #tpu.memory_space<vmem_shared>>
      %dma_start3A_582 = arith.constant 0 : i32
      %dma_start3A_583 = tpu.memref_slice %arg17[%add3A_228, %dma_start3A_582] : memref<10240x16xf32, #tpu.memory_space<vmem_shared>> -> memref<128x16xf32, #tpu.memory_space<vmem_shared>>
      tpu.enqueue_dma source(%arg14 : memref<128x16xf32, #tpu.memory_space<vmem>>) target(%dma_start3A_583 : memref<128x16xf32, #tpu.memory_space<vmem_shared>>) target_semaphore(%run_scoped3A_579 : memref<!tpu.dma_semaphore, #tpu.memory_space<semaphore_mem>>)
      %dma_wait3A = arith.constant 0 : i32
      %dma_wait3A_584 = tpu.memref_slice %arg17[%add3A_228, %dma_wait3A] : memref<10240x16xf32, #tpu.memory_space<vmem_shared>> -> memref<128x16xf32, #tpu.memory_space<vmem_shared>>
      %dma_wait3A_585 = arith.constant 0 : i32
      %dma_wait3A_586 = tpu.memref_slice %arg17[%add3A_228, %dma_wait3A_585] : memref<10240x16xf32, #tpu.memory_space<vmem_shared>> -> memref<128x16xf32, #tpu.memory_space<vmem_shared>>
      tpu.wait_dma2 semaphore(%run_scoped3A_579 : memref<!tpu.dma_semaphore, #tpu.memory_space<semaphore_mem>>) src(%arg14 : memref<128x16xf32, #tpu.memory_space<vmem>>) dst(%dma_wait3A_586 : memref<128x16xf32, #tpu.memory_space<vmem_shared>>)
      tpu.yield
    }) : () -> ()
    %add3A_229 = arith.constant 512 : i32
    %add3A_230 = arith.addi %mul3A_0, %add3A_229 : i32
    "tpu.region"() ({
      %run_scoped3A_579 = tpu.sem_alloc : memref<!tpu.dma_semaphore, #tpu.memory_space<semaphore_mem>>
      %dma_start3A_580 = arith.constant 0 : i32
      %dma_start3A_581 = tpu.memref_slice %arg16[%add3A_230, %dma_start3A_580] : memref<10240x64xbf16, #tpu.memory_space<vmem_shared>> -> memref<128x64xbf16, #tpu.memory_space<vmem_shared>>
      %dma_start3A_582 = arith.constant 0 : i32
      %dma_start3A_583 = tpu.memref_slice %arg16[%add3A_230, %dma_start3A_582] : memref<10240x64xbf16, #tpu.memory_space<vmem_shared>> -> memref<128x64xbf16, #tpu.memory_space<vmem_shared>>
      tpu.enqueue_dma source(%arg12 : memref<128x64xbf16, #tpu.memory_space<vmem>>) target(%dma_start3A_583 : memref<128x64xbf16, #tpu.memory_space<vmem_shared>>) target_semaphore(%run_scoped3A_579 : memref<!tpu.dma_semaphore, #tpu.memory_space<semaphore_mem>>)
      %dma_wait3A = arith.constant 0 : i32
      %dma_wait3A_584 = tpu.memref_slice %arg16[%add3A_230, %dma_wait3A] : memref<10240x64xbf16, #tpu.memory_space<vmem_shared>> -> memref<128x64xbf16, #tpu.memory_space<vmem_shared>>
      %dma_wait3A_585 = arith.constant 0 : i32
      %dma_wait3A_586 = tpu.memref_slice %arg16[%add3A_230, %dma_wait3A_585] : memref<10240x64xbf16, #tpu.memory_space<vmem_shared>> -> memref<128x64xbf16, #tpu.memory_space<vmem_shared>>
      tpu.wait_dma2 semaphore(%run_scoped3A_579 : memref<!tpu.dma_semaphore, #tpu.memory_space<semaphore_mem>>) src(%arg12 : memref<128x64xbf16, #tpu.memory_space<vmem>>) dst(%dma_wait3A_586 : memref<128x64xbf16, #tpu.memory_space<vmem_shared>>)
      tpu.yield
    }) : () -> ()
    %add3A_231 = arith.constant 512 : i32
    %add3A_232 = arith.addi %mul3A_0, %add3A_231 : i32
    "tpu.region"() ({
      %run_scoped3A_579 = tpu.sem_alloc : memref<!tpu.dma_semaphore, #tpu.memory_space<semaphore_mem>>
      %dma_start3A_580 = arith.constant 0 : i32
      %dma_start3A_581 = tpu.memref_slice %arg17[%add3A_232, %dma_start3A_580] : memref<10240x16xf32, #tpu.memory_space<vmem_shared>> -> memref<128x16xf32, #tpu.memory_space<vmem_shared>>
      %dma_start3A_582 = arith.constant 0 : i32
      %dma_start3A_583 = tpu.memref_slice %arg17[%add3A_232, %dma_start3A_582] : memref<10240x16xf32, #tpu.memory_space<vmem_shared>> -> memref<128x16xf32, #tpu.memory_space<vmem_shared>>
      tpu.enqueue_dma source(%arg14 : memref<128x16xf32, #tpu.memory_space<vmem>>) target(%dma_start3A_583 : memref<128x16xf32, #tpu.memory_space<vmem_shared>>) target_semaphore(%run_scoped3A_579 : memref<!tpu.dma_semaphore, #tpu.memory_space<semaphore_mem>>)
      %dma_wait3A = arith.constant 0 : i32
      %dma_wait3A_584 = tpu.memref_slice %arg17[%add3A_232, %dma_wait3A] : memref<10240x16xf32, #tpu.memory_space<vmem_shared>> -> memref<128x16xf32, #tpu.memory_space<vmem_shared>>
      %dma_wait3A_585 = arith.constant 0 : i32
      %dma_wait3A_586 = tpu.memref_slice %arg17[%add3A_232, %dma_wait3A_585] : memref<10240x16xf32, #tpu.memory_space<vmem_shared>> -> memref<128x16xf32, #tpu.memory_space<vmem_shared>>
      tpu.wait_dma2 semaphore(%run_scoped3A_579 : memref<!tpu.dma_semaphore, #tpu.memory_space<semaphore_mem>>) src(%arg14 : memref<128x16xf32, #tpu.memory_space<vmem>>) dst(%dma_wait3A_586 : memref<128x16xf32, #tpu.memory_space<vmem_shared>>)
      tpu.yield
    }) : () -> ()
    %barrier3A_233 = arith.constant 0 : index
    tpu.barrier barrier_id(%barrier3A_233)
    "tpu.trace_start"() <{level = 10 : i32, message = "spanload1"}> : () -> ()
    %mul3A_234 = arith.constant 7680 : i32
    %mul3A_235 = arith.muli %arg1, %mul3A_234 : i32
    %run_scoped3A_236 = arith.constant 0 : i32
    "tpu.region"() ({
      %run_scoped3A_579 = tpu.sem_alloc : memref<!tpu.dma_semaphore, #tpu.memory_space<semaphore_mem>>
      %dma_start3A_580 = arith.constant 0 : i32
      %dma_start3A_581 = tpu.memref_slice %arg7[%dma_start3A_580] : memref<12800xi32, #tpu.memory_space<vmem>> -> memref<7680xi32, #tpu.memory_space<vmem>>
      %dma_start3A_582 = tpu.memref_slice %arg4[%run_scoped3A_236, %mul3A_235] : memref<2x122880xi32, #tpu.memory_space<hbm>> -> memref<1x7680xi32, #tpu.memory_space<hbm>>
      %dma_start3A_583 = tpu.memref_squeeze %dma_start3A_582 : memref<1x7680xi32, #tpu.memory_space<hbm>> -> memref<7680xi32, #tpu.memory_space<hbm>>
      %dma_start3A_584 = arith.constant 0 : i32
      %dma_start3A_585 = tpu.memref_slice %arg7[%dma_start3A_584] : memref<12800xi32, #tpu.memory_space<vmem>> -> memref<7680xi32, #tpu.memory_space<vmem>>
      %dma_start3A_586 = tpu.memref_slice %arg4[%run_scoped3A_236, %mul3A_235] : memref<2x122880xi32, #tpu.memory_space<hbm>> -> memref<1x7680xi32, #tpu.memory_space<hbm>>
      %dma_start3A_587 = tpu.memref_squeeze %dma_start3A_586 : memref<1x7680xi32, #tpu.memory_space<hbm>> -> memref<7680xi32, #tpu.memory_space<hbm>>
      tpu.enqueue_dma source(%dma_start3A_587 : memref<7680xi32, #tpu.memory_space<hbm>>) target(%dma_start3A_585 : memref<7680xi32, #tpu.memory_space<vmem>>) target_semaphore(%run_scoped3A_579 : memref<!tpu.dma_semaphore, #tpu.memory_space<semaphore_mem>>)
      %dma_wait3A = arith.constant 0 : i32
      %dma_wait3A_588 = tpu.memref_slice %arg7[%dma_wait3A] : memref<12800xi32, #tpu.memory_space<vmem>> -> memref<7680xi32, #tpu.memory_space<vmem>>
      %dma_wait3A_589 = tpu.memref_slice %arg4[%run_scoped3A_236, %mul3A_235] : memref<2x122880xi32, #tpu.memory_space<hbm>> -> memref<1x7680xi32, #tpu.memory_space<hbm>>
      %dma_wait3A_590 = tpu.memref_squeeze %dma_wait3A_589 : memref<1x7680xi32, #tpu.memory_space<hbm>> -> memref<7680xi32, #tpu.memory_space<hbm>>
      %dma_wait3A_591 = arith.constant 0 : i32
      %dma_wait3A_592 = tpu.memref_slice %arg7[%dma_wait3A_591] : memref<12800xi32, #tpu.memory_space<vmem>> -> memref<7680xi32, #tpu.memory_space<vmem>>
      %dma_wait3A_593 = tpu.memref_slice %arg4[%run_scoped3A_236, %mul3A_235] : memref<2x122880xi32, #tpu.memory_space<hbm>> -> memref<1x7680xi32, #tpu.memory_space<hbm>>
      %dma_wait3A_594 = tpu.memref_squeeze %dma_wait3A_593 : memref<1x7680xi32, #tpu.memory_space<hbm>> -> memref<7680xi32, #tpu.memory_space<hbm>>
      tpu.wait_dma2 semaphore(%run_scoped3A_579 : memref<!tpu.dma_semaphore, #tpu.memory_space<semaphore_mem>>) src(%dma_wait3A_594 : memref<7680xi32, #tpu.memory_space<hbm>>) dst(%dma_wait3A_592 : memref<7680xi32, #tpu.memory_space<vmem>>)
      tpu.yield
    }) : () -> ()
    %mul3A_237 = arith.constant 7680 : i32
    %mul3A_238 = arith.muli %arg1, %mul3A_237 : i32
    %run_scoped3A_239 = arith.constant 1 : i32
    "tpu.region"() ({
      %run_scoped3A_579 = tpu.sem_alloc : memref<!tpu.dma_semaphore, #tpu.memory_space<semaphore_mem>>
      %dma_start3A_580 = arith.constant 0 : i32
      %dma_start3A_581 = tpu.memref_slice %arg8[%dma_start3A_580] : memref<12800xi32, #tpu.memory_space<vmem>> -> memref<7680xi32, #tpu.memory_space<vmem>>
      %dma_start3A_582 = tpu.memref_slice %arg4[%run_scoped3A_239, %mul3A_238] : memref<2x122880xi32, #tpu.memory_space<hbm>> -> memref<1x7680xi32, #tpu.memory_space<hbm>>
      %dma_start3A_583 = tpu.memref_squeeze %dma_start3A_582 : memref<1x7680xi32, #tpu.memory_space<hbm>> -> memref<7680xi32, #tpu.memory_space<hbm>>
      %dma_start3A_584 = arith.constant 0 : i32
      %dma_start3A_585 = tpu.memref_slice %arg8[%dma_start3A_584] : memref<12800xi32, #tpu.memory_space<vmem>> -> memref<7680xi32, #tpu.memory_space<vmem>>
      %dma_start3A_586 = tpu.memref_slice %arg4[%run_scoped3A_239, %mul3A_238] : memref<2x122880xi32, #tpu.memory_space<hbm>> -> memref<1x7680xi32, #tpu.memory_space<hbm>>
      %dma_start3A_587 = tpu.memref_squeeze %dma_start3A_586 : memref<1x7680xi32, #tpu.memory_space<hbm>> -> memref<7680xi32, #tpu.memory_space<hbm>>
      tpu.enqueue_dma source(%dma_start3A_587 : memref<7680xi32, #tpu.memory_space<hbm>>) target(%dma_start3A_585 : memref<7680xi32, #tpu.memory_space<vmem>>) target_semaphore(%run_scoped3A_579 : memref<!tpu.dma_semaphore, #tpu.memory_space<semaphore_mem>>)
      %dma_wait3A = arith.constant 0 : i32
      %dma_wait3A_588 = tpu.memref_slice %arg8[%dma_wait3A] : memref<12800xi32, #tpu.memory_space<vmem>> -> memref<7680xi32, #tpu.memory_space<vmem>>
      %dma_wait3A_589 = tpu.memref_slice %arg4[%run_scoped3A_239, %mul3A_238] : memref<2x122880xi32, #tpu.memory_space<hbm>> -> memref<1x7680xi32, #tpu.memory_space<hbm>>
      %dma_wait3A_590 = tpu.memref_squeeze %dma_wait3A_589 : memref<1x7680xi32, #tpu.memory_space<hbm>> -> memref<7680xi32, #tpu.memory_space<hbm>>
      %dma_wait3A_591 = arith.constant 0 : i32
      %dma_wait3A_592 = tpu.memref_slice %arg8[%dma_wait3A_591] : memref<12800xi32, #tpu.memory_space<vmem>> -> memref<7680xi32, #tpu.memory_space<vmem>>
      %dma_wait3A_593 = tpu.memref_slice %arg4[%run_scoped3A_239, %mul3A_238] : memref<2x122880xi32, #tpu.memory_space<hbm>> -> memref<1x7680xi32, #tpu.memory_space<hbm>>
      %dma_wait3A_594 = tpu.memref_squeeze %dma_wait3A_593 : memref<1x7680xi32, #tpu.memory_space<hbm>> -> memref<7680xi32, #tpu.memory_space<hbm>>
      tpu.wait_dma2 semaphore(%run_scoped3A_579 : memref<!tpu.dma_semaphore, #tpu.memory_space<semaphore_mem>>) src(%dma_wait3A_594 : memref<7680xi32, #tpu.memory_space<hbm>>) dst(%dma_wait3A_592 : memref<7680xi32, #tpu.memory_space<vmem>>)
      tpu.yield
    }) : () -> ()
    "tpu.trace_stop"() : () -> ()
    %add3A_240 = arith.constant 0 : i32
    %add3A_241 = vector.broadcast %add3A_240 : i32 to vector<16xi32>
    %add3A_242 = arith.addi %iota3A, %add3A_241 : vector<16xi32>
    %jit3A_243 = arith.constant 3 : i32
    %eq3A_244 = arith.constant 0 : i32
    %eq3A_245 = arith.cmpi eq, %jit3A_243, %eq3A_244 : i32
    %jit3A_246 = arith.constant 1 : i32
    %select_n3A_247 = arith.select %eq3A_245, %jit3A_246, %jit3A_243 : i32
    %rem3A_248 = vector.broadcast %select_n3A_247 : i32 to vector<16xi32>
    %rem3A_249 = arith.remsi %add3A_242, %rem3A_248 : vector<16xi32>
    %ne3A_250 = arith.constant 0 : i32
    %ne3A_251 = vector.broadcast %ne3A_250 : i32 to vector<16xi32>
    %ne3A_252 = arith.cmpi ne, %rem3A_249, %ne3A_251 : vector<16xi32>
    %lt3A_253 = arith.constant 0 : i32
    %lt3A_254 = vector.broadcast %lt3A_253 : i32 to vector<16xi32>
    %lt3A_255 = arith.cmpi slt, %rem3A_249, %lt3A_254 : vector<16xi32>
    %lt3A_256 = arith.constant 0 : i32
    %lt3A_257 = arith.cmpi slt, %select_n3A_247, %lt3A_256 : i32
    %ne3A_258 = vector.broadcast %lt3A_257 : i1 to vector<16xi1>
    %ne3A_259 = vector.broadcast %ne3A_258 : vector<16xi1> to vector<16xi1>
    %ne3A_260 = arith.xori %lt3A_255, %ne3A_259 : vector<16xi1>
    %and3A_261 = arith.andi %ne3A_260, %ne3A_252 : vector<16xi1>
    %add3A_262 = vector.broadcast %select_n3A_247 : i32 to vector<16xi32>
    %add3A_263 = arith.addi %rem3A_249, %add3A_262 : vector<16xi32>
    %select_n3A_264 = arith.select %and3A_261, %add3A_263, %rem3A_249 : vector<16xi1>, vector<16xi32>
    %eq3A_265 = arith.constant 0 : i32
    %eq3A_266 = vector.broadcast %eq3A_265 : i32 to vector<16xi32>
    %eq3A_267 = arith.cmpi eq, %select_n3A_264, %eq3A_266 : vector<16xi32>
    %add3A_268 = arith.constant 0 : i32
    %add3A_269 = vector.broadcast %add3A_268 : i32 to vector<16xi32>
    %add3A_270 = arith.addi %iota3A, %add3A_269 : vector<16xi32>
    %jit3A_271 = arith.constant 3 : i32
    %eq3A_272 = arith.constant 0 : i32
    %eq3A_273 = arith.cmpi eq, %jit3A_271, %eq3A_272 : i32
    %jit3A_274 = arith.constant 1 : i32
    %select_n3A_275 = arith.select %eq3A_273, %jit3A_274, %jit3A_271 : i32
    %rem3A_276 = vector.broadcast %select_n3A_275 : i32 to vector<16xi32>
    %rem3A_277 = arith.remsi %add3A_270, %rem3A_276 : vector<16xi32>
    %ne3A_278 = arith.constant 0 : i32
    %ne3A_279 = vector.broadcast %ne3A_278 : i32 to vector<16xi32>
    %ne3A_280 = arith.cmpi ne, %rem3A_277, %ne3A_279 : vector<16xi32>
    %lt3A_281 = arith.constant 0 : i32
    %lt3A_282 = vector.broadcast %lt3A_281 : i32 to vector<16xi32>
    %lt3A_283 = arith.cmpi slt, %rem3A_277, %lt3A_282 : vector<16xi32>
    %lt3A_284 = arith.constant 0 : i32
    %lt3A_285 = arith.cmpi slt, %select_n3A_275, %lt3A_284 : i32
    %ne3A_286 = vector.broadcast %lt3A_285 : i1 to vector<16xi1>
    %ne3A_287 = vector.broadcast %ne3A_286 : vector<16xi1> to vector<16xi1>
    %ne3A_288 = arith.xori %lt3A_283, %ne3A_287 : vector<16xi1>
    %and3A_289 = arith.andi %ne3A_288, %ne3A_280 : vector<16xi1>
    %add3A_290 = vector.broadcast %select_n3A_275 : i32 to vector<16xi32>
    %add3A_291 = arith.addi %rem3A_277, %add3A_290 : vector<16xi32>
    %select_n3A_292 = arith.select %and3A_289, %add3A_291, %rem3A_277 : vector<16xi1>, vector<16xi32>
    %eq3A_293 = arith.constant 1 : i32
    %eq3A_294 = vector.broadcast %eq3A_293 : i32 to vector<16xi32>
    %eq3A_295 = arith.cmpi eq, %select_n3A_292, %eq3A_294 : vector<16xi32>
    %add3A_296 = arith.constant 0 : i32
    %add3A_297 = vector.broadcast %add3A_296 : i32 to vector<16xi32>
    %add3A_298 = arith.addi %iota3A, %add3A_297 : vector<16xi32>
    %jit3A_299 = arith.constant 3 : i32
    %eq3A_300 = arith.constant 0 : i32
    %eq3A_301 = arith.cmpi eq, %jit3A_299, %eq3A_300 : i32
    %jit3A_302 = arith.constant 1 : i32
    %select_n3A_303 = arith.select %eq3A_301, %jit3A_302, %jit3A_299 : i32
    %rem3A_304 = vector.broadcast %select_n3A_303 : i32 to vector<16xi32>
    %rem3A_305 = arith.remsi %add3A_298, %rem3A_304 : vector<16xi32>
    %ne3A_306 = arith.constant 0 : i32
    %ne3A_307 = vector.broadcast %ne3A_306 : i32 to vector<16xi32>
    %ne3A_308 = arith.cmpi ne, %rem3A_305, %ne3A_307 : vector<16xi32>
    %lt3A_309 = arith.constant 0 : i32
    %lt3A_310 = vector.broadcast %lt3A_309 : i32 to vector<16xi32>
    %lt3A_311 = arith.cmpi slt, %rem3A_305, %lt3A_310 : vector<16xi32>
    %lt3A_312 = arith.constant 0 : i32
    %lt3A_313 = arith.cmpi slt, %select_n3A_303, %lt3A_312 : i32
    %ne3A_314 = vector.broadcast %lt3A_313 : i1 to vector<16xi1>
    %ne3A_315 = vector.broadcast %ne3A_314 : vector<16xi1> to vector<16xi1>
    %ne3A_316 = arith.xori %lt3A_311, %ne3A_315 : vector<16xi1>
    %and3A_317 = arith.andi %ne3A_316, %ne3A_308 : vector<16xi1>
    %add3A_318 = vector.broadcast %select_n3A_303 : i32 to vector<16xi32>
    %add3A_319 = arith.addi %rem3A_305, %add3A_318 : vector<16xi32>
    %select_n3A_320 = arith.select %and3A_317, %add3A_319, %rem3A_305 : vector<16xi1>, vector<16xi32>
    %eq3A_321 = arith.constant 2 : i32
    %eq3A_322 = vector.broadcast %eq3A_321 : i32 to vector<16xi32>
    %eq3A_323 = arith.cmpi eq, %select_n3A_320, %eq3A_322 : vector<16xi32>
    %add3A_324 = arith.constant 16 : i32
    %add3A_325 = vector.broadcast %add3A_324 : i32 to vector<16xi32>
    %add3A_326 = arith.addi %iota3A, %add3A_325 : vector<16xi32>
    %jit3A_327 = arith.constant 3 : i32
    %eq3A_328 = arith.constant 0 : i32
    %eq3A_329 = arith.cmpi eq, %jit3A_327, %eq3A_328 : i32
    %jit3A_330 = arith.constant 1 : i32
    %select_n3A_331 = arith.select %eq3A_329, %jit3A_330, %jit3A_327 : i32
    %rem3A_332 = vector.broadcast %select_n3A_331 : i32 to vector<16xi32>
    %rem3A_333 = arith.remsi %add3A_326, %rem3A_332 : vector<16xi32>
    %ne3A_334 = arith.constant 0 : i32
    %ne3A_335 = vector.broadcast %ne3A_334 : i32 to vector<16xi32>
    %ne3A_336 = arith.cmpi ne, %rem3A_333, %ne3A_335 : vector<16xi32>
    %lt3A_337 = arith.constant 0 : i32
    %lt3A_338 = vector.broadcast %lt3A_337 : i32 to vector<16xi32>
    %lt3A_339 = arith.cmpi slt, %rem3A_333, %lt3A_338 : vector<16xi32>
    %lt3A_340 = arith.constant 0 : i32
    %lt3A_341 = arith.cmpi slt, %select_n3A_331, %lt3A_340 : i32
    %ne3A_342 = vector.broadcast %lt3A_341 : i1 to vector<16xi1>
    %ne3A_343 = vector.broadcast %ne3A_342 : vector<16xi1> to vector<16xi1>
    %ne3A_344 = arith.xori %lt3A_339, %ne3A_343 : vector<16xi1>
    %and3A_345 = arith.andi %ne3A_344, %ne3A_336 : vector<16xi1>
    %add3A_346 = vector.broadcast %select_n3A_331 : i32 to vector<16xi32>
    %add3A_347 = arith.addi %rem3A_333, %add3A_346 : vector<16xi32>
    %select_n3A_348 = arith.select %and3A_345, %add3A_347, %rem3A_333 : vector<16xi1>, vector<16xi32>
    %eq3A_349 = arith.constant 0 : i32
    %eq3A_350 = vector.broadcast %eq3A_349 : i32 to vector<16xi32>
    %eq3A_351 = arith.cmpi eq, %select_n3A_348, %eq3A_350 : vector<16xi32>
    %add3A_352 = arith.constant 16 : i32
    %add3A_353 = vector.broadcast %add3A_352 : i32 to vector<16xi32>
    %add3A_354 = arith.addi %iota3A, %add3A_353 : vector<16xi32>
    %jit3A_355 = arith.constant 3 : i32
    %eq3A_356 = arith.constant 0 : i32
    %eq3A_357 = arith.cmpi eq, %jit3A_355, %eq3A_356 : i32
    %jit3A_358 = arith.constant 1 : i32
    %select_n3A_359 = arith.select %eq3A_357, %jit3A_358, %jit3A_355 : i32
    %rem3A_360 = vector.broadcast %select_n3A_359 : i32 to vector<16xi32>
    %rem3A_361 = arith.remsi %add3A_354, %rem3A_360 : vector<16xi32>
    %ne3A_362 = arith.constant 0 : i32
    %ne3A_363 = vector.broadcast %ne3A_362 : i32 to vector<16xi32>
    %ne3A_364 = arith.cmpi ne, %rem3A_361, %ne3A_363 : vector<16xi32>
    %lt3A_365 = arith.constant 0 : i32
    %lt3A_366 = vector.broadcast %lt3A_365 : i32 to vector<16xi32>
    %lt3A_367 = arith.cmpi slt, %rem3A_361, %lt3A_366 : vector<16xi32>
    %lt3A_368 = arith.constant 0 : i32
    %lt3A_369 = arith.cmpi slt, %select_n3A_359, %lt3A_368 : i32
    %ne3A_370 = vector.broadcast %lt3A_369 : i1 to vector<16xi1>
    %ne3A_371 = vector.broadcast %ne3A_370 : vector<16xi1> to vector<16xi1>
    %ne3A_372 = arith.xori %lt3A_367, %ne3A_371 : vector<16xi1>
    %and3A_373 = arith.andi %ne3A_372, %ne3A_364 : vector<16xi1>
    %add3A_374 = vector.broadcast %select_n3A_359 : i32 to vector<16xi32>
    %add3A_375 = arith.addi %rem3A_361, %add3A_374 : vector<16xi32>
    %select_n3A_376 = arith.select %and3A_373, %add3A_375, %rem3A_361 : vector<16xi1>, vector<16xi32>
    %eq3A_377 = arith.constant 1 : i32
    %eq3A_378 = vector.broadcast %eq3A_377 : i32 to vector<16xi32>
    %eq3A_379 = arith.cmpi eq, %select_n3A_376, %eq3A_378 : vector<16xi32>
    %add3A_380 = arith.constant 16 : i32
    %add3A_381 = vector.broadcast %add3A_380 : i32 to vector<16xi32>
    %add3A_382 = arith.addi %iota3A, %add3A_381 : vector<16xi32>
    %jit3A_383 = arith.constant 3 : i32
    %eq3A_384 = arith.constant 0 : i32
    %eq3A_385 = arith.cmpi eq, %jit3A_383, %eq3A_384 : i32
    %jit3A_386 = arith.constant 1 : i32
    %select_n3A_387 = arith.select %eq3A_385, %jit3A_386, %jit3A_383 : i32
    %rem3A_388 = vector.broadcast %select_n3A_387 : i32 to vector<16xi32>
    %rem3A_389 = arith.remsi %add3A_382, %rem3A_388 : vector<16xi32>
    %ne3A_390 = arith.constant 0 : i32
    %ne3A_391 = vector.broadcast %ne3A_390 : i32 to vector<16xi32>
    %ne3A_392 = arith.cmpi ne, %rem3A_389, %ne3A_391 : vector<16xi32>
    %lt3A_393 = arith.constant 0 : i32
    %lt3A_394 = vector.broadcast %lt3A_393 : i32 to vector<16xi32>
    %lt3A_395 = arith.cmpi slt, %rem3A_389, %lt3A_394 : vector<16xi32>
    %lt3A_396 = arith.constant 0 : i32
    %lt3A_397 = arith.cmpi slt, %select_n3A_387, %lt3A_396 : i32
    %ne3A_398 = vector.broadcast %lt3A_397 : i1 to vector<16xi1>
    %ne3A_399 = vector.broadcast %ne3A_398 : vector<16xi1> to vector<16xi1>
    %ne3A_400 = arith.xori %lt3A_395, %ne3A_399 : vector<16xi1>
    %and3A_401 = arith.andi %ne3A_400, %ne3A_392 : vector<16xi1>
    %add3A_402 = vector.broadcast %select_n3A_387 : i32 to vector<16xi32>
    %add3A_403 = arith.addi %rem3A_389, %add3A_402 : vector<16xi32>
    %select_n3A_404 = arith.select %and3A_401, %add3A_403, %rem3A_389 : vector<16xi1>, vector<16xi32>
    %eq3A_405 = arith.constant 2 : i32
    %eq3A_406 = vector.broadcast %eq3A_405 : i32 to vector<16xi32>
    %eq3A_407 = arith.cmpi eq, %select_n3A_404, %eq3A_406 : vector<16xi32>
    %add3A_408 = arith.constant 32 : i32
    %add3A_409 = vector.broadcast %add3A_408 : i32 to vector<16xi32>
    %add3A_410 = arith.addi %iota3A, %add3A_409 : vector<16xi32>
    %jit3A_411 = arith.constant 3 : i32
    %eq3A_412 = arith.constant 0 : i32
    %eq3A_413 = arith.cmpi eq, %jit3A_411, %eq3A_412 : i32
    %jit3A_414 = arith.constant 1 : i32
    %select_n3A_415 = arith.select %eq3A_413, %jit3A_414, %jit3A_411 : i32
    %rem3A_416 = vector.broadcast %select_n3A_415 : i32 to vector<16xi32>
    %rem3A_417 = arith.remsi %add3A_410, %rem3A_416 : vector<16xi32>
    %ne3A_418 = arith.constant 0 : i32
    %ne3A_419 = vector.broadcast %ne3A_418 : i32 to vector<16xi32>
    %ne3A_420 = arith.cmpi ne, %rem3A_417, %ne3A_419 : vector<16xi32>
    %lt3A_421 = arith.constant 0 : i32
    %lt3A_422 = vector.broadcast %lt3A_421 : i32 to vector<16xi32>
    %lt3A_423 = arith.cmpi slt, %rem3A_417, %lt3A_422 : vector<16xi32>
    %lt3A_424 = arith.constant 0 : i32
    %lt3A_425 = arith.cmpi slt, %select_n3A_415, %lt3A_424 : i32
    %ne3A_426 = vector.broadcast %lt3A_425 : i1 to vector<16xi1>
    %ne3A_427 = vector.broadcast %ne3A_426 : vector<16xi1> to vector<16xi1>
    %ne3A_428 = arith.xori %lt3A_423, %ne3A_427 : vector<16xi1>
    %and3A_429 = arith.andi %ne3A_428, %ne3A_420 : vector<16xi1>
    %add3A_430 = vector.broadcast %select_n3A_415 : i32 to vector<16xi32>
    %add3A_431 = arith.addi %rem3A_417, %add3A_430 : vector<16xi32>
    %select_n3A_432 = arith.select %and3A_429, %add3A_431, %rem3A_417 : vector<16xi1>, vector<16xi32>
    %eq3A_433 = arith.constant 0 : i32
    %eq3A_434 = vector.broadcast %eq3A_433 : i32 to vector<16xi32>
    %eq3A_435 = arith.cmpi eq, %select_n3A_432, %eq3A_434 : vector<16xi32>
    %add3A_436 = arith.constant 32 : i32
    %add3A_437 = vector.broadcast %add3A_436 : i32 to vector<16xi32>
    %add3A_438 = arith.addi %iota3A, %add3A_437 : vector<16xi32>
    %jit3A_439 = arith.constant 3 : i32
    %eq3A_440 = arith.constant 0 : i32
    %eq3A_441 = arith.cmpi eq, %jit3A_439, %eq3A_440 : i32
    %jit3A_442 = arith.constant 1 : i32
    %select_n3A_443 = arith.select %eq3A_441, %jit3A_442, %jit3A_439 : i32
    %rem3A_444 = vector.broadcast %select_n3A_443 : i32 to vector<16xi32>
    %rem3A_445 = arith.remsi %add3A_438, %rem3A_444 : vector<16xi32>
    %ne3A_446 = arith.constant 0 : i32
    %ne3A_447 = vector.broadcast %ne3A_446 : i32 to vector<16xi32>
    %ne3A_448 = arith.cmpi ne, %rem3A_445, %ne3A_447 : vector<16xi32>
    %lt3A_449 = arith.constant 0 : i32
    %lt3A_450 = vector.broadcast %lt3A_449 : i32 to vector<16xi32>
    %lt3A_451 = arith.cmpi slt, %rem3A_445, %lt3A_450 : vector<16xi32>
    %lt3A_452 = arith.constant 0 : i32
    %lt3A_453 = arith.cmpi slt, %select_n3A_443, %lt3A_452 : i32
    %ne3A_454 = vector.broadcast %lt3A_453 : i1 to vector<16xi1>
    %ne3A_455 = vector.broadcast %ne3A_454 : vector<16xi1> to vector<16xi1>
    %ne3A_456 = arith.xori %lt3A_451, %ne3A_455 : vector<16xi1>
    %and3A_457 = arith.andi %ne3A_456, %ne3A_448 : vector<16xi1>
    %add3A_458 = vector.broadcast %select_n3A_443 : i32 to vector<16xi32>
    %add3A_459 = arith.addi %rem3A_445, %add3A_458 : vector<16xi32>
    %select_n3A_460 = arith.select %and3A_457, %add3A_459, %rem3A_445 : vector<16xi1>, vector<16xi32>
    %eq3A_461 = arith.constant 1 : i32
    %eq3A_462 = vector.broadcast %eq3A_461 : i32 to vector<16xi32>
    %eq3A_463 = arith.cmpi eq, %select_n3A_460, %eq3A_462 : vector<16xi32>
    %add3A_464 = arith.constant 32 : i32
    %add3A_465 = vector.broadcast %add3A_464 : i32 to vector<16xi32>
    %add3A_466 = arith.addi %iota3A, %add3A_465 : vector<16xi32>
    %jit3A_467 = arith.constant 3 : i32
    %eq3A_468 = arith.constant 0 : i32
    %eq3A_469 = arith.cmpi eq, %jit3A_467, %eq3A_468 : i32
    %jit3A_470 = arith.constant 1 : i32
    %select_n3A_471 = arith.select %eq3A_469, %jit3A_470, %jit3A_467 : i32
    %rem3A_472 = vector.broadcast %select_n3A_471 : i32 to vector<16xi32>
    %rem3A_473 = arith.remsi %add3A_466, %rem3A_472 : vector<16xi32>
    %ne3A_474 = arith.constant 0 : i32
    %ne3A_475 = vector.broadcast %ne3A_474 : i32 to vector<16xi32>
    %ne3A_476 = arith.cmpi ne, %rem3A_473, %ne3A_475 : vector<16xi32>
    %lt3A_477 = arith.constant 0 : i32
    %lt3A_478 = vector.broadcast %lt3A_477 : i32 to vector<16xi32>
    %lt3A_479 = arith.cmpi slt, %rem3A_473, %lt3A_478 : vector<16xi32>
    %lt3A_480 = arith.constant 0 : i32
    %lt3A_481 = arith.cmpi slt, %select_n3A_471, %lt3A_480 : i32
    %ne3A_482 = vector.broadcast %lt3A_481 : i1 to vector<16xi1>
    %ne3A_483 = vector.broadcast %ne3A_482 : vector<16xi1> to vector<16xi1>
    %ne3A_484 = arith.xori %lt3A_479, %ne3A_483 : vector<16xi1>
    %and3A_485 = arith.andi %ne3A_484, %ne3A_476 : vector<16xi1>
    %add3A_486 = vector.broadcast %select_n3A_471 : i32 to vector<16xi32>
    %add3A_487 = arith.addi %rem3A_473, %add3A_486 : vector<16xi32>
    %select_n3A_488 = arith.select %and3A_485, %add3A_487, %rem3A_473 : vector<16xi1>, vector<16xi32>
    %eq3A_489 = arith.constant 2 : i32
    %eq3A_490 = vector.broadcast %eq3A_489 : i32 to vector<16xi32>
    %eq3A_491 = arith.cmpi eq, %select_n3A_488, %eq3A_490 : vector<16xi32>
    "tpu.trace_start"() <{level = 10 : i32, message = "build1"}> : () -> ()
    %scan3A_492 = arith.constant 0 : i32
    %scan3A_493 = arith.constant 0 : i32
    %scan3A_494 = arith.constant 160 : i32
    %scan3A_495 = arith.addi %scan3A_493, %scan3A_494 : i32
    %scan3A_496 = arith.constant 1 : i32
    scf.for %scan3A_579 = %scan3A_493 to %scan3A_495 step %scan3A_496  : i32 {
      %mul3A_580 = arith.constant 16 : i32
      %mul3A_581 = arith.muli %scan3A_579, %mul3A_580 : i32
      %mul3A_582 = arith.constant 3 : i32
      %mul3A_583 = arith.muli %mul3A_581, %mul3A_582 : i32
      %jit3A_584 = arith.constant 8 : i32
      %div3A = arith.divsi %scan3A_579, %jit3A_584 : i32
      %sign3A = arith.constant 0 : i32
      %sign3A_585 = arith.cmpi sgt, %scan3A_579, %sign3A : i32
      %sign3A_586 = arith.extui %sign3A_585 : i1 to i32
      %sign3A_587 = arith.constant 0 : i32
      %sign3A_588 = arith.cmpi slt, %scan3A_579, %sign3A_587 : i32
      %sign3A_589 = arith.extui %sign3A_588 : i1 to i32
      %sign3A_590 = arith.subi %sign3A_586, %sign3A_589 : i32
      %sign3A_591 = arith.constant 0 : i32
      %sign3A_592 = arith.cmpi sgt, %jit3A_584, %sign3A_591 : i32
      %sign3A_593 = arith.extui %sign3A_592 : i1 to i32
      %sign3A_594 = arith.constant 0 : i32
      %sign3A_595 = arith.cmpi slt, %jit3A_584, %sign3A_594 : i32
      %sign3A_596 = arith.extui %sign3A_595 : i1 to i32
      %sign3A_597 = arith.subi %sign3A_593, %sign3A_596 : i32
      %ne3A_598 = arith.cmpi ne, %sign3A_590, %sign3A_597 : i32
      %rem3A_599 = arith.remsi %scan3A_579, %jit3A_584 : i32
      %ne3A_600 = arith.constant 0 : i32
      %ne3A_601 = arith.cmpi ne, %rem3A_599, %ne3A_600 : i32
      %and3A_602 = arith.andi %ne3A_598, %ne3A_601 : i1
      %sub3A = arith.constant 1 : i32
      %sub3A_603 = arith.subi %div3A, %sub3A : i32
      %select_n3A_604 = arith.select %and3A_602, %sub3A_603, %div3A : i32
      %jit3A_605 = arith.constant 8 : i32
      %eq3A_606 = arith.constant 0 : i32
      %eq3A_607 = arith.cmpi eq, %jit3A_605, %eq3A_606 : i32
      %jit3A_608 = arith.constant 1 : i32
      %select_n3A_609 = arith.select %eq3A_607, %jit3A_608, %jit3A_605 : i32
      %rem3A_610 = arith.remsi %scan3A_579, %select_n3A_609 : i32
      %ne3A_611 = arith.constant 0 : i32
      %ne3A_612 = arith.cmpi ne, %rem3A_610, %ne3A_611 : i32
      %lt3A_613 = arith.constant 0 : i32
      %lt3A_614 = arith.cmpi slt, %rem3A_610, %lt3A_613 : i32
      %lt3A_615 = arith.constant 0 : i32
      %lt3A_616 = arith.cmpi slt, %select_n3A_609, %lt3A_615 : i32
      %ne3A_617 = arith.xori %lt3A_614, %lt3A_616 : i1
      %and3A_618 = arith.andi %ne3A_617, %ne3A_612 : i1
      %add3A_619 = arith.addi %rem3A_610, %select_n3A_609 : i32
      %select_n3A_620 = arith.select %and3A_618, %add3A_619, %rem3A_610 : i32
      %mul3A_621 = arith.constant 16 : i32
      %mul3A_622 = arith.muli %mul3A_621, %select_n3A_620 : i32
      %add3A_623 = arith.constant 0 : i32
      %add3A_624 = arith.addi %mul3A_583, %add3A_623 : i32
      %get3A = arith.index_cast %add3A_624 : i32 to index
      %get3A_625 = tpu.vector_load %arg7[%get3A] {strides = array<i32>} : memref<12800xi32, #tpu.memory_space<vmem>>, vector<16xi32>,
      %add3A_626 = arith.constant 16 : i32
      %add3A_627 = arith.addi %mul3A_583, %add3A_626 : i32
      %get3A_628 = arith.index_cast %add3A_627 : i32 to index
      %get3A_629 = tpu.vector_load %arg7[%get3A_628] {strides = array<i32>} : memref<12800xi32, #tpu.memory_space<vmem>>, vector<16xi32>,
      %add3A_630 = arith.constant 32 : i32
      %add3A_631 = arith.addi %mul3A_583, %add3A_630 : i32
      %get3A_632 = arith.index_cast %add3A_631 : i32 to index
      %get3A_633 = tpu.vector_load %arg7[%get3A_632] {strides = array<i32>} : memref<12800xi32, #tpu.memory_space<vmem>>, vector<16xi32>,
      %add3A_634 = arith.constant 0 : i32
      %add3A_635 = arith.addi %mul3A_583, %add3A_634 : i32
      %get3A_636 = arith.index_cast %add3A_635 : i32 to index
      %get3A_637 = tpu.vector_load %arg8[%get3A_636] {strides = array<i32>} : memref<12800xi32, #tpu.memory_space<vmem>>, vector<16xi32>,
      %add3A_638 = arith.constant 16 : i32
      %add3A_639 = arith.addi %mul3A_583, %add3A_638 : i32
      %get3A_640 = arith.index_cast %add3A_639 : i32 to index
      %get3A_641 = tpu.vector_load %arg8[%get3A_640] {strides = array<i32>} : memref<12800xi32, #tpu.memory_space<vmem>>, vector<16xi32>,
      %add3A_642 = arith.constant 32 : i32
      %add3A_643 = arith.addi %mul3A_583, %add3A_642 : i32
      %get3A_644 = arith.index_cast %add3A_643 : i32 to index
      %get3A_645 = tpu.vector_load %arg8[%get3A_644] {strides = array<i32>} : memref<12800xi32, #tpu.memory_space<vmem>>, vector<16xi32>,
      %min3A = arith.constant 9999 : i32
      %min3A_646 = vector.broadcast %min3A : i32 to vector<16xi32>
      %min3A_647 = arith.minsi %get3A_625, %min3A_646 : vector<16xi32>
      %swap3A = arith.constant 0 : index
      %swap3A_648 = tpu.vector_load %arg11[%swap3A] masked %eq3A_267 {strides = array<i32>} : memref<32xi32, #tpu.memory_space<vmem>>, vector<16xi32>, vector<16xi1>
      tpu.vector_store %arg11[%swap3A], %min3A_647 masked %eq3A_267 {strides = array<i32>} : memref<32xi32, #tpu.memory_space<vmem>>, vector<16xi32>, vector<16xi1>
      %min3A_649 = arith.constant 9999 : i32
      %min3A_650 = vector.broadcast %min3A_649 : i32 to vector<16xi32>
      %min3A_651 = arith.minsi %get3A_629, %min3A_650 : vector<16xi32>
      %swap3A_652 = arith.constant 6 : index
      %swap3A_653 = tpu.vector_load %arg11[%swap3A_652] masked %eq3A_351 {strides = array<i32>} : memref<32xi32, #tpu.memory_space<vmem>>, vector<16xi32>, vector<16xi1>
      tpu.vector_store %arg11[%swap3A_652], %min3A_651 masked %eq3A_351 {strides = array<i32>} : memref<32xi32, #tpu.memory_space<vmem>>, vector<16xi32>, vector<16xi1>
      %min3A_654 = arith.constant 9999 : i32
      %min3A_655 = vector.broadcast %min3A_654 : i32 to vector<16xi32>
      %min3A_656 = arith.minsi %get3A_633, %min3A_655 : vector<16xi32>
      %swap3A_657 = arith.constant 11 : index
      %swap3A_658 = tpu.vector_load %arg11[%swap3A_657] masked %eq3A_435 {strides = array<i32>} : memref<32xi32, #tpu.memory_space<vmem>>, vector<16xi32>, vector<16xi1>
      tpu.vector_store %arg11[%swap3A_657], %min3A_656 masked %eq3A_435 {strides = array<i32>} : memref<32xi32, #tpu.memory_space<vmem>>, vector<16xi32>, vector<16xi1>
      %get3A_659 = arith.constant 0 : index
      %get3A_660 = tpu.vector_load %arg11[%get3A_659] {strides = array<i32>} : memref<32xi32, #tpu.memory_space<vmem>>, vector<16xi32>,
      %add3A_661 = arith.constant 0 : i32
      %add3A_662 = arith.addi %add3A_661, %select_n3A_604 : i32
      %swap3A_663 = arith.index_cast %add3A_662 : i32 to index
      %swap3A_664 = arith.index_cast %mul3A_622 : i32 to index
      %swap3A_665 = tpu.vector_load %arg9[%swap3A_663, %swap3A_664] {strides = array<i32>} : memref<100x128xi32, #tpu.memory_space<vmem>>, vector<16xi32>,
      tpu.vector_store %arg9[%swap3A_663, %swap3A_664], %get3A_660 {strides = array<i32>} : memref<100x128xi32, #tpu.memory_space<vmem>>, vector<16xi32>,
      %min3A_666 = arith.constant 9999 : i32
      %min3A_667 = vector.broadcast %min3A_666 : i32 to vector<16xi32>
      %min3A_668 = arith.minsi %get3A_625, %min3A_667 : vector<16xi32>
      %swap3A_669 = arith.constant 0 : index
      %swap3A_670 = tpu.vector_load %arg11[%swap3A_669] masked %eq3A_295 {strides = array<i32>} : memref<32xi32, #tpu.memory_space<vmem>>, vector<16xi32>, vector<16xi1>
      tpu.vector_store %arg11[%swap3A_669], %min3A_668 masked %eq3A_295 {strides = array<i32>} : memref<32xi32, #tpu.memory_space<vmem>>, vector<16xi32>, vector<16xi1>
      %min3A_671 = arith.constant 9999 : i32
      %min3A_672 = vector.broadcast %min3A_671 : i32 to vector<16xi32>
      %min3A_673 = arith.minsi %get3A_629, %min3A_672 : vector<16xi32>
      %swap3A_674 = arith.constant 5 : index
      %swap3A_675 = tpu.vector_load %arg11[%swap3A_674] masked %eq3A_379 {strides = array<i32>} : memref<32xi32, #tpu.memory_space<vmem>>, vector<16xi32>, vector<16xi1>
      tpu.vector_store %arg11[%swap3A_674], %min3A_673 masked %eq3A_379 {strides = array<i32>} : memref<32xi32, #tpu.memory_space<vmem>>, vector<16xi32>, vector<16xi1>
      %min3A_676 = arith.constant 9999 : i32
      %min3A_677 = vector.broadcast %min3A_676 : i32 to vector<16xi32>
      %min3A_678 = arith.minsi %get3A_633, %min3A_677 : vector<16xi32>
      %swap3A_679 = arith.constant 11 : index
      %swap3A_680 = tpu.vector_load %arg11[%swap3A_679] masked %eq3A_463 {strides = array<i32>} : memref<32xi32, #tpu.memory_space<vmem>>, vector<16xi32>, vector<16xi1>
      tpu.vector_store %arg11[%swap3A_679], %min3A_678 masked %eq3A_463 {strides = array<i32>} : memref<32xi32, #tpu.memory_space<vmem>>, vector<16xi32>, vector<16xi1>
      %get3A_681 = arith.constant 0 : index
      %get3A_682 = tpu.vector_load %arg11[%get3A_681] {strides = array<i32>} : memref<32xi32, #tpu.memory_space<vmem>>, vector<16xi32>,
      %add3A_683 = arith.constant 20 : i32
      %add3A_684 = arith.addi %add3A_683, %select_n3A_604 : i32
      %swap3A_685 = arith.index_cast %add3A_684 : i32 to index
      %swap3A_686 = arith.index_cast %mul3A_622 : i32 to index
      %swap3A_687 = tpu.vector_load %arg9[%swap3A_685, %swap3A_686] {strides = array<i32>} : memref<100x128xi32, #tpu.memory_space<vmem>>, vector<16xi32>,
      tpu.vector_store %arg9[%swap3A_685, %swap3A_686], %get3A_682 {strides = array<i32>} : memref<100x128xi32, #tpu.memory_space<vmem>>, vector<16xi32>,
      %min3A_688 = arith.constant 9999 : i32
      %min3A_689 = vector.broadcast %min3A_688 : i32 to vector<16xi32>
      %min3A_690 = arith.minsi %get3A_625, %min3A_689 : vector<16xi32>
      %swap3A_691 = arith.constant 0 : index
      %swap3A_692 = tpu.vector_load %arg11[%swap3A_691] masked %eq3A_323 {strides = array<i32>} : memref<32xi32, #tpu.memory_space<vmem>>, vector<16xi32>, vector<16xi1>
      tpu.vector_store %arg11[%swap3A_691], %min3A_690 masked %eq3A_323 {strides = array<i32>} : memref<32xi32, #tpu.memory_space<vmem>>, vector<16xi32>, vector<16xi1>
      %min3A_693 = arith.constant 9999 : i32
      %min3A_694 = vector.broadcast %min3A_693 : i32 to vector<16xi32>
      %min3A_695 = arith.minsi %get3A_629, %min3A_694 : vector<16xi32>
      %swap3A_696 = arith.constant 5 : index
      %swap3A_697 = tpu.vector_load %arg11[%swap3A_696] masked %eq3A_407 {strides = array<i32>} : memref<32xi32, #tpu.memory_space<vmem>>, vector<16xi32>, vector<16xi1>
      tpu.vector_store %arg11[%swap3A_696], %min3A_695 masked %eq3A_407 {strides = array<i32>} : memref<32xi32, #tpu.memory_space<vmem>>, vector<16xi32>, vector<16xi1>
      %min3A_698 = arith.constant 9999 : i32
      %min3A_699 = vector.broadcast %min3A_698 : i32 to vector<16xi32>
      %min3A_700 = arith.minsi %get3A_633, %min3A_699 : vector<16xi32>
      %swap3A_701 = arith.constant 10 : index
      %swap3A_702 = tpu.vector_load %arg11[%swap3A_701] masked %eq3A_491 {strides = array<i32>} : memref<32xi32, #tpu.memory_space<vmem>>, vector<16xi32>, vector<16xi1>
      tpu.vector_store %arg11[%swap3A_701], %min3A_700 masked %eq3A_491 {strides = array<i32>} : memref<32xi32, #tpu.memory_space<vmem>>, vector<16xi32>, vector<16xi1>
      %get3A_703 = arith.constant 0 : index
      %get3A_704 = tpu.vector_load %arg11[%get3A_703] {strides = array<i32>} : memref<32xi32, #tpu.memory_space<vmem>>, vector<16xi32>,
      %add3A_705 = arith.constant 40 : i32
      %add3A_706 = arith.addi %add3A_705, %select_n3A_604 : i32
      %swap3A_707 = arith.index_cast %add3A_706 : i32 to index
      %swap3A_708 = arith.index_cast %mul3A_622 : i32 to index
      %swap3A_709 = tpu.vector_load %arg9[%swap3A_707, %swap3A_708] {strides = array<i32>} : memref<100x128xi32, #tpu.memory_space<vmem>>, vector<16xi32>,
      tpu.vector_store %arg9[%swap3A_707, %swap3A_708], %get3A_704 {strides = array<i32>} : memref<100x128xi32, #tpu.memory_space<vmem>>, vector<16xi32>,
      %swap3A_710 = arith.constant 0 : index
      %swap3A_711 = tpu.vector_load %arg11[%swap3A_710] masked %eq3A_267 {strides = array<i32>} : memref<32xi32, #tpu.memory_space<vmem>>, vector<16xi32>, vector<16xi1>
      tpu.vector_store %arg11[%swap3A_710], %get3A_637 masked %eq3A_267 {strides = array<i32>} : memref<32xi32, #tpu.memory_space<vmem>>, vector<16xi32>, vector<16xi1>
      %swap3A_712 = arith.constant 6 : index
      %swap3A_713 = tpu.vector_load %arg11[%swap3A_712] masked %eq3A_351 {strides = array<i32>} : memref<32xi32, #tpu.memory_space<vmem>>, vector<16xi32>, vector<16xi1>
      tpu.vector_store %arg11[%swap3A_712], %get3A_641 masked %eq3A_351 {strides = array<i32>} : memref<32xi32, #tpu.memory_space<vmem>>, vector<16xi32>, vector<16xi1>
      %swap3A_714 = arith.constant 11 : index
      %swap3A_715 = tpu.vector_load %arg11[%swap3A_714] masked %eq3A_435 {strides = array<i32>} : memref<32xi32, #tpu.memory_space<vmem>>, vector<16xi32>, vector<16xi1>
      tpu.vector_store %arg11[%swap3A_714], %get3A_645 masked %eq3A_435 {strides = array<i32>} : memref<32xi32, #tpu.memory_space<vmem>>, vector<16xi32>, vector<16xi1>
      %get3A_716 = arith.constant 0 : index
      %get3A_717 = tpu.vector_load %arg11[%get3A_716] {strides = array<i32>} : memref<32xi32, #tpu.memory_space<vmem>>, vector<16xi32>,
      %eq3A_718 = arith.constant 10000 : i32
      %eq3A_719 = vector.broadcast %eq3A_718 : i32 to vector<16xi32>
      %eq3A_720 = arith.cmpi eq, %get3A_717, %eq3A_719 : vector<16xi32>
      %add3A_721 = arith.constant 10000 : i32
      %add3A_722 = arith.addi %add3A_721, %mul3A_622 : i32
      %add3A_723 = vector.broadcast %add3A_722 : i32 to vector<16xi32>
      %add3A_724 = arith.addi %add3A_723, %iota3A : vector<16xi32>
      %select_n3A_725 = arith.select %eq3A_720, %add3A_724, %get3A_717 : vector<16xi1>, vector<16xi32>
      %swap3A_726 = arith.index_cast %select_n3A_604 : i32 to index
      %swap3A_727 = arith.index_cast %mul3A_622 : i32 to index
      %swap3A_728 = tpu.vector_load %arg10[%swap3A_726, %swap3A_727] {strides = array<i32>} : memref<50x128xi32, #tpu.memory_space<vmem>>, vector<16xi32>,
      tpu.vector_store %arg10[%swap3A_726, %swap3A_727], %select_n3A_725 {strides = array<i32>} : memref<50x128xi32, #tpu.memory_space<vmem>>, vector<16xi32>,
    }
    %scan3A_497 = arith.constant 160 : i32
    %dma_start3A_498 = arith.constant 2 : i32
    %dma_start3A_499 = arith.constant 0 : i32
    "tpu.trace_stop"() : () -> ()
    %dma_start3A_500 = arith.constant 0 : i32
    %dma_start3A_501 = tpu.memref_slice %arg9[%dma_start3A_499, %dma_start3A_500] : memref<100x128xi32, #tpu.memory_space<vmem>> -> memref<1x128xi32, #tpu.memory_space<vmem>>
    %dma_start3A_502 = tpu.memref_squeeze %dma_start3A_501 : memref<1x128xi32, #tpu.memory_space<vmem>> -> memref<128xi32, #tpu.memory_space<vmem>>
    %dma_start3A_503 = arith.constant 0 : i32
    %dma_start3A_504 = arith.constant 0 : i32
    %dma_start3A_505 = arith.constant 0 : i32
    %dma_start3A_506 = tpu.memref_slice %arg2[%dma_start3A_498, %dma_start3A_503, %dma_start3A_504, %dma_start3A_505] : memref<5x2x10000x64xbf16, #tpu.memory_space<hbm>> -> memref<1x2x10000x64xbf16, #tpu.memory_space<hbm>>
    %dma_start3A_507 = tpu.memref_squeeze %dma_start3A_506 : memref<1x2x10000x64xbf16, #tpu.memory_space<hbm>> -> memref<2x10000x64xbf16, #tpu.memory_space<hbm>>
    %dma_start3A_508 = arith.constant 0 : i32
    %dma_start3A_509 = arith.constant 0 : i32
    %dma_start3A_510 = tpu.memref_slice %dma_start3A_507[%arg0, %dma_start3A_508, %dma_start3A_509] : memref<2x10000x64xbf16, #tpu.memory_space<hbm>> -> memref<1x10000x64xbf16, #tpu.memory_space<hbm>>
    %dma_start3A_511 = tpu.memref_squeeze %dma_start3A_510 : memref<1x10000x64xbf16, #tpu.memory_space<hbm>> -> memref<10000x64xbf16, #tpu.memory_space<hbm>>
    %dma_start3A_512 = arith.constant 0 : i32
    %dma_start3A_513 = arith.constant 0 : i32
    %dma_start3A_514 = tpu.memref_slice %dma_start3A_511[%dma_start3A_512, %dma_start3A_513] : memref<10000x64xbf16, #tpu.memory_space<hbm>> -> memref<10000x64xbf16, #tpu.memory_space<hbm>>
    tpu.enqueue_indirect_dma source(%dma_start3A_514 : memref<10000x64xbf16, #tpu.memory_space<hbm>>) target(%arg12 : memref<128x64xbf16, #tpu.memory_space<vmem>>) offsets(%dma_start3A_502 : memref<128xi32, #tpu.memory_space<vmem>>) semaphore(%arg18 : memref<!tpu.dma_semaphore, #tpu.memory_space<semaphore_mem>>)
    "tpu.trace_start"() <{level = 10 : i32, message = "stream1_0"}> : () -> ()
    %scan3A_515 = arith.constant 0 : i32
    %scan3A_516 = arith.constant 2 : i32
    %scan3A_517 = arith.constant 0 : i32
    %scan3A_518 = arith.constant 10 : i32
    %scan3A_519 = arith.addi %scan3A_517, %scan3A_518 : i32
    %scan3A_520 = arith.constant 1 : i32
    scf.for %scan3A_579 = %scan3A_517 to %scan3A_519 step %scan3A_520  : i32 {
      %mul3A_580 = arith.constant 2 : i32
      %mul3A_581 = arith.muli %mul3A_580, %scan3A_579 : i32
      %eq3A_582 = arith.constant 1 : i32
      %eq3A_583 = arith.cmpi eq, %arg0, %eq3A_582 : i32
      %convert_element_type3A_584 = arith.extui %eq3A_583 : i1 to i32
      %cond3A_585 = arith.constant 0 : i32
      %cond3A_586 = arith.cmpi ne, %convert_element_type3A_584, %cond3A_585 : i32
      scf.if %cond3A_586 {
        %dma_start3A_658 = arith.constant 0 : i32
        %dma_start3A_659 = tpu.memref_slice %arg10[%mul3A_581, %dma_start3A_658] : memref<50x128xi32, #tpu.memory_space<vmem>> -> memref<1x128xi32, #tpu.memory_space<vmem>>
        %dma_start3A_660 = tpu.memref_squeeze %dma_start3A_659 : memref<1x128xi32, #tpu.memory_space<vmem>> -> memref<128xi32, #tpu.memory_space<vmem>>
        %dma_start3A_661 = arith.constant 0 : i32
        %dma_start3A_662 = arith.constant 0 : i32
        %dma_start3A_663 = tpu.memref_slice %arg17[%dma_start3A_661, %dma_start3A_662] : memref<10240x16xf32, #tpu.memory_space<vmem_shared>> -> memref<10240x16xf32, #tpu.memory_space<vmem_shared>>
        tpu.enqueue_indirect_dma source(%arg15 : memref<128x16xf32, #tpu.memory_space<vmem>>) target(%dma_start3A_663 : memref<10240x16xf32, #tpu.memory_space<vmem_shared>>) offsets(%dma_start3A_660 : memref<128xi32, #tpu.memory_space<vmem>>) semaphore(%arg20 : memref<!tpu.dma_semaphore, #tpu.memory_space<semaphore_mem>>) {add = true}
        %add3A_664 = arith.constant 1 : i32
        %add3A_665 = arith.addi %mul3A_581, %add3A_664 : i32
        %dma_start3A_666 = arith.constant 0 : i32
        %dma_start3A_667 = tpu.memref_slice %arg10[%add3A_665, %dma_start3A_666] : memref<50x128xi32, #tpu.memory_space<vmem>> -> memref<1x128xi32, #tpu.memory_space<vmem>>
        %dma_start3A_668 = tpu.memref_squeeze %dma_start3A_667 : memref<1x128xi32, #tpu.memory_space<vmem>> -> memref<128xi32, #tpu.memory_space<vmem>>
        %dma_start3A_669 = arith.constant 0 : i32
        %dma_start3A_670 = arith.constant 0 : i32
        %dma_start3A_671 = tpu.memref_slice %arg17[%dma_start3A_669, %dma_start3A_670] : memref<10240x16xf32, #tpu.memory_space<vmem_shared>> -> memref<10240x16xf32, #tpu.memory_space<vmem_shared>>
        tpu.enqueue_indirect_dma source(%arg15 : memref<128x16xf32, #tpu.memory_space<vmem>>) target(%dma_start3A_671 : memref<10240x16xf32, #tpu.memory_space<vmem_shared>>) offsets(%dma_start3A_668 : memref<128xi32, #tpu.memory_space<vmem>>) semaphore(%arg20 : memref<!tpu.dma_semaphore, #tpu.memory_space<semaphore_mem>>) {add = true}
      } else {
      }
      %add3A_587 = arith.constant 0 : i32
      %add3A_588 = arith.addi %add3A_587, %mul3A_581 : i32
      %add3A_589 = arith.constant 1 : i32
      %add3A_590 = arith.addi %add3A_588, %add3A_589 : i32
      %dma_start3A_591 = arith.constant 0 : i32
      %dma_start3A_592 = tpu.memref_slice %arg9[%add3A_590, %dma_start3A_591] : memref<100x128xi32, #tpu.memory_space<vmem>> -> memref<1x128xi32, #tpu.memory_space<vmem>>
      %dma_start3A_593 = tpu.memref_squeeze %dma_start3A_592 : memref<1x128xi32, #tpu.memory_space<vmem>> -> memref<128xi32, #tpu.memory_space<vmem>>
      %dma_start3A_594 = arith.constant 0 : i32
      %dma_start3A_595 = arith.constant 0 : i32
      %dma_start3A_596 = arith.constant 0 : i32
      %dma_start3A_597 = tpu.memref_slice %arg2[%scan3A_516, %dma_start3A_594, %dma_start3A_595, %dma_start3A_596] : memref<5x2x10000x64xbf16, #tpu.memory_space<hbm>> -> memref<1x2x10000x64xbf16, #tpu.memory_space<hbm>>
      %dma_start3A_598 = tpu.memref_squeeze %dma_start3A_597 : memref<1x2x10000x64xbf16, #tpu.memory_space<hbm>> -> memref<2x10000x64xbf16, #tpu.memory_space<hbm>>
      %dma_start3A_599 = arith.constant 0 : i32
      %dma_start3A_600 = arith.constant 0 : i32
      %dma_start3A_601 = tpu.memref_slice %dma_start3A_598[%arg0, %dma_start3A_599, %dma_start3A_600] : memref<2x10000x64xbf16, #tpu.memory_space<hbm>> -> memref<1x10000x64xbf16, #tpu.memory_space<hbm>>
      %dma_start3A_602 = tpu.memref_squeeze %dma_start3A_601 : memref<1x10000x64xbf16, #tpu.memory_space<hbm>> -> memref<10000x64xbf16, #tpu.memory_space<hbm>>
      %dma_start3A_603 = arith.constant 0 : i32
      %dma_start3A_604 = arith.constant 0 : i32
      %dma_start3A_605 = tpu.memref_slice %dma_start3A_602[%dma_start3A_603, %dma_start3A_604] : memref<10000x64xbf16, #tpu.memory_space<hbm>> -> memref<10000x64xbf16, #tpu.memory_space<hbm>>
      tpu.enqueue_indirect_dma source(%dma_start3A_605 : memref<10000x64xbf16, #tpu.memory_space<hbm>>) target(%arg13 : memref<128x64xbf16, #tpu.memory_space<vmem>>) offsets(%dma_start3A_593 : memref<128xi32, #tpu.memory_space<vmem>>) semaphore(%arg19 : memref<!tpu.dma_semaphore, #tpu.memory_space<semaphore_mem>>)
      %dma_wait3A = arith.constant 0 : i32
      %dma_wait3A_606 = arith.constant 0 : i32
      %dma_wait3A_607 = arith.constant 0 : i32
      %dma_wait3A_608 = tpu.memref_slice %arg2[%scan3A_516, %dma_wait3A, %dma_wait3A_606, %dma_wait3A_607] : memref<5x2x10000x64xbf16, #tpu.memory_space<hbm>> -> memref<1x2x10000x64xbf16, #tpu.memory_space<hbm>>
      %dma_wait3A_609 = tpu.memref_squeeze %dma_wait3A_608 : memref<1x2x10000x64xbf16, #tpu.memory_space<hbm>> -> memref<2x10000x64xbf16, #tpu.memory_space<hbm>>
      %dma_wait3A_610 = arith.constant 0 : i32
      %dma_wait3A_611 = arith.constant 0 : i32
      %dma_wait3A_612 = tpu.memref_slice %dma_wait3A_609[%arg0, %dma_wait3A_610, %dma_wait3A_611] : memref<2x10000x64xbf16, #tpu.memory_space<hbm>> -> memref<1x10000x64xbf16, #tpu.memory_space<hbm>>
      %dma_wait3A_613 = tpu.memref_squeeze %dma_wait3A_612 : memref<1x10000x64xbf16, #tpu.memory_space<hbm>> -> memref<10000x64xbf16, #tpu.memory_space<hbm>>
      %dma_wait3A_614 = arith.constant 0 : i32
      %dma_wait3A_615 = arith.constant 0 : i32
      %dma_wait3A_616 = tpu.memref_slice %dma_wait3A_613[%dma_wait3A_614, %dma_wait3A_615] : memref<10000x64xbf16, #tpu.memory_space<hbm>> -> memref<128x64xbf16, #tpu.memory_space<hbm>>
      %dma_wait3A_617 = arith.constant 0 : i32
      %dma_wait3A_618 = arith.constant 0 : i32
      %dma_wait3A_619 = arith.constant 0 : i32
      %dma_wait3A_620 = tpu.memref_slice %arg2[%scan3A_516, %dma_wait3A_617, %dma_wait3A_618, %dma_wait3A_619] : memref<5x2x10000x64xbf16, #tpu.memory_space<hbm>> -> memref<1x2x10000x64xbf16, #tpu.memory_space<hbm>>
      %dma_wait3A_621 = tpu.memref_squeeze %dma_wait3A_620 : memref<1x2x10000x64xbf16, #tpu.memory_space<hbm>> -> memref<2x10000x64xbf16, #tpu.memory_space<hbm>>
      %dma_wait3A_622 = arith.constant 0 : i32
      %dma_wait3A_623 = arith.constant 0 : i32
      %dma_wait3A_624 = tpu.memref_slice %dma_wait3A_621[%arg0, %dma_wait3A_622, %dma_wait3A_623] : memref<2x10000x64xbf16, #tpu.memory_space<hbm>> -> memref<1x10000x64xbf16, #tpu.memory_space<hbm>>
      %dma_wait3A_625 = tpu.memref_squeeze %dma_wait3A_624 : memref<1x10000x64xbf16, #tpu.memory_space<hbm>> -> memref<10000x64xbf16, #tpu.memory_space<hbm>>
      %dma_wait3A_626 = arith.constant 0 : i32
      %dma_wait3A_627 = arith.constant 0 : i32
      %dma_wait3A_628 = tpu.memref_slice %dma_wait3A_625[%dma_wait3A_626, %dma_wait3A_627] : memref<10000x64xbf16, #tpu.memory_space<hbm>> -> memref<128x64xbf16, #tpu.memory_space<hbm>>
      tpu.wait_dma2 semaphore(%arg18 : memref<!tpu.dma_semaphore, #tpu.memory_space<semaphore_mem>>) src(%dma_wait3A_628 : memref<128x64xbf16, #tpu.memory_space<hbm>>) dst(%arg12 : memref<128x64xbf16, #tpu.memory_space<vmem>>)
      "tpu.region"() ({
        %run_scoped3A_658 = tpu.sem_alloc : memref<!tpu.dma_semaphore, #tpu.memory_space<semaphore_mem>>
        %dma_start3A_659 = arith.constant 0 : i32
        %dma_start3A_660 = tpu.memref_slice %arg10[%mul3A_581, %dma_start3A_659] : memref<50x128xi32, #tpu.memory_space<vmem>> -> memref<1x128xi32, #tpu.memory_space<vmem>>
        %dma_start3A_661 = tpu.memref_squeeze %dma_start3A_660 : memref<1x128xi32, #tpu.memory_space<vmem>> -> memref<128xi32, #tpu.memory_space<vmem>>
        %dma_start3A_662 = arith.constant 0 : i32
        %dma_start3A_663 = arith.constant 0 : i32
        %dma_start3A_664 = tpu.memref_slice %arg16[%dma_start3A_662, %dma_start3A_663] : memref<10240x64xbf16, #tpu.memory_space<vmem_shared>> -> memref<10240x64xbf16, #tpu.memory_space<vmem_shared>>
        tpu.enqueue_indirect_dma source(%arg12 : memref<128x64xbf16, #tpu.memory_space<vmem>>) target(%dma_start3A_664 : memref<10240x64xbf16, #tpu.memory_space<vmem_shared>>) offsets(%dma_start3A_661 : memref<128xi32, #tpu.memory_space<vmem>>) semaphore(%run_scoped3A_658 : memref<!tpu.dma_semaphore, #tpu.memory_space<semaphore_mem>>) {add = true}
        %dma_wait3A_665 = arith.constant 0 : i32
        %dma_wait3A_666 = tpu.memref_slice %arg10[%mul3A_581, %dma_wait3A_665] : memref<50x128xi32, #tpu.memory_space<vmem>> -> memref<1x128xi32, #tpu.memory_space<vmem>>
        %dma_wait3A_667 = tpu.memref_squeeze %dma_wait3A_666 : memref<1x128xi32, #tpu.memory_space<vmem>> -> memref<128xi32, #tpu.memory_space<vmem>>
        %dma_wait3A_668 = arith.constant 0 : i32
        %dma_wait3A_669 = arith.constant 0 : i32
        %dma_wait3A_670 = tpu.memref_slice %arg16[%dma_wait3A_668, %dma_wait3A_669] : memref<10240x64xbf16, #tpu.memory_space<vmem_shared>> -> memref<10240x64xbf16, #tpu.memory_space<vmem_shared>>
        tpu.wait_indirect_dma semaphore(%run_scoped3A_658 : memref<!tpu.dma_semaphore, #tpu.memory_space<semaphore_mem>>) src(%arg12 : memref<128x64xbf16, #tpu.memory_space<vmem>>) dst(%dma_wait3A_670 : memref<10240x64xbf16, #tpu.memory_space<vmem_shared>>)
        tpu.yield
      }) : () -> ()
      %add3A_629 = arith.constant 2 : i32
      %add3A_630 = arith.addi %mul3A_581, %add3A_629 : i32
      %lt3A_631 = arith.constant 20 : i32
      %lt3A_632 = arith.cmpi slt, %add3A_630, %lt3A_631 : i32
      %convert_element_type3A_633 = arith.extui %lt3A_632 : i1 to i32
      %cond3A_634 = arith.constant 0 : i32
      %cond3A_635 = arith.cmpi ne, %convert_element_type3A_633, %cond3A_634 : i32
      scf.if %cond3A_635 {
        %add3A_658 = arith.constant 0 : i32
        %add3A_659 = arith.addi %add3A_658, %mul3A_581 : i32
        %add3A_660 = arith.constant 2 : i32
        %add3A_661 = arith.addi %add3A_659, %add3A_660 : i32
        %dma_start3A_662 = arith.constant 0 : i32
        %dma_start3A_663 = tpu.memref_slice %arg9[%add3A_661, %dma_start3A_662] : memref<100x128xi32, #tpu.memory_space<vmem>> -> memref<1x128xi32, #tpu.memory_space<vmem>>
        %dma_start3A_664 = tpu.memref_squeeze %dma_start3A_663 : memref<1x128xi32, #tpu.memory_space<vmem>> -> memref<128xi32, #tpu.memory_space<vmem>>
        %dma_start3A_665 = arith.constant 0 : i32
        %dma_start3A_666 = arith.constant 0 : i32
        %dma_start3A_667 = arith.constant 0 : i32
        %dma_start3A_668 = tpu.memref_slice %arg2[%scan3A_516, %dma_start3A_665, %dma_start3A_666, %dma_start3A_667] : memref<5x2x10000x64xbf16, #tpu.memory_space<hbm>> -> memref<1x2x10000x64xbf16, #tpu.memory_space<hbm>>
        %dma_start3A_669 = tpu.memref_squeeze %dma_start3A_668 : memref<1x2x10000x64xbf16, #tpu.memory_space<hbm>> -> memref<2x10000x64xbf16, #tpu.memory_space<hbm>>
        %dma_start3A_670 = arith.constant 0 : i32
        %dma_start3A_671 = arith.constant 0 : i32
        %dma_start3A_672 = tpu.memref_slice %dma_start3A_669[%arg0, %dma_start3A_670, %dma_start3A_671] : memref<2x10000x64xbf16, #tpu.memory_space<hbm>> -> memref<1x10000x64xbf16, #tpu.memory_space<hbm>>
        %dma_start3A_673 = tpu.memref_squeeze %dma_start3A_672 : memref<1x10000x64xbf16, #tpu.memory_space<hbm>> -> memref<10000x64xbf16, #tpu.memory_space<hbm>>
        %dma_start3A_674 = arith.constant 0 : i32
        %dma_start3A_675 = arith.constant 0 : i32
        %dma_start3A_676 = tpu.memref_slice %dma_start3A_673[%dma_start3A_674, %dma_start3A_675] : memref<10000x64xbf16, #tpu.memory_space<hbm>> -> memref<10000x64xbf16, #tpu.memory_space<hbm>>
        tpu.enqueue_indirect_dma source(%dma_start3A_676 : memref<10000x64xbf16, #tpu.memory_space<hbm>>) target(%arg12 : memref<128x64xbf16, #tpu.memory_space<vmem>>) offsets(%dma_start3A_664 : memref<128xi32, #tpu.memory_space<vmem>>) semaphore(%arg18 : memref<!tpu.dma_semaphore, #tpu.memory_space<semaphore_mem>>)
      } else {
      }
      %dma_wait3A_636 = arith.constant 0 : i32
      %dma_wait3A_637 = tpu.memref_slice %arg9[%add3A_590, %dma_wait3A_636] : memref<100x128xi32, #tpu.memory_space<vmem>> -> memref<1x128xi32, #tpu.memory_space<vmem>>
      %dma_wait3A_638 = tpu.memref_squeeze %dma_wait3A_637 : memref<1x128xi32, #tpu.memory_space<vmem>> -> memref<128xi32, #tpu.memory_space<vmem>>
      %dma_wait3A_639 = arith.constant 0 : i32
      %dma_wait3A_640 = arith.constant 0 : i32
      %dma_wait3A_641 = arith.constant 0 : i32
      %dma_wait3A_642 = tpu.memref_slice %arg2[%scan3A_516, %dma_wait3A_639, %dma_wait3A_640, %dma_wait3A_641] : memref<5x2x10000x64xbf16, #tpu.memory_space<hbm>> -> memref<1x2x10000x64xbf16, #tpu.memory_space<hbm>>
      %dma_wait3A_643 = tpu.memref_squeeze %dma_wait3A_642 : memref<1x2x10000x64xbf16, #tpu.memory_space<hbm>> -> memref<2x10000x64xbf16, #tpu.memory_space<hbm>>
      %dma_wait3A_644 = arith.constant 0 : i32
      %dma_wait3A_645 = arith.constant 0 : i32
      %dma_wait3A_646 = tpu.memref_slice %dma_wait3A_643[%arg0, %dma_wait3A_644, %dma_wait3A_645] : memref<2x10000x64xbf16, #tpu.memory_space<hbm>> -> memref<1x10000x64xbf16, #tpu.memory_space<hbm>>
      %dma_wait3A_647 = tpu.memref_squeeze %dma_wait3A_646 : memref<1x10000x64xbf16, #tpu.memory_space<hbm>> -> memref<10000x64xbf16, #tpu.memory_space<hbm>>
      %dma_wait3A_648 = arith.constant 0 : i32
      %dma_wait3A_649 = arith.constant 0 : i32
      %dma_wait3A_650 = tpu.memref_slice %dma_wait3A_647[%dma_wait3A_648, %dma_wait3A_649] : memref<10000x64xbf16, #tpu.memory_space<hbm>> -> memref<10000x64xbf16, #tpu.memory_space<hbm>>
      tpu.wait_indirect_dma semaphore(%arg19 : memref<!tpu.dma_semaphore, #tpu.memory_space<semaphore_mem>>) src(%dma_wait3A_650 : memref<10000x64xbf16, #tpu.memory_space<hbm>>) dst(%arg13 : memref<128x64xbf16, #tpu.memory_space<vmem>>)
      %add3A_651 = arith.constant 1 : i32
      %add3A_652 = arith.addi %mul3A_581, %add3A_651 : i32
      "tpu.region"() ({
        %run_scoped3A_658 = tpu.sem_alloc : memref<!tpu.dma_semaphore, #tpu.memory_space<semaphore_mem>>
        %dma_start3A_659 = arith.constant 0 : i32
        %dma_start3A_660 = tpu.memref_slice %arg10[%add3A_652, %dma_start3A_659] : memref<50x128xi32, #tpu.memory_space<vmem>> -> memref<1x128xi32, #tpu.memory_space<vmem>>
        %dma_start3A_661 = tpu.memref_squeeze %dma_start3A_660 : memref<1x128xi32, #tpu.memory_space<vmem>> -> memref<128xi32, #tpu.memory_space<vmem>>
        %dma_start3A_662 = arith.constant 0 : i32
        %dma_start3A_663 = arith.constant 0 : i32
        %dma_start3A_664 = tpu.memref_slice %arg16[%dma_start3A_662, %dma_start3A_663] : memref<10240x64xbf16, #tpu.memory_space<vmem_shared>> -> memref<10240x64xbf16, #tpu.memory_space<vmem_shared>>
        tpu.enqueue_indirect_dma source(%arg13 : memref<128x64xbf16, #tpu.memory_space<vmem>>) target(%dma_start3A_664 : memref<10240x64xbf16, #tpu.memory_space<vmem_shared>>) offsets(%dma_start3A_661 : memref<128xi32, #tpu.memory_space<vmem>>) semaphore(%run_scoped3A_658 : memref<!tpu.dma_semaphore, #tpu.memory_space<semaphore_mem>>) {add = true}
        %dma_wait3A_665 = arith.constant 0 : i32
        %dma_wait3A_666 = tpu.memref_slice %arg10[%add3A_652, %dma_wait3A_665] : memref<50x128xi32, #tpu.memory_space<vmem>> -> memref<1x128xi32, #tpu.memory_space<vmem>>
        %dma_wait3A_667 = tpu.memref_squeeze %dma_wait3A_666 : memref<1x128xi32, #tpu.memory_space<vmem>> -> memref<128xi32, #tpu.memory_space<vmem>>
        %dma_wait3A_668 = arith.constant 0 : i32
        %dma_wait3A_669 = arith.constant 0 : i32
        %dma_wait3A_670 = tpu.memref_slice %arg16[%dma_wait3A_668, %dma_wait3A_669] : memref<10240x64xbf16, #tpu.memory_space<vmem_shared>> -> memref<10240x64xbf16, #tpu.memory_space<vmem_shared>>
        tpu.wait_indirect_dma semaphore(%run_scoped3A_658 : memref<!tpu.dma_semaphore, #tpu.memory_space<semaphore_mem>>) src(%arg13 : memref<128x64xbf16, #tpu.memory_space<vmem>>) dst(%dma_wait3A_670 : memref<10240x64xbf16, #tpu.memory_space<vmem_shared>>)
        tpu.yield
      }) : () -> ()
      %eq3A_653 = arith.constant 1 : i32
      %eq3A_654 = arith.cmpi eq, %arg0, %eq3A_653 : i32
      %convert_element_type3A_655 = arith.extui %eq3A_654 : i1 to i32
      %cond3A_656 = arith.constant 0 : i32
      %cond3A_657 = arith.cmpi ne, %convert_element_type3A_655, %cond3A_656 : i32
      scf.if %cond3A_657 {
        %dma_wait3A_658 = arith.constant 0 : i32
        %dma_wait3A_659 = arith.constant 0 : i32
        %dma_wait3A_660 = tpu.memref_slice %arg17[%dma_wait3A_658, %dma_wait3A_659] : memref<10240x16xf32, #tpu.memory_space<vmem_shared>> -> memref<128x16xf32, #tpu.memory_space<vmem_shared>>
        %dma_wait3A_661 = arith.constant 0 : i32
        %dma_wait3A_662 = arith.constant 0 : i32
        %dma_wait3A_663 = tpu.memref_slice %arg17[%dma_wait3A_661, %dma_wait3A_662] : memref<10240x16xf32, #tpu.memory_space<vmem_shared>> -> memref<128x16xf32, #tpu.memory_space<vmem_shared>>
        tpu.wait_dma2 semaphore(%arg20 : memref<!tpu.dma_semaphore, #tpu.memory_space<semaphore_mem>>) src(%arg15 : memref<128x16xf32, #tpu.memory_space<vmem>>) dst(%dma_wait3A_663 : memref<128x16xf32, #tpu.memory_space<vmem_shared>>)
        %dma_wait3A_664 = arith.constant 0 : i32
        %dma_wait3A_665 = arith.constant 0 : i32
        %dma_wait3A_666 = tpu.memref_slice %arg17[%dma_wait3A_664, %dma_wait3A_665] : memref<10240x16xf32, #tpu.memory_space<vmem_shared>> -> memref<128x16xf32, #tpu.memory_space<vmem_shared>>
        %dma_wait3A_667 = arith.constant 0 : i32
        %dma_wait3A_668 = arith.constant 0 : i32
        %dma_wait3A_669 = tpu.memref_slice %arg17[%dma_wait3A_667, %dma_wait3A_668] : memref<10240x16xf32, #tpu.memory_space<vmem_shared>> -> memref<128x16xf32, #tpu.memory_space<vmem_shared>>
        tpu.wait_dma2 semaphore(%arg20 : memref<!tpu.dma_semaphore, #tpu.memory_space<semaphore_mem>>) src(%arg15 : memref<128x16xf32, #tpu.memory_space<vmem>>) dst(%dma_wait3A_669 : memref<128x16xf32, #tpu.memory_space<vmem_shared>>)
      } else {
      }
    }
    %scan3A_521 = arith.constant 10 : i32
    %dma_start3A_522 = arith.constant 3 : i32
    %dma_start3A_523 = arith.constant 20 : i32
    "tpu.trace_stop"() : () -> ()
    %dma_start3A_524 = arith.constant 0 : i32
    %dma_start3A_525 = tpu.memref_slice %arg9[%dma_start3A_523, %dma_start3A_524] : memref<100x128xi32, #tpu.memory_space<vmem>> -> memref<1x128xi32, #tpu.memory_space<vmem>>
    %dma_start3A_526 = tpu.memref_squeeze %dma_start3A_525 : memref<1x128xi32, #tpu.memory_space<vmem>> -> memref<128xi32, #tpu.memory_space<vmem>>
    %dma_start3A_527 = arith.constant 0 : i32
    %dma_start3A_528 = arith.constant 0 : i32
    %dma_start3A_529 = arith.constant 0 : i32
    %dma_start3A_530 = tpu.memref_slice %arg2[%dma_start3A_522, %dma_start3A_527, %dma_start3A_528, %dma_start3A_529] : memref<5x2x10000x64xbf16, #tpu.memory_space<hbm>> -> memref<1x2x10000x64xbf16, #tpu.memory_space<hbm>>
    %dma_start3A_531 = tpu.memref_squeeze %dma_start3A_530 : memref<1x2x10000x64xbf16, #tpu.memory_space<hbm>> -> memref<2x10000x64xbf16, #tpu.memory_space<hbm>>
    %dma_start3A_532 = arith.constant 0 : i32
    %dma_start3A_533 = arith.constant 0 : i32
    %dma_start3A_534 = tpu.memref_slice %dma_start3A_531[%arg0, %dma_start3A_532, %dma_start3A_533] : memref<2x10000x64xbf16, #tpu.memory_space<hbm>> -> memref<1x10000x64xbf16, #tpu.memory_space<hbm>>
    %dma_start3A_535 = tpu.memref_squeeze %dma_start3A_534 : memref<1x10000x64xbf16, #tpu.memory_space<hbm>> -> memref<10000x64xbf16, #tpu.memory_space<hbm>>
    %dma_start3A_536 = arith.constant 0 : i32
    %dma_start3A_537 = arith.constant 0 : i32
    %dma_start3A_538 = tpu.memref_slice %dma_start3A_535[%dma_start3A_536, %dma_start3A_537] : memref<10000x64xbf16, #tpu.memory_space<hbm>> -> memref<10000x64xbf16, #tpu.memory_space<hbm>>
    tpu.enqueue_indirect_dma source(%dma_start3A_538 : memref<10000x64xbf16, #tpu.memory_space<hbm>>) target(%arg12 : memref<128x64xbf16, #tpu.memory_space<vmem>>) offsets(%dma_start3A_526 : memref<128xi32, #tpu.memory_space<vmem>>) semaphore(%arg18 : memref<!tpu.dma_semaphore, #tpu.memory_space<semaphore_mem>>)
    "tpu.trace_start"() <{level = 10 : i32, message = "stream1_1"}> : () -> ()
    %scan3A_539 = arith.constant 0 : i32
    %scan3A_540 = arith.constant 3 : i32
    %scan3A_541 = arith.constant 0 : i32
    %scan3A_542 = arith.constant 10 : i32
    %scan3A_543 = arith.addi %scan3A_541, %scan3A_542 : i32
    %scan3A_544 = arith.constant 1 : i32
    scf.for %scan3A_579 = %scan3A_541 to %scan3A_543 step %scan3A_544  : i32 {
      %mul3A_580 = arith.constant 2 : i32
      %mul3A_581 = arith.muli %mul3A_580, %scan3A_579 : i32
      %add3A_582 = arith.constant 20 : i32
      %add3A_583 = arith.addi %add3A_582, %mul3A_581 : i32
      %add3A_584 = arith.constant 1 : i32
      %add3A_585 = arith.addi %add3A_583, %add3A_584 : i32
      %dma_start3A_586 = arith.constant 0 : i32
      %dma_start3A_587 = tpu.memref_slice %arg9[%add3A_585, %dma_start3A_586] : memref<100x128xi32, #tpu.memory_space<vmem>> -> memref<1x128xi32, #tpu.memory_space<vmem>>
      %dma_start3A_588 = tpu.memref_squeeze %dma_start3A_587 : memref<1x128xi32, #tpu.memory_space<vmem>> -> memref<128xi32, #tpu.memory_space<vmem>>
      %dma_start3A_589 = arith.constant 0 : i32
      %dma_start3A_590 = arith.constant 0 : i32
      %dma_start3A_591 = arith.constant 0 : i32
      %dma_start3A_592 = tpu.memref_slice %arg2[%scan3A_540, %dma_start3A_589, %dma_start3A_590, %dma_start3A_591] : memref<5x2x10000x64xbf16, #tpu.memory_space<hbm>> -> memref<1x2x10000x64xbf16, #tpu.memory_space<hbm>>
      %dma_start3A_593 = tpu.memref_squeeze %dma_start3A_592 : memref<1x2x10000x64xbf16, #tpu.memory_space<hbm>> -> memref<2x10000x64xbf16, #tpu.memory_space<hbm>>
      %dma_start3A_594 = arith.constant 0 : i32
      %dma_start3A_595 = arith.constant 0 : i32
      %dma_start3A_596 = tpu.memref_slice %dma_start3A_593[%arg0, %dma_start3A_594, %dma_start3A_595] : memref<2x10000x64xbf16, #tpu.memory_space<hbm>> -> memref<1x10000x64xbf16, #tpu.memory_space<hbm>>
      %dma_start3A_597 = tpu.memref_squeeze %dma_start3A_596 : memref<1x10000x64xbf16, #tpu.memory_space<hbm>> -> memref<10000x64xbf16, #tpu.memory_space<hbm>>
      %dma_start3A_598 = arith.constant 0 : i32
      %dma_start3A_599 = arith.constant 0 : i32
      %dma_start3A_600 = tpu.memref_slice %dma_start3A_597[%dma_start3A_598, %dma_start3A_599] : memref<10000x64xbf16, #tpu.memory_space<hbm>> -> memref<10000x64xbf16, #tpu.memory_space<hbm>>
      tpu.enqueue_indirect_dma source(%dma_start3A_600 : memref<10000x64xbf16, #tpu.memory_space<hbm>>) target(%arg13 : memref<128x64xbf16, #tpu.memory_space<vmem>>) offsets(%dma_start3A_588 : memref<128xi32, #tpu.memory_space<vmem>>) semaphore(%arg19 : memref<!tpu.dma_semaphore, #tpu.memory_space<semaphore_mem>>)
      %dma_wait3A = arith.constant 0 : i32
      %dma_wait3A_601 = arith.constant 0 : i32
      %dma_wait3A_602 = arith.constant 0 : i32
      %dma_wait3A_603 = tpu.memref_slice %arg2[%scan3A_540, %dma_wait3A, %dma_wait3A_601, %dma_wait3A_602] : memref<5x2x10000x64xbf16, #tpu.memory_space<hbm>> -> memref<1x2x10000x64xbf16, #tpu.memory_space<hbm>>
      %dma_wait3A_604 = tpu.memref_squeeze %dma_wait3A_603 : memref<1x2x10000x64xbf16, #tpu.memory_space<hbm>> -> memref<2x10000x64xbf16, #tpu.memory_space<hbm>>
      %dma_wait3A_605 = arith.constant 0 : i32
      %dma_wait3A_606 = arith.constant 0 : i32
      %dma_wait3A_607 = tpu.memref_slice %dma_wait3A_604[%arg0, %dma_wait3A_605, %dma_wait3A_606] : memref<2x10000x64xbf16, #tpu.memory_space<hbm>> -> memref<1x10000x64xbf16, #tpu.memory_space<hbm>>
      %dma_wait3A_608 = tpu.memref_squeeze %dma_wait3A_607 : memref<1x10000x64xbf16, #tpu.memory_space<hbm>> -> memref<10000x64xbf16, #tpu.memory_space<hbm>>
      %dma_wait3A_609 = arith.constant 0 : i32
      %dma_wait3A_610 = arith.constant 0 : i32
      %dma_wait3A_611 = tpu.memref_slice %dma_wait3A_608[%dma_wait3A_609, %dma_wait3A_610] : memref<10000x64xbf16, #tpu.memory_space<hbm>> -> memref<128x64xbf16, #tpu.memory_space<hbm>>
      %dma_wait3A_612 = arith.constant 0 : i32
      %dma_wait3A_613 = arith.constant 0 : i32
      %dma_wait3A_614 = arith.constant 0 : i32
      %dma_wait3A_615 = tpu.memref_slice %arg2[%scan3A_540, %dma_wait3A_612, %dma_wait3A_613, %dma_wait3A_614] : memref<5x2x10000x64xbf16, #tpu.memory_space<hbm>> -> memref<1x2x10000x64xbf16, #tpu.memory_space<hbm>>
      %dma_wait3A_616 = tpu.memref_squeeze %dma_wait3A_615 : memref<1x2x10000x64xbf16, #tpu.memory_space<hbm>> -> memref<2x10000x64xbf16, #tpu.memory_space<hbm>>
      %dma_wait3A_617 = arith.constant 0 : i32
      %dma_wait3A_618 = arith.constant 0 : i32
      %dma_wait3A_619 = tpu.memref_slice %dma_wait3A_616[%arg0, %dma_wait3A_617, %dma_wait3A_618] : memref<2x10000x64xbf16, #tpu.memory_space<hbm>> -> memref<1x10000x64xbf16, #tpu.memory_space<hbm>>
      %dma_wait3A_620 = tpu.memref_squeeze %dma_wait3A_619 : memref<1x10000x64xbf16, #tpu.memory_space<hbm>> -> memref<10000x64xbf16, #tpu.memory_space<hbm>>
      %dma_wait3A_621 = arith.constant 0 : i32
      %dma_wait3A_622 = arith.constant 0 : i32
      %dma_wait3A_623 = tpu.memref_slice %dma_wait3A_620[%dma_wait3A_621, %dma_wait3A_622] : memref<10000x64xbf16, #tpu.memory_space<hbm>> -> memref<128x64xbf16, #tpu.memory_space<hbm>>
      tpu.wait_dma2 semaphore(%arg18 : memref<!tpu.dma_semaphore, #tpu.memory_space<semaphore_mem>>) src(%dma_wait3A_623 : memref<128x64xbf16, #tpu.memory_space<hbm>>) dst(%arg12 : memref<128x64xbf16, #tpu.memory_space<vmem>>)
      "tpu.region"() ({
        %run_scoped3A_648 = tpu.sem_alloc : memref<!tpu.dma_semaphore, #tpu.memory_space<semaphore_mem>>
        %dma_start3A_649 = arith.constant 0 : i32
        %dma_start3A_650 = tpu.memref_slice %arg10[%mul3A_581, %dma_start3A_649] : memref<50x128xi32, #tpu.memory_space<vmem>> -> memref<1x128xi32, #tpu.memory_space<vmem>>
        %dma_start3A_651 = tpu.memref_squeeze %dma_start3A_650 : memref<1x128xi32, #tpu.memory_space<vmem>> -> memref<128xi32, #tpu.memory_space<vmem>>
        %dma_start3A_652 = arith.constant 0 : i32
        %dma_start3A_653 = arith.constant 0 : i32
        %dma_start3A_654 = tpu.memref_slice %arg16[%dma_start3A_652, %dma_start3A_653] : memref<10240x64xbf16, #tpu.memory_space<vmem_shared>> -> memref<10240x64xbf16, #tpu.memory_space<vmem_shared>>
        tpu.enqueue_indirect_dma source(%arg12 : memref<128x64xbf16, #tpu.memory_space<vmem>>) target(%dma_start3A_654 : memref<10240x64xbf16, #tpu.memory_space<vmem_shared>>) offsets(%dma_start3A_651 : memref<128xi32, #tpu.memory_space<vmem>>) semaphore(%run_scoped3A_648 : memref<!tpu.dma_semaphore, #tpu.memory_space<semaphore_mem>>) {add = true}
        %dma_wait3A_655 = arith.constant 0 : i32
        %dma_wait3A_656 = tpu.memref_slice %arg10[%mul3A_581, %dma_wait3A_655] : memref<50x128xi32, #tpu.memory_space<vmem>> -> memref<1x128xi32, #tpu.memory_space<vmem>>
        %dma_wait3A_657 = tpu.memref_squeeze %dma_wait3A_656 : memref<1x128xi32, #tpu.memory_space<vmem>> -> memref<128xi32, #tpu.memory_space<vmem>>
        %dma_wait3A_658 = arith.constant 0 : i32
        %dma_wait3A_659 = arith.constant 0 : i32
        %dma_wait3A_660 = tpu.memref_slice %arg16[%dma_wait3A_658, %dma_wait3A_659] : memref<10240x64xbf16, #tpu.memory_space<vmem_shared>> -> memref<10240x64xbf16, #tpu.memory_space<vmem_shared>>
        tpu.wait_indirect_dma semaphore(%run_scoped3A_648 : memref<!tpu.dma_semaphore, #tpu.memory_space<semaphore_mem>>) src(%arg12 : memref<128x64xbf16, #tpu.memory_space<vmem>>) dst(%dma_wait3A_660 : memref<10240x64xbf16, #tpu.memory_space<vmem_shared>>)
        tpu.yield
      }) : () -> ()
      %add3A_624 = arith.constant 2 : i32
      %add3A_625 = arith.addi %mul3A_581, %add3A_624 : i32
      %lt3A_626 = arith.constant 20 : i32
      %lt3A_627 = arith.cmpi slt, %add3A_625, %lt3A_626 : i32
      %convert_element_type3A_628 = arith.extui %lt3A_627 : i1 to i32
      %cond3A_629 = arith.constant 0 : i32
      %cond3A_630 = arith.cmpi ne, %convert_element_type3A_628, %cond3A_629 : i32
      scf.if %cond3A_630 {
        %add3A_648 = arith.constant 20 : i32
        %add3A_649 = arith.addi %add3A_648, %mul3A_581 : i32
        %add3A_650 = arith.constant 2 : i32
        %add3A_651 = arith.addi %add3A_649, %add3A_650 : i32
        %dma_start3A_652 = arith.constant 0 : i32
        %dma_start3A_653 = tpu.memref_slice %arg9[%add3A_651, %dma_start3A_652] : memref<100x128xi32, #tpu.memory_space<vmem>> -> memref<1x128xi32, #tpu.memory_space<vmem>>
        %dma_start3A_654 = tpu.memref_squeeze %dma_start3A_653 : memref<1x128xi32, #tpu.memory_space<vmem>> -> memref<128xi32, #tpu.memory_space<vmem>>
        %dma_start3A_655 = arith.constant 0 : i32
        %dma_start3A_656 = arith.constant 0 : i32
        %dma_start3A_657 = arith.constant 0 : i32
        %dma_start3A_658 = tpu.memref_slice %arg2[%scan3A_540, %dma_start3A_655, %dma_start3A_656, %dma_start3A_657] : memref<5x2x10000x64xbf16, #tpu.memory_space<hbm>> -> memref<1x2x10000x64xbf16, #tpu.memory_space<hbm>>
        %dma_start3A_659 = tpu.memref_squeeze %dma_start3A_658 : memref<1x2x10000x64xbf16, #tpu.memory_space<hbm>> -> memref<2x10000x64xbf16, #tpu.memory_space<hbm>>
        %dma_start3A_660 = arith.constant 0 : i32
        %dma_start3A_661 = arith.constant 0 : i32
        %dma_start3A_662 = tpu.memref_slice %dma_start3A_659[%arg0, %dma_start3A_660, %dma_start3A_661] : memref<2x10000x64xbf16, #tpu.memory_space<hbm>> -> memref<1x10000x64xbf16, #tpu.memory_space<hbm>>
        %dma_start3A_663 = tpu.memref_squeeze %dma_start3A_662 : memref<1x10000x64xbf16, #tpu.memory_space<hbm>> -> memref<10000x64xbf16, #tpu.memory_space<hbm>>
        %dma_start3A_664 = arith.constant 0 : i32
        %dma_start3A_665 = arith.constant 0 : i32
        %dma_start3A_666 = tpu.memref_slice %dma_start3A_663[%dma_start3A_664, %dma_start3A_665] : memref<10000x64xbf16, #tpu.memory_space<hbm>> -> memref<10000x64xbf16, #tpu.memory_space<hbm>>
        tpu.enqueue_indirect_dma source(%dma_start3A_666 : memref<10000x64xbf16, #tpu.memory_space<hbm>>) target(%arg12 : memref<128x64xbf16, #tpu.memory_space<vmem>>) offsets(%dma_start3A_654 : memref<128xi32, #tpu.memory_space<vmem>>) semaphore(%arg18 : memref<!tpu.dma_semaphore, #tpu.memory_space<semaphore_mem>>)
      } else {
      }
      %dma_wait3A_631 = arith.constant 0 : i32
      %dma_wait3A_632 = tpu.memref_slice %arg9[%add3A_585, %dma_wait3A_631] : memref<100x128xi32, #tpu.memory_space<vmem>> -> memref<1x128xi32, #tpu.memory_space<vmem>>
      %dma_wait3A_633 = tpu.memref_squeeze %dma_wait3A_632 : memref<1x128xi32, #tpu.memory_space<vmem>> -> memref<128xi32, #tpu.memory_space<vmem>>
      %dma_wait3A_634 = arith.constant 0 : i32
      %dma_wait3A_635 = arith.constant 0 : i32
      %dma_wait3A_636 = arith.constant 0 : i32
      %dma_wait3A_637 = tpu.memref_slice %arg2[%scan3A_540, %dma_wait3A_634, %dma_wait3A_635, %dma_wait3A_636] : memref<5x2x10000x64xbf16, #tpu.memory_space<hbm>> -> memref<1x2x10000x64xbf16, #tpu.memory_space<hbm>>
      %dma_wait3A_638 = tpu.memref_squeeze %dma_wait3A_637 : memref<1x2x10000x64xbf16, #tpu.memory_space<hbm>> -> memref<2x10000x64xbf16, #tpu.memory_space<hbm>>
      %dma_wait3A_639 = arith.constant 0 : i32
      %dma_wait3A_640 = arith.constant 0 : i32
      %dma_wait3A_641 = tpu.memref_slice %dma_wait3A_638[%arg0, %dma_wait3A_639, %dma_wait3A_640] : memref<2x10000x64xbf16, #tpu.memory_space<hbm>> -> memref<1x10000x64xbf16, #tpu.memory_space<hbm>>
      %dma_wait3A_642 = tpu.memref_squeeze %dma_wait3A_641 : memref<1x10000x64xbf16, #tpu.memory_space<hbm>> -> memref<10000x64xbf16, #tpu.memory_space<hbm>>
      %dma_wait3A_643 = arith.constant 0 : i32
      %dma_wait3A_644 = arith.constant 0 : i32
      %dma_wait3A_645 = tpu.memref_slice %dma_wait3A_642[%dma_wait3A_643, %dma_wait3A_644] : memref<10000x64xbf16, #tpu.memory_space<hbm>> -> memref<10000x64xbf16, #tpu.memory_space<hbm>>
      tpu.wait_indirect_dma semaphore(%arg19 : memref<!tpu.dma_semaphore, #tpu.memory_space<semaphore_mem>>) src(%dma_wait3A_645 : memref<10000x64xbf16, #tpu.memory_space<hbm>>) dst(%arg13 : memref<128x64xbf16, #tpu.memory_space<vmem>>)
      %add3A_646 = arith.constant 1 : i32
      %add3A_647 = arith.addi %mul3A_581, %add3A_646 : i32
      "tpu.region"() ({
        %run_scoped3A_648 = tpu.sem_alloc : memref<!tpu.dma_semaphore, #tpu.memory_space<semaphore_mem>>
        %dma_start3A_649 = arith.constant 0 : i32
        %dma_start3A_650 = tpu.memref_slice %arg10[%add3A_647, %dma_start3A_649] : memref<50x128xi32, #tpu.memory_space<vmem>> -> memref<1x128xi32, #tpu.memory_space<vmem>>
        %dma_start3A_651 = tpu.memref_squeeze %dma_start3A_650 : memref<1x128xi32, #tpu.memory_space<vmem>> -> memref<128xi32, #tpu.memory_space<vmem>>
        %dma_start3A_652 = arith.constant 0 : i32
        %dma_start3A_653 = arith.constant 0 : i32
        %dma_start3A_654 = tpu.memref_slice %arg16[%dma_start3A_652, %dma_start3A_653] : memref<10240x64xbf16, #tpu.memory_space<vmem_shared>> -> memref<10240x64xbf16, #tpu.memory_space<vmem_shared>>
        tpu.enqueue_indirect_dma source(%arg13 : memref<128x64xbf16, #tpu.memory_space<vmem>>) target(%dma_start3A_654 : memref<10240x64xbf16, #tpu.memory_space<vmem_shared>>) offsets(%dma_start3A_651 : memref<128xi32, #tpu.memory_space<vmem>>) semaphore(%run_scoped3A_648 : memref<!tpu.dma_semaphore, #tpu.memory_space<semaphore_mem>>) {add = true}
        %dma_wait3A_655 = arith.constant 0 : i32
        %dma_wait3A_656 = tpu.memref_slice %arg10[%add3A_647, %dma_wait3A_655] : memref<50x128xi32, #tpu.memory_space<vmem>> -> memref<1x128xi32, #tpu.memory_space<vmem>>
        %dma_wait3A_657 = tpu.memref_squeeze %dma_wait3A_656 : memref<1x128xi32, #tpu.memory_space<vmem>> -> memref<128xi32, #tpu.memory_space<vmem>>
        %dma_wait3A_658 = arith.constant 0 : i32
        %dma_wait3A_659 = arith.constant 0 : i32
        %dma_wait3A_660 = tpu.memref_slice %arg16[%dma_wait3A_658, %dma_wait3A_659] : memref<10240x64xbf16, #tpu.memory_space<vmem_shared>> -> memref<10240x64xbf16, #tpu.memory_space<vmem_shared>>
        tpu.wait_indirect_dma semaphore(%run_scoped3A_648 : memref<!tpu.dma_semaphore, #tpu.memory_space<semaphore_mem>>) src(%arg13 : memref<128x64xbf16, #tpu.memory_space<vmem>>) dst(%dma_wait3A_660 : memref<10240x64xbf16, #tpu.memory_space<vmem_shared>>)
        tpu.yield
      }) : () -> ()
    }
    %scan3A_545 = arith.constant 10 : i32
    %dma_start3A_546 = arith.constant 4 : i32
    %dma_start3A_547 = arith.constant 40 : i32
    "tpu.trace_stop"() : () -> ()
    %dma_start3A_548 = arith.constant 0 : i32
    %dma_start3A_549 = tpu.memref_slice %arg9[%dma_start3A_547, %dma_start3A_548] : memref<100x128xi32, #tpu.memory_space<vmem>> -> memref<1x128xi32, #tpu.memory_space<vmem>>
    %dma_start3A_550 = tpu.memref_squeeze %dma_start3A_549 : memref<1x128xi32, #tpu.memory_space<vmem>> -> memref<128xi32, #tpu.memory_space<vmem>>
    %dma_start3A_551 = arith.constant 0 : i32
    %dma_start3A_552 = arith.constant 0 : i32
    %dma_start3A_553 = arith.constant 0 : i32
    %dma_start3A_554 = tpu.memref_slice %arg2[%dma_start3A_546, %dma_start3A_551, %dma_start3A_552, %dma_start3A_553] : memref<5x2x10000x64xbf16, #tpu.memory_space<hbm>> -> memref<1x2x10000x64xbf16, #tpu.memory_space<hbm>>
    %dma_start3A_555 = tpu.memref_squeeze %dma_start3A_554 : memref<1x2x10000x64xbf16, #tpu.memory_space<hbm>> -> memref<2x10000x64xbf16, #tpu.memory_space<hbm>>
    %dma_start3A_556 = arith.constant 0 : i32
    %dma_start3A_557 = arith.constant 0 : i32
    %dma_start3A_558 = tpu.memref_slice %dma_start3A_555[%arg0, %dma_start3A_556, %dma_start3A_557] : memref<2x10000x64xbf16, #tpu.memory_space<hbm>> -> memref<1x10000x64xbf16, #tpu.memory_space<hbm>>
    %dma_start3A_559 = tpu.memref_squeeze %dma_start3A_558 : memref<1x10000x64xbf16, #tpu.memory_space<hbm>> -> memref<10000x64xbf16, #tpu.memory_space<hbm>>
    %dma_start3A_560 = arith.constant 0 : i32
    %dma_start3A_561 = arith.constant 0 : i32
    %dma_start3A_562 = tpu.memref_slice %dma_start3A_559[%dma_start3A_560, %dma_start3A_561] : memref<10000x64xbf16, #tpu.memory_space<hbm>> -> memref<10000x64xbf16, #tpu.memory_space<hbm>>
    tpu.enqueue_indirect_dma source(%dma_start3A_562 : memref<10000x64xbf16, #tpu.memory_space<hbm>>) target(%arg12 : memref<128x64xbf16, #tpu.memory_space<vmem>>) offsets(%dma_start3A_550 : memref<128xi32, #tpu.memory_space<vmem>>) semaphore(%arg18 : memref<!tpu.dma_semaphore, #tpu.memory_space<semaphore_mem>>)
    "tpu.trace_start"() <{level = 10 : i32, message = "stream1_2"}> : () -> ()
    %scan3A_563 = arith.constant 0 : i32
    %scan3A_564 = arith.constant 4 : i32
    %scan3A_565 = arith.constant 0 : i32
    %scan3A_566 = arith.constant 10 : i32
    %scan3A_567 = arith.addi %scan3A_565, %scan3A_566 : i32
    %scan3A_568 = arith.constant 1 : i32
    scf.for %scan3A_579 = %scan3A_565 to %scan3A_567 step %scan3A_568  : i32 {
      %mul3A_580 = arith.constant 2 : i32
      %mul3A_581 = arith.muli %mul3A_580, %scan3A_579 : i32
      %add3A_582 = arith.constant 40 : i32
      %add3A_583 = arith.addi %add3A_582, %mul3A_581 : i32
      %add3A_584 = arith.constant 1 : i32
      %add3A_585 = arith.addi %add3A_583, %add3A_584 : i32
      %dma_start3A_586 = arith.constant 0 : i32
      %dma_start3A_587 = tpu.memref_slice %arg9[%add3A_585, %dma_start3A_586] : memref<100x128xi32, #tpu.memory_space<vmem>> -> memref<1x128xi32, #tpu.memory_space<vmem>>
      %dma_start3A_588 = tpu.memref_squeeze %dma_start3A_587 : memref<1x128xi32, #tpu.memory_space<vmem>> -> memref<128xi32, #tpu.memory_space<vmem>>
      %dma_start3A_589 = arith.constant 0 : i32
      %dma_start3A_590 = arith.constant 0 : i32
      %dma_start3A_591 = arith.constant 0 : i32
      %dma_start3A_592 = tpu.memref_slice %arg2[%scan3A_564, %dma_start3A_589, %dma_start3A_590, %dma_start3A_591] : memref<5x2x10000x64xbf16, #tpu.memory_space<hbm>> -> memref<1x2x10000x64xbf16, #tpu.memory_space<hbm>>
      %dma_start3A_593 = tpu.memref_squeeze %dma_start3A_592 : memref<1x2x10000x64xbf16, #tpu.memory_space<hbm>> -> memref<2x10000x64xbf16, #tpu.memory_space<hbm>>
      %dma_start3A_594 = arith.constant 0 : i32
      %dma_start3A_595 = arith.constant 0 : i32
      %dma_start3A_596 = tpu.memref_slice %dma_start3A_593[%arg0, %dma_start3A_594, %dma_start3A_595] : memref<2x10000x64xbf16, #tpu.memory_space<hbm>> -> memref<1x10000x64xbf16, #tpu.memory_space<hbm>>
      %dma_start3A_597 = tpu.memref_squeeze %dma_start3A_596 : memref<1x10000x64xbf16, #tpu.memory_space<hbm>> -> memref<10000x64xbf16, #tpu.memory_space<hbm>>
      %dma_start3A_598 = arith.constant 0 : i32
      %dma_start3A_599 = arith.constant 0 : i32
      %dma_start3A_600 = tpu.memref_slice %dma_start3A_597[%dma_start3A_598, %dma_start3A_599] : memref<10000x64xbf16, #tpu.memory_space<hbm>> -> memref<10000x64xbf16, #tpu.memory_space<hbm>>
      tpu.enqueue_indirect_dma source(%dma_start3A_600 : memref<10000x64xbf16, #tpu.memory_space<hbm>>) target(%arg13 : memref<128x64xbf16, #tpu.memory_space<vmem>>) offsets(%dma_start3A_588 : memref<128xi32, #tpu.memory_space<vmem>>) semaphore(%arg19 : memref<!tpu.dma_semaphore, #tpu.memory_space<semaphore_mem>>)
      %dma_wait3A = arith.constant 0 : i32
      %dma_wait3A_601 = arith.constant 0 : i32
      %dma_wait3A_602 = arith.constant 0 : i32
      %dma_wait3A_603 = tpu.memref_slice %arg2[%scan3A_564, %dma_wait3A, %dma_wait3A_601, %dma_wait3A_602] : memref<5x2x10000x64xbf16, #tpu.memory_space<hbm>> -> memref<1x2x10000x64xbf16, #tpu.memory_space<hbm>>
      %dma_wait3A_604 = tpu.memref_squeeze %dma_wait3A_603 : memref<1x2x10000x64xbf16, #tpu.memory_space<hbm>> -> memref<2x10000x64xbf16, #tpu.memory_space<hbm>>
      %dma_wait3A_605 = arith.constant 0 : i32
      %dma_wait3A_606 = arith.constant 0 : i32
      %dma_wait3A_607 = tpu.memref_slice %dma_wait3A_604[%arg0, %dma_wait3A_605, %dma_wait3A_606] : memref<2x10000x64xbf16, #tpu.memory_space<hbm>> -> memref<1x10000x64xbf16, #tpu.memory_space<hbm>>
      %dma_wait3A_608 = tpu.memref_squeeze %dma_wait3A_607 : memref<1x10000x64xbf16, #tpu.memory_space<hbm>> -> memref<10000x64xbf16, #tpu.memory_space<hbm>>
      %dma_wait3A_609 = arith.constant 0 : i32
      %dma_wait3A_610 = arith.constant 0 : i32
      %dma_wait3A_611 = tpu.memref_slice %dma_wait3A_608[%dma_wait3A_609, %dma_wait3A_610] : memref<10000x64xbf16, #tpu.memory_space<hbm>> -> memref<128x64xbf16, #tpu.memory_space<hbm>>
      %dma_wait3A_612 = arith.constant 0 : i32
      %dma_wait3A_613 = arith.constant 0 : i32
      %dma_wait3A_614 = arith.constant 0 : i32
      %dma_wait3A_615 = tpu.memref_slice %arg2[%scan3A_564, %dma_wait3A_612, %dma_wait3A_613, %dma_wait3A_614] : memref<5x2x10000x64xbf16, #tpu.memory_space<hbm>> -> memref<1x2x10000x64xbf16, #tpu.memory_space<hbm>>
      %dma_wait3A_616 = tpu.memref_squeeze %dma_wait3A_615 : memref<1x2x10000x64xbf16, #tpu.memory_space<hbm>> -> memref<2x10000x64xbf16, #tpu.memory_space<hbm>>
      %dma_wait3A_617 = arith.constant 0 : i32
      %dma_wait3A_618 = arith.constant 0 : i32
      %dma_wait3A_619 = tpu.memref_slice %dma_wait3A_616[%arg0, %dma_wait3A_617, %dma_wait3A_618] : memref<2x10000x64xbf16, #tpu.memory_space<hbm>> -> memref<1x10000x64xbf16, #tpu.memory_space<hbm>>
      %dma_wait3A_620 = tpu.memref_squeeze %dma_wait3A_619 : memref<1x10000x64xbf16, #tpu.memory_space<hbm>> -> memref<10000x64xbf16, #tpu.memory_space<hbm>>
      %dma_wait3A_621 = arith.constant 0 : i32
      %dma_wait3A_622 = arith.constant 0 : i32
      %dma_wait3A_623 = tpu.memref_slice %dma_wait3A_620[%dma_wait3A_621, %dma_wait3A_622] : memref<10000x64xbf16, #tpu.memory_space<hbm>> -> memref<128x64xbf16, #tpu.memory_space<hbm>>
      tpu.wait_dma2 semaphore(%arg18 : memref<!tpu.dma_semaphore, #tpu.memory_space<semaphore_mem>>) src(%dma_wait3A_623 : memref<128x64xbf16, #tpu.memory_space<hbm>>) dst(%arg12 : memref<128x64xbf16, #tpu.memory_space<vmem>>)
      "tpu.region"() ({
        %run_scoped3A_648 = tpu.sem_alloc : memref<!tpu.dma_semaphore, #tpu.memory_space<semaphore_mem>>
        %dma_start3A_649 = arith.constant 0 : i32
        %dma_start3A_650 = tpu.memref_slice %arg10[%mul3A_581, %dma_start3A_649] : memref<50x128xi32, #tpu.memory_space<vmem>> -> memref<1x128xi32, #tpu.memory_space<vmem>>
        %dma_start3A_651 = tpu.memref_squeeze %dma_start3A_650 : memref<1x128xi32, #tpu.memory_space<vmem>> -> memref<128xi32, #tpu.memory_space<vmem>>
        %dma_start3A_652 = arith.constant 0 : i32
        %dma_start3A_653 = arith.constant 0 : i32
        %dma_start3A_654 = tpu.memref_slice %arg16[%dma_start3A_652, %dma_start3A_653] : memref<10240x64xbf16, #tpu.memory_space<vmem_shared>> -> memref<10240x64xbf16, #tpu.memory_space<vmem_shared>>
        tpu.enqueue_indirect_dma source(%arg12 : memref<128x64xbf16, #tpu.memory_space<vmem>>) target(%dma_start3A_654 : memref<10240x64xbf16, #tpu.memory_space<vmem_shared>>) offsets(%dma_start3A_651 : memref<128xi32, #tpu.memory_space<vmem>>) semaphore(%run_scoped3A_648 : memref<!tpu.dma_semaphore, #tpu.memory_space<semaphore_mem>>) {add = true}
        %dma_wait3A_655 = arith.constant 0 : i32
        %dma_wait3A_656 = tpu.memref_slice %arg10[%mul3A_581, %dma_wait3A_655] : memref<50x128xi32, #tpu.memory_space<vmem>> -> memref<1x128xi32, #tpu.memory_space<vmem>>
        %dma_wait3A_657 = tpu.memref_squeeze %dma_wait3A_656 : memref<1x128xi32, #tpu.memory_space<vmem>> -> memref<128xi32, #tpu.memory_space<vmem>>
        %dma_wait3A_658 = arith.constant 0 : i32
        %dma_wait3A_659 = arith.constant 0 : i32
        %dma_wait3A_660 = tpu.memref_slice %arg16[%dma_wait3A_658, %dma_wait3A_659] : memref<10240x64xbf16, #tpu.memory_space<vmem_shared>> -> memref<10240x64xbf16, #tpu.memory_space<vmem_shared>>
        tpu.wait_indirect_dma semaphore(%run_scoped3A_648 : memref<!tpu.dma_semaphore, #tpu.memory_space<semaphore_mem>>) src(%arg12 : memref<128x64xbf16, #tpu.memory_space<vmem>>) dst(%dma_wait3A_660 : memref<10240x64xbf16, #tpu.memory_space<vmem_shared>>)
        tpu.yield
      }) : () -> ()
      %add3A_624 = arith.constant 2 : i32
      %add3A_625 = arith.addi %mul3A_581, %add3A_624 : i32
      %lt3A_626 = arith.constant 20 : i32
      %lt3A_627 = arith.cmpi slt, %add3A_625, %lt3A_626 : i32
      %convert_element_type3A_628 = arith.extui %lt3A_627 : i1 to i32
      %cond3A_629 = arith.constant 0 : i32
      %cond3A_630 = arith.cmpi ne, %convert_element_type3A_628, %cond3A_629 : i32
      scf.if %cond3A_630 {
        %add3A_648 = arith.constant 40 : i32
        %add3A_649 = arith.addi %add3A_648, %mul3A_581 : i32
        %add3A_650 = arith.constant 2 : i32
        %add3A_651 = arith.addi %add3A_649, %add3A_650 : i32
        %dma_start3A_652 = arith.constant 0 : i32
        %dma_start3A_653 = tpu.memref_slice %arg9[%add3A_651, %dma_start3A_652] : memref<100x128xi32, #tpu.memory_space<vmem>> -> memref<1x128xi32, #tpu.memory_space<vmem>>
        %dma_start3A_654 = tpu.memref_squeeze %dma_start3A_653 : memref<1x128xi32, #tpu.memory_space<vmem>> -> memref<128xi32, #tpu.memory_space<vmem>>
        %dma_start3A_655 = arith.constant 0 : i32
        %dma_start3A_656 = arith.constant 0 : i32
        %dma_start3A_657 = arith.constant 0 : i32
        %dma_start3A_658 = tpu.memref_slice %arg2[%scan3A_564, %dma_start3A_655, %dma_start3A_656, %dma_start3A_657] : memref<5x2x10000x64xbf16, #tpu.memory_space<hbm>> -> memref<1x2x10000x64xbf16, #tpu.memory_space<hbm>>
        %dma_start3A_659 = tpu.memref_squeeze %dma_start3A_658 : memref<1x2x10000x64xbf16, #tpu.memory_space<hbm>> -> memref<2x10000x64xbf16, #tpu.memory_space<hbm>>
        %dma_start3A_660 = arith.constant 0 : i32
        %dma_start3A_661 = arith.constant 0 : i32
        %dma_start3A_662 = tpu.memref_slice %dma_start3A_659[%arg0, %dma_start3A_660, %dma_start3A_661] : memref<2x10000x64xbf16, #tpu.memory_space<hbm>> -> memref<1x10000x64xbf16, #tpu.memory_space<hbm>>
        %dma_start3A_663 = tpu.memref_squeeze %dma_start3A_662 : memref<1x10000x64xbf16, #tpu.memory_space<hbm>> -> memref<10000x64xbf16, #tpu.memory_space<hbm>>
        %dma_start3A_664 = arith.constant 0 : i32
        %dma_start3A_665 = arith.constant 0 : i32
        %dma_start3A_666 = tpu.memref_slice %dma_start3A_663[%dma_start3A_664, %dma_start3A_665] : memref<10000x64xbf16, #tpu.memory_space<hbm>> -> memref<10000x64xbf16, #tpu.memory_space<hbm>>
        tpu.enqueue_indirect_dma source(%dma_start3A_666 : memref<10000x64xbf16, #tpu.memory_space<hbm>>) target(%arg12 : memref<128x64xbf16, #tpu.memory_space<vmem>>) offsets(%dma_start3A_654 : memref<128xi32, #tpu.memory_space<vmem>>) semaphore(%arg18 : memref<!tpu.dma_semaphore, #tpu.memory_space<semaphore_mem>>)
      } else {
      }
      %dma_wait3A_631 = arith.constant 0 : i32
      %dma_wait3A_632 = tpu.memref_slice %arg9[%add3A_585, %dma_wait3A_631] : memref<100x128xi32, #tpu.memory_space<vmem>> -> memref<1x128xi32, #tpu.memory_space<vmem>>
      %dma_wait3A_633 = tpu.memref_squeeze %dma_wait3A_632 : memref<1x128xi32, #tpu.memory_space<vmem>> -> memref<128xi32, #tpu.memory_space<vmem>>
      %dma_wait3A_634 = arith.constant 0 : i32
      %dma_wait3A_635 = arith.constant 0 : i32
      %dma_wait3A_636 = arith.constant 0 : i32
      %dma_wait3A_637 = tpu.memref_slice %arg2[%scan3A_564, %dma_wait3A_634, %dma_wait3A_635, %dma_wait3A_636] : memref<5x2x10000x64xbf16, #tpu.memory_space<hbm>> -> memref<1x2x10000x64xbf16, #tpu.memory_space<hbm>>
      %dma_wait3A_638 = tpu.memref_squeeze %dma_wait3A_637 : memref<1x2x10000x64xbf16, #tpu.memory_space<hbm>> -> memref<2x10000x64xbf16, #tpu.memory_space<hbm>>
      %dma_wait3A_639 = arith.constant 0 : i32
      %dma_wait3A_640 = arith.constant 0 : i32
      %dma_wait3A_641 = tpu.memref_slice %dma_wait3A_638[%arg0, %dma_wait3A_639, %dma_wait3A_640] : memref<2x10000x64xbf16, #tpu.memory_space<hbm>> -> memref<1x10000x64xbf16, #tpu.memory_space<hbm>>
      %dma_wait3A_642 = tpu.memref_squeeze %dma_wait3A_641 : memref<1x10000x64xbf16, #tpu.memory_space<hbm>> -> memref<10000x64xbf16, #tpu.memory_space<hbm>>
      %dma_wait3A_643 = arith.constant 0 : i32
      %dma_wait3A_644 = arith.constant 0 : i32
      %dma_wait3A_645 = tpu.memref_slice %dma_wait3A_642[%dma_wait3A_643, %dma_wait3A_644] : memref<10000x64xbf16, #tpu.memory_space<hbm>> -> memref<10000x64xbf16, #tpu.memory_space<hbm>>
      tpu.wait_indirect_dma semaphore(%arg19 : memref<!tpu.dma_semaphore, #tpu.memory_space<semaphore_mem>>) src(%dma_wait3A_645 : memref<10000x64xbf16, #tpu.memory_space<hbm>>) dst(%arg13 : memref<128x64xbf16, #tpu.memory_space<vmem>>)
      %add3A_646 = arith.constant 1 : i32
      %add3A_647 = arith.addi %mul3A_581, %add3A_646 : i32
      "tpu.region"() ({
        %run_scoped3A_648 = tpu.sem_alloc : memref<!tpu.dma_semaphore, #tpu.memory_space<semaphore_mem>>
        %dma_start3A_649 = arith.constant 0 : i32
        %dma_start3A_650 = tpu.memref_slice %arg10[%add3A_647, %dma_start3A_649] : memref<50x128xi32, #tpu.memory_space<vmem>> -> memref<1x128xi32, #tpu.memory_space<vmem>>
        %dma_start3A_651 = tpu.memref_squeeze %dma_start3A_650 : memref<1x128xi32, #tpu.memory_space<vmem>> -> memref<128xi32, #tpu.memory_space<vmem>>
        %dma_start3A_652 = arith.constant 0 : i32
        %dma_start3A_653 = arith.constant 0 : i32
        %dma_start3A_654 = tpu.memref_slice %arg16[%dma_start3A_652, %dma_start3A_653] : memref<10240x64xbf16, #tpu.memory_space<vmem_shared>> -> memref<10240x64xbf16, #tpu.memory_space<vmem_shared>>
        tpu.enqueue_indirect_dma source(%arg13 : memref<128x64xbf16, #tpu.memory_space<vmem>>) target(%dma_start3A_654 : memref<10240x64xbf16, #tpu.memory_space<vmem_shared>>) offsets(%dma_start3A_651 : memref<128xi32, #tpu.memory_space<vmem>>) semaphore(%run_scoped3A_648 : memref<!tpu.dma_semaphore, #tpu.memory_space<semaphore_mem>>) {add = true}
        %dma_wait3A_655 = arith.constant 0 : i32
        %dma_wait3A_656 = tpu.memref_slice %arg10[%add3A_647, %dma_wait3A_655] : memref<50x128xi32, #tpu.memory_space<vmem>> -> memref<1x128xi32, #tpu.memory_space<vmem>>
        %dma_wait3A_657 = tpu.memref_squeeze %dma_wait3A_656 : memref<1x128xi32, #tpu.memory_space<vmem>> -> memref<128xi32, #tpu.memory_space<vmem>>
        %dma_wait3A_658 = arith.constant 0 : i32
        %dma_wait3A_659 = arith.constant 0 : i32
        %dma_wait3A_660 = tpu.memref_slice %arg16[%dma_wait3A_658, %dma_wait3A_659] : memref<10240x64xbf16, #tpu.memory_space<vmem_shared>> -> memref<10240x64xbf16, #tpu.memory_space<vmem_shared>>
        tpu.wait_indirect_dma semaphore(%run_scoped3A_648 : memref<!tpu.dma_semaphore, #tpu.memory_space<semaphore_mem>>) src(%arg13 : memref<128x64xbf16, #tpu.memory_space<vmem>>) dst(%dma_wait3A_660 : memref<10240x64xbf16, #tpu.memory_space<vmem_shared>>)
        tpu.yield
      }) : () -> ()
    }
    %scan3A_569 = arith.constant 10 : i32
    "tpu.trace_stop"() : () -> ()
    %barrier3A_570 = arith.constant 0 : index
    tpu.barrier barrier_id(%barrier3A_570)
    %mul3A_571 = arith.constant 64 : i32
    %mul3A_572 = arith.muli %arg0, %mul3A_571 : i32
    %run_scoped3A_573 = arith.constant 1 : i32
    "tpu.region"() ({
      %run_scoped3A_579 = tpu.sem_alloc : memref<!tpu.dma_semaphore, #tpu.memory_space<semaphore_mem>>
      %dma_start3A_580 = tpu.memref_slice %arg5[%run_scoped3A_573, %mul3A_0, %mul3A_572] : memref<2x10240x128xbf16, #tpu.memory_space<hbm>> -> memref<1x640x64xbf16, #tpu.memory_space<hbm>>
      %dma_start3A_581 = tpu.memref_squeeze %dma_start3A_580 : memref<1x640x64xbf16, #tpu.memory_space<hbm>> -> memref<640x64xbf16, #tpu.memory_space<hbm>>
      %dma_start3A_582 = arith.constant 0 : i32
      %dma_start3A_583 = tpu.memref_slice %arg16[%mul3A_0, %dma_start3A_582] : memref<10240x64xbf16, #tpu.memory_space<vmem_shared>> -> memref<640x64xbf16, #tpu.memory_space<vmem_shared>>
      tpu.enqueue_dma source(%dma_start3A_583 : memref<640x64xbf16, #tpu.memory_space<vmem_shared>>) target(%dma_start3A_581 : memref<640x64xbf16, #tpu.memory_space<hbm>>) target_semaphore(%run_scoped3A_579 : memref<!tpu.dma_semaphore, #tpu.memory_space<semaphore_mem>>)
      %dma_wait3A = tpu.memref_slice %arg5[%run_scoped3A_573, %mul3A_0, %mul3A_572] : memref<2x10240x128xbf16, #tpu.memory_space<hbm>> -> memref<1x640x64xbf16, #tpu.memory_space<hbm>>
      %dma_wait3A_584 = tpu.memref_squeeze %dma_wait3A : memref<1x640x64xbf16, #tpu.memory_space<hbm>> -> memref<640x64xbf16, #tpu.memory_space<hbm>>
      %dma_wait3A_585 = arith.constant 0 : i32
      %dma_wait3A_586 = tpu.memref_slice %arg16[%mul3A_0, %dma_wait3A_585] : memref<10240x64xbf16, #tpu.memory_space<vmem_shared>> -> memref<640x64xbf16, #tpu.memory_space<vmem_shared>>
      tpu.wait_dma2 semaphore(%run_scoped3A_579 : memref<!tpu.dma_semaphore, #tpu.memory_space<semaphore_mem>>) src(%dma_wait3A_586 : memref<640x64xbf16, #tpu.memory_space<vmem_shared>>) dst(%dma_wait3A_584 : memref<640x64xbf16, #tpu.memory_space<hbm>>)
      tpu.yield
    }) : () -> ()
    %eq3A_574 = arith.constant 1 : i32
    %eq3A_575 = arith.cmpi eq, %arg0, %eq3A_574 : i32
    %convert_element_type3A_576 = arith.extui %eq3A_575 : i1 to i32
    %cond3A_577 = arith.constant 0 : i32
    %cond3A_578 = arith.cmpi ne, %convert_element_type3A_576, %cond3A_577 : i32
    scf.if %cond3A_578 {
      %run_scoped3A_579 = arith.constant 1 : i32
      "tpu.region"() ({
        %run_scoped3A_580 = tpu.sem_alloc : memref<!tpu.dma_semaphore, #tpu.memory_space<semaphore_mem>>
        %dma_start3A_581 = arith.constant 0 : i32
        %dma_start3A_582 = tpu.memref_slice %arg6[%run_scoped3A_579, %mul3A_0, %dma_start3A_581] : memref<2x10240x16xf32, #tpu.memory_space<hbm>> -> memref<1x640x16xf32, #tpu.memory_space<hbm>>
        %dma_start3A_583 = tpu.memref_squeeze %dma_start3A_582 : memref<1x640x16xf32, #tpu.memory_space<hbm>> -> memref<640x16xf32, #tpu.memory_space<hbm>>
        %dma_start3A_584 = arith.constant 0 : i32
        %dma_start3A_585 = tpu.memref_slice %arg17[%mul3A_0, %dma_start3A_584] : memref<10240x16xf32, #tpu.memory_space<vmem_shared>> -> memref<640x16xf32, #tpu.memory_space<vmem_shared>>
        tpu.enqueue_dma source(%dma_start3A_585 : memref<640x16xf32, #tpu.memory_space<vmem_shared>>) target(%dma_start3A_583 : memref<640x16xf32, #tpu.memory_space<hbm>>) target_semaphore(%run_scoped3A_580 : memref<!tpu.dma_semaphore, #tpu.memory_space<semaphore_mem>>)
        %dma_wait3A = arith.constant 0 : i32
        %dma_wait3A_586 = tpu.memref_slice %arg6[%run_scoped3A_579, %mul3A_0, %dma_wait3A] : memref<2x10240x16xf32, #tpu.memory_space<hbm>> -> memref<1x640x16xf32, #tpu.memory_space<hbm>>
        %dma_wait3A_587 = tpu.memref_squeeze %dma_wait3A_586 : memref<1x640x16xf32, #tpu.memory_space<hbm>> -> memref<640x16xf32, #tpu.memory_space<hbm>>
        %dma_wait3A_588 = arith.constant 0 : i32
        %dma_wait3A_589 = tpu.memref_slice %arg17[%mul3A_0, %dma_wait3A_588] : memref<10240x16xf32, #tpu.memory_space<vmem_shared>> -> memref<640x16xf32, #tpu.memory_space<vmem_shared>>
        tpu.wait_dma2 semaphore(%run_scoped3A_580 : memref<!tpu.dma_semaphore, #tpu.memory_space<semaphore_mem>>) src(%dma_wait3A_589 : memref<640x16xf32, #tpu.memory_space<vmem_shared>>) dst(%dma_wait3A_587 : memref<640x16xf32, #tpu.memory_space<hbm>>)
        tpu.yield
      }) : () -> ()
    } else {
    }
    return
  }
}

module attributes {stable_mosaic.version = 14 : i64} {
  func.func @_z_body(%arg0: i32, %arg1: memref<1000x128xf32, #tpu.memory_space<vmem>>, %arg2: memref<256x128xf32, #tpu.memory_space<vmem>>, %arg3: memref<384x128xf32, #tpu.memory_space<vmem>>, %arg4: memref<5x2x1000x64xbf16, #tpu.memory_space<vmem>>) attributes {dimension_semantics = [#tpu.dimension_semantics<arbitrary>], iteration_bounds = array<i64: 10>, scalar_prefetch = 0 : i64, scratch_operands = 0 : i64, tpu.core_type = #tpu.core_type<tc>, window_params = [{transform_indices = @transform_0, window_bounds = array<i64: 1000, 128>}, {pipeline_mode = #tpu.pipeline_mode<synchronous>, transform_indices = @transform_1, window_bounds = array<i64: 256, 128>}, {pipeline_mode = #tpu.pipeline_mode<synchronous>, transform_indices = @transform_2, window_bounds = array<i64: 384, 128>}, {transform_indices = @transform_3, window_bounds = array<i64: 5, 2, 1000, 64>}]} {
    %get3A = arith.constant 0 : index
    %get3A_0 = arith.constant 0 : index
    %get3A_1 = vector.load %arg1[%get3A, %get3A_0] : memref<1000x128xf32, #tpu.memory_space<vmem>>, vector<1000x128xf32>
    %get3A_2 = arith.constant 0 : index
    %get3A_3 = arith.constant 0 : index
    %get3A_4 = vector.load %arg2[%get3A_2, %get3A_3] : memref<256x128xf32, #tpu.memory_space<vmem>>, vector<128x128xf32>
    %dot_general3A = arith.constant dense<0.000000e+00> : vector<1000x128xf32>
    %dot_general3A_5 = tpu.matmul %get3A_1, %get3A_4, %dot_general3A {dimension_numbers = #tpu.dot_dimension_numbers<[1], [0], [0], [1], [0, 0, 1, 1], [], []>, transpose_lhs_hint = false} : vector<1000x128xf32>, vector<128x128xf32>, vector<1000x128xf32> -> vector<1000x128xf32>
    %get3A_6 = arith.constant 128 : index
    %get3A_7 = arith.constant 0 : index
    %get3A_8 = vector.load %arg2[%get3A_6, %get3A_7] : memref<256x128xf32, #tpu.memory_space<vmem>>, vector<128x128xf32>
    %dot_general3A_9 = arith.constant dense<0.000000e+00> : vector<1000x128xf32>
    %dot_general3A_10 = tpu.matmul %get3A_1, %get3A_8, %dot_general3A_9 {dimension_numbers = #tpu.dot_dimension_numbers<[1], [0], [0], [1], [0, 0, 1, 1], [], []>, transpose_lhs_hint = false} : vector<1000x128xf32>, vector<128x128xf32>, vector<1000x128xf32> -> vector<1000x128xf32>
    %get3A_11 = arith.constant 0 : index
    %get3A_12 = arith.constant 0 : index
    %get3A_13 = vector.load %arg3[%get3A_11, %get3A_12] : memref<384x128xf32, #tpu.memory_space<vmem>>, vector<128x128xf32>
    %dot_general3A_14 = arith.constant dense<0.000000e+00> : vector<1000x128xf32>
    %dot_general3A_15 = tpu.matmul %get3A_1, %get3A_13, %dot_general3A_14 {dimension_numbers = #tpu.dot_dimension_numbers<[1], [0], [0], [1], [0, 0, 1, 1], [], []>, transpose_lhs_hint = false} : vector<1000x128xf32>, vector<128x128xf32>, vector<1000x128xf32> -> vector<1000x128xf32>
    %get3A_16 = arith.constant 128 : index
    %get3A_17 = arith.constant 0 : index
    %get3A_18 = vector.load %arg3[%get3A_16, %get3A_17] : memref<384x128xf32, #tpu.memory_space<vmem>>, vector<128x128xf32>
    %dot_general3A_19 = arith.constant dense<0.000000e+00> : vector<1000x128xf32>
    %dot_general3A_20 = tpu.matmul %get3A_1, %get3A_18, %dot_general3A_19 {dimension_numbers = #tpu.dot_dimension_numbers<[1], [0], [0], [1], [0, 0, 1, 1], [], []>, transpose_lhs_hint = false} : vector<1000x128xf32>, vector<128x128xf32>, vector<1000x128xf32> -> vector<1000x128xf32>
    %get3A_21 = arith.constant 256 : index
    %get3A_22 = arith.constant 0 : index
    %get3A_23 = vector.load %arg3[%get3A_21, %get3A_22] : memref<384x128xf32, #tpu.memory_space<vmem>>, vector<128x128xf32>
    %dot_general3A_24 = arith.constant dense<0.000000e+00> : vector<1000x128xf32>
    %dot_general3A_25 = tpu.matmul %get3A_1, %get3A_23, %dot_general3A_24 {dimension_numbers = #tpu.dot_dimension_numbers<[1], [0], [0], [1], [0, 0, 1, 1], [], []>, transpose_lhs_hint = false} : vector<1000x128xf32>, vector<128x128xf32>, vector<1000x128xf32> -> vector<1000x128xf32>
    %convert_element_type3A = arith.truncf %dot_general3A_5 : vector<1000x128xf32> to vector<1000x128xbf16>
    %slice3A = vector.extract_strided_slice %convert_element_type3A {offsets = [0, 0], sizes = [1000, 64], strides = [1, 1]} : vector<1000x128xbf16> to vector<1000x64xbf16>
    %swap3A = arith.constant 0 : index
    %swap3A_26 = arith.constant 0 : index
    %swap3A_27 = arith.constant 0 : index
    %swap3A_28 = arith.constant 0 : index
    %swap3A_29 = vector.load %arg4[%swap3A, %swap3A_26, %swap3A_27, %swap3A_28] : memref<5x2x1000x64xbf16, #tpu.memory_space<vmem>>, vector<1x1x1000x64xbf16>
    %swap3A_30 = vector.shape_cast %swap3A_29 : vector<1x1x1000x64xbf16> to vector<1000x64xbf16>
    %swap3A_31 = vector.shape_cast %slice3A : vector<1000x64xbf16> to vector<1x1x1000x64xbf16>
    tpu.vector_store %arg4[%swap3A, %swap3A_26, %swap3A_27, %swap3A_28], %swap3A_31 {strides = array<i32>} : memref<5x2x1000x64xbf16, #tpu.memory_space<vmem>>, vector<1x1x1000x64xbf16>,
    %slice3A_32 = vector.extract_strided_slice %convert_element_type3A {offsets = [0, 64], sizes = [1000, 64], strides = [1, 1]} : vector<1000x128xbf16> to vector<1000x64xbf16>
    %swap3A_33 = arith.constant 0 : index
    %swap3A_34 = arith.constant 1 : index
    %swap3A_35 = arith.constant 0 : index
    %swap3A_36 = arith.constant 0 : index
    %swap3A_37 = vector.load %arg4[%swap3A_33, %swap3A_34, %swap3A_35, %swap3A_36] : memref<5x2x1000x64xbf16, #tpu.memory_space<vmem>>, vector<1x1x1000x64xbf16>
    %swap3A_38 = vector.shape_cast %swap3A_37 : vector<1x1x1000x64xbf16> to vector<1000x64xbf16>
    %swap3A_39 = vector.shape_cast %slice3A_32 : vector<1000x64xbf16> to vector<1x1x1000x64xbf16>
    tpu.vector_store %arg4[%swap3A_33, %swap3A_34, %swap3A_35, %swap3A_36], %swap3A_39 {strides = array<i32>} : memref<5x2x1000x64xbf16, #tpu.memory_space<vmem>>, vector<1x1x1000x64xbf16>,
    %convert_element_type3A_40 = arith.truncf %dot_general3A_10 : vector<1000x128xf32> to vector<1000x128xbf16>
    %slice3A_41 = vector.extract_strided_slice %convert_element_type3A_40 {offsets = [0, 0], sizes = [1000, 64], strides = [1, 1]} : vector<1000x128xbf16> to vector<1000x64xbf16>
    %swap3A_42 = arith.constant 1 : index
    %swap3A_43 = arith.constant 0 : index
    %swap3A_44 = arith.constant 0 : index
    %swap3A_45 = arith.constant 0 : index
    %swap3A_46 = vector.load %arg4[%swap3A_42, %swap3A_43, %swap3A_44, %swap3A_45] : memref<5x2x1000x64xbf16, #tpu.memory_space<vmem>>, vector<1x1x1000x64xbf16>
    %swap3A_47 = vector.shape_cast %swap3A_46 : vector<1x1x1000x64xbf16> to vector<1000x64xbf16>
    %swap3A_48 = vector.shape_cast %slice3A_41 : vector<1000x64xbf16> to vector<1x1x1000x64xbf16>
    tpu.vector_store %arg4[%swap3A_42, %swap3A_43, %swap3A_44, %swap3A_45], %swap3A_48 {strides = array<i32>} : memref<5x2x1000x64xbf16, #tpu.memory_space<vmem>>, vector<1x1x1000x64xbf16>,
    %slice3A_49 = vector.extract_strided_slice %convert_element_type3A_40 {offsets = [0, 64], sizes = [1000, 64], strides = [1, 1]} : vector<1000x128xbf16> to vector<1000x64xbf16>
    %swap3A_50 = arith.constant 1 : index
    %swap3A_51 = arith.constant 1 : index
    %swap3A_52 = arith.constant 0 : index
    %swap3A_53 = arith.constant 0 : index
    %swap3A_54 = vector.load %arg4[%swap3A_50, %swap3A_51, %swap3A_52, %swap3A_53] : memref<5x2x1000x64xbf16, #tpu.memory_space<vmem>>, vector<1x1x1000x64xbf16>
    %swap3A_55 = vector.shape_cast %swap3A_54 : vector<1x1x1000x64xbf16> to vector<1000x64xbf16>
    %swap3A_56 = vector.shape_cast %slice3A_49 : vector<1000x64xbf16> to vector<1x1x1000x64xbf16>
    tpu.vector_store %arg4[%swap3A_50, %swap3A_51, %swap3A_52, %swap3A_53], %swap3A_56 {strides = array<i32>} : memref<5x2x1000x64xbf16, #tpu.memory_space<vmem>>, vector<1x1x1000x64xbf16>,
    %convert_element_type3A_57 = arith.truncf %dot_general3A_15 : vector<1000x128xf32> to vector<1000x128xbf16>
    %slice3A_58 = vector.extract_strided_slice %convert_element_type3A_57 {offsets = [0, 0], sizes = [1000, 64], strides = [1, 1]} : vector<1000x128xbf16> to vector<1000x64xbf16>
    %swap3A_59 = arith.constant 2 : index
    %swap3A_60 = arith.constant 0 : index
    %swap3A_61 = arith.constant 0 : index
    %swap3A_62 = arith.constant 0 : index
    %swap3A_63 = vector.load %arg4[%swap3A_59, %swap3A_60, %swap3A_61, %swap3A_62] : memref<5x2x1000x64xbf16, #tpu.memory_space<vmem>>, vector<1x1x1000x64xbf16>
    %swap3A_64 = vector.shape_cast %swap3A_63 : vector<1x1x1000x64xbf16> to vector<1000x64xbf16>
    %swap3A_65 = vector.shape_cast %slice3A_58 : vector<1000x64xbf16> to vector<1x1x1000x64xbf16>
    tpu.vector_store %arg4[%swap3A_59, %swap3A_60, %swap3A_61, %swap3A_62], %swap3A_65 {strides = array<i32>} : memref<5x2x1000x64xbf16, #tpu.memory_space<vmem>>, vector<1x1x1000x64xbf16>,
    %slice3A_66 = vector.extract_strided_slice %convert_element_type3A_57 {offsets = [0, 64], sizes = [1000, 64], strides = [1, 1]} : vector<1000x128xbf16> to vector<1000x64xbf16>
    %swap3A_67 = arith.constant 2 : index
    %swap3A_68 = arith.constant 1 : index
    %swap3A_69 = arith.constant 0 : index
    %swap3A_70 = arith.constant 0 : index
    %swap3A_71 = vector.load %arg4[%swap3A_67, %swap3A_68, %swap3A_69, %swap3A_70] : memref<5x2x1000x64xbf16, #tpu.memory_space<vmem>>, vector<1x1x1000x64xbf16>
    %swap3A_72 = vector.shape_cast %swap3A_71 : vector<1x1x1000x64xbf16> to vector<1000x64xbf16>
    %swap3A_73 = vector.shape_cast %slice3A_66 : vector<1000x64xbf16> to vector<1x1x1000x64xbf16>
    tpu.vector_store %arg4[%swap3A_67, %swap3A_68, %swap3A_69, %swap3A_70], %swap3A_73 {strides = array<i32>} : memref<5x2x1000x64xbf16, #tpu.memory_space<vmem>>, vector<1x1x1000x64xbf16>,
    %convert_element_type3A_74 = arith.truncf %dot_general3A_20 : vector<1000x128xf32> to vector<1000x128xbf16>
    %slice3A_75 = vector.extract_strided_slice %convert_element_type3A_74 {offsets = [0, 0], sizes = [1000, 64], strides = [1, 1]} : vector<1000x128xbf16> to vector<1000x64xbf16>
    %swap3A_76 = arith.constant 3 : index
    %swap3A_77 = arith.constant 0 : index
    %swap3A_78 = arith.constant 0 : index
    %swap3A_79 = arith.constant 0 : index
    %swap3A_80 = vector.load %arg4[%swap3A_76, %swap3A_77, %swap3A_78, %swap3A_79] : memref<5x2x1000x64xbf16, #tpu.memory_space<vmem>>, vector<1x1x1000x64xbf16>
    %swap3A_81 = vector.shape_cast %swap3A_80 : vector<1x1x1000x64xbf16> to vector<1000x64xbf16>
    %swap3A_82 = vector.shape_cast %slice3A_75 : vector<1000x64xbf16> to vector<1x1x1000x64xbf16>
    tpu.vector_store %arg4[%swap3A_76, %swap3A_77, %swap3A_78, %swap3A_79], %swap3A_82 {strides = array<i32>} : memref<5x2x1000x64xbf16, #tpu.memory_space<vmem>>, vector<1x1x1000x64xbf16>,
    %slice3A_83 = vector.extract_strided_slice %convert_element_type3A_74 {offsets = [0, 64], sizes = [1000, 64], strides = [1, 1]} : vector<1000x128xbf16> to vector<1000x64xbf16>
    %swap3A_84 = arith.constant 3 : index
    %swap3A_85 = arith.constant 1 : index
    %swap3A_86 = arith.constant 0 : index
    %swap3A_87 = arith.constant 0 : index
    %swap3A_88 = vector.load %arg4[%swap3A_84, %swap3A_85, %swap3A_86, %swap3A_87] : memref<5x2x1000x64xbf16, #tpu.memory_space<vmem>>, vector<1x1x1000x64xbf16>
    %swap3A_89 = vector.shape_cast %swap3A_88 : vector<1x1x1000x64xbf16> to vector<1000x64xbf16>
    %swap3A_90 = vector.shape_cast %slice3A_83 : vector<1000x64xbf16> to vector<1x1x1000x64xbf16>
    tpu.vector_store %arg4[%swap3A_84, %swap3A_85, %swap3A_86, %swap3A_87], %swap3A_90 {strides = array<i32>} : memref<5x2x1000x64xbf16, #tpu.memory_space<vmem>>, vector<1x1x1000x64xbf16>,
    %convert_element_type3A_91 = arith.truncf %dot_general3A_25 : vector<1000x128xf32> to vector<1000x128xbf16>
    %slice3A_92 = vector.extract_strided_slice %convert_element_type3A_91 {offsets = [0, 0], sizes = [1000, 64], strides = [1, 1]} : vector<1000x128xbf16> to vector<1000x64xbf16>
    %swap3A_93 = arith.constant 4 : index
    %swap3A_94 = arith.constant 0 : index
    %swap3A_95 = arith.constant 0 : index
    %swap3A_96 = arith.constant 0 : index
    %swap3A_97 = vector.load %arg4[%swap3A_93, %swap3A_94, %swap3A_95, %swap3A_96] : memref<5x2x1000x64xbf16, #tpu.memory_space<vmem>>, vector<1x1x1000x64xbf16>
    %swap3A_98 = vector.shape_cast %swap3A_97 : vector<1x1x1000x64xbf16> to vector<1000x64xbf16>
    %swap3A_99 = vector.shape_cast %slice3A_92 : vector<1000x64xbf16> to vector<1x1x1000x64xbf16>
    tpu.vector_store %arg4[%swap3A_93, %swap3A_94, %swap3A_95, %swap3A_96], %swap3A_99 {strides = array<i32>} : memref<5x2x1000x64xbf16, #tpu.memory_space<vmem>>, vector<1x1x1000x64xbf16>,
    %slice3A_100 = vector.extract_strided_slice %convert_element_type3A_91 {offsets = [0, 64], sizes = [1000, 64], strides = [1, 1]} : vector<1000x128xbf16> to vector<1000x64xbf16>
    %swap3A_101 = arith.constant 4 : index
    %swap3A_102 = arith.constant 1 : index
    %swap3A_103 = arith.constant 0 : index
    %swap3A_104 = arith.constant 0 : index
    %swap3A_105 = vector.load %arg4[%swap3A_101, %swap3A_102, %swap3A_103, %swap3A_104] : memref<5x2x1000x64xbf16, #tpu.memory_space<vmem>>, vector<1x1x1000x64xbf16>
    %swap3A_106 = vector.shape_cast %swap3A_105 : vector<1x1x1000x64xbf16> to vector<1000x64xbf16>
    %swap3A_107 = vector.shape_cast %slice3A_100 : vector<1000x64xbf16> to vector<1x1x1000x64xbf16>
    tpu.vector_store %arg4[%swap3A_101, %swap3A_102, %swap3A_103, %swap3A_104], %swap3A_107 {strides = array<i32>} : memref<5x2x1000x64xbf16, #tpu.memory_space<vmem>>, vector<1x1x1000x64xbf16>,
    return
  }
  func.func @transform_0(%arg0: i32) -> (i32, i32) {
    %c0_i32 = arith.constant 0 : i32
    %c0_i32_0 = arith.constant 0 : i32
    return %arg0, %c0_i32 : i32, i32
  }
  func.func @transform_1(%arg0: i32) -> (i32, i32) {
    %c0_i32 = arith.constant 0 : i32
    %c0_i32_0 = arith.constant 0 : i32
    %c0_i32_1 = arith.constant 0 : i32
    return %c0_i32, %c0_i32_0 : i32, i32
  }
  func.func @transform_2(%arg0: i32) -> (i32, i32) {
    %c0_i32 = arith.constant 0 : i32
    %c0_i32_0 = arith.constant 0 : i32
    %c0_i32_1 = arith.constant 0 : i32
    return %c0_i32, %c0_i32_0 : i32, i32
  }
  func.func @transform_3(%arg0: i32) -> (i32, i32, i32, i32) {
    %c0_i32 = arith.constant 0 : i32
    %c0_i32_0 = arith.constant 0 : i32
    %c0_i32_1 = arith.constant 0 : i32
    %c0_i32_2 = arith.constant 0 : i32
    return %c0_i32, %c0_i32_0, %arg0, %c0_i32_1 : i32, i32, i32, i32
  }
}

module attributes {stable_mosaic.version = 14 : i64} {
  func.func @_final_body(%arg0: i32, %arg1: memref<1000x128xf32, #tpu.memory_space<vmem>>, %arg2: memref<2x1000x128xbf16, #tpu.memory_space<vmem>>, %arg3: memref<2x1000x16xf32, #tpu.memory_space<vmem>>, %arg4: memref<128x128xf32, #tpu.memory_space<vmem>>, %arg5: memref<1x128xf32, #tpu.memory_space<vmem>>, %arg6: memref<1000x128xf32, #tpu.memory_space<vmem>>) attributes {dimension_semantics = [#tpu.dimension_semantics<arbitrary>], iteration_bounds = array<i64: 10>, scalar_prefetch = 0 : i64, scratch_operands = 0 : i64, tpu.core_type = #tpu.core_type<tc>, window_params = [{transform_indices = @transform_0, window_bounds = array<i64: 1000, 128>}, {transform_indices = @transform_1, window_bounds = array<i64: 2, 1000, 128>}, {transform_indices = @transform_2, window_bounds = array<i64: 2, 1000, 16>}, {pipeline_mode = #tpu.pipeline_mode<synchronous>, transform_indices = @transform_3, window_bounds = array<i64: 128, 128>}, {pipeline_mode = #tpu.pipeline_mode<synchronous>, transform_indices = @transform_4, window_bounds = array<i64: 1, 128>}, {transform_indices = @transform_5, window_bounds = array<i64: 1000, 128>}]} {
    %get3A = arith.constant 0 : index
    %get3A_0 = arith.constant 0 : index
    %get3A_1 = vector.load %arg1[%get3A, %get3A_0] : memref<1000x128xf32, #tpu.memory_space<vmem>>, vector<1000x128xf32>
    %get3A_2 = arith.constant 0 : index
    %get3A_3 = arith.constant 0 : index
    %get3A_4 = arith.constant 0 : index
    %get3A_5 = vector.load %arg3[%get3A_2, %get3A_3, %get3A_4] : memref<2x1000x16xf32, #tpu.memory_space<vmem>>, vector<1x1000x16xf32>
    %get3A_6 = vector.shape_cast %get3A_5 : vector<1x1000x16xf32> to vector<1000x16xf32>
    %slice3A = vector.extract_strided_slice %get3A_6 {offsets = [0, 0], sizes = [1000, 1], strides = [1, 1]} : vector<1000x16xf32> to vector<1000x1xf32>
    %squeeze3A = vector.shape_cast %slice3A : vector<1000x1xf32> to vector<1000xf32>
    %get3A_7 = arith.constant 1 : index
    %get3A_8 = arith.constant 0 : index
    %get3A_9 = arith.constant 0 : index
    %get3A_10 = vector.load %arg3[%get3A_7, %get3A_8, %get3A_9] : memref<2x1000x16xf32, #tpu.memory_space<vmem>>, vector<1x1000x16xf32>
    %get3A_11 = vector.shape_cast %get3A_10 : vector<1x1000x16xf32> to vector<1000x16xf32>
    %slice3A_12 = vector.extract_strided_slice %get3A_11 {offsets = [0, 0], sizes = [1000, 1], strides = [1, 1]} : vector<1000x16xf32> to vector<1000x1xf32>
    %squeeze3A_13 = vector.shape_cast %slice3A_12 : vector<1000x1xf32> to vector<1000xf32>
    %gt3A = arith.constant 0.000000e+00 : f32
    %gt3A_14 = vector.broadcast %gt3A : f32 to vector<1000xf32>
    %gt3A_15 = arith.cmpf ogt, %squeeze3A, %gt3A_14 : vector<1000xf32>
    %div3A = arith.constant 1.000000e+00 : f32
    %div3A_16 = vector.broadcast %div3A : f32 to vector<1000xf32>
    %div3A_17 = arith.divf %div3A_16, %squeeze3A : vector<1000xf32>
    %jit3A = arith.constant 0.000000e+00 : f32
    %broadcast_in_dim3A = vector.broadcast %jit3A : f32 to vector<1000xf32>
    %select_n3A = arith.select %gt3A_15, %div3A_17, %broadcast_in_dim3A : vector<1000xi1>, vector<1000xf32>
    %gt3A_18 = arith.constant 0.000000e+00 : f32
    %gt3A_19 = vector.broadcast %gt3A_18 : f32 to vector<1000xf32>
    %gt3A_20 = arith.cmpf ogt, %squeeze3A_13, %gt3A_19 : vector<1000xf32>
    %div3A_21 = arith.constant 1.000000e+00 : f32
    %div3A_22 = vector.broadcast %div3A_21 : f32 to vector<1000xf32>
    %div3A_23 = arith.divf %div3A_22, %squeeze3A_13 : vector<1000xf32>
    %jit3A_24 = arith.constant 0.000000e+00 : f32
    %broadcast_in_dim3A_25 = vector.broadcast %jit3A_24 : f32 to vector<1000xf32>
    %select_n3A_26 = arith.select %gt3A_20, %div3A_23, %broadcast_in_dim3A_25 : vector<1000xi1>, vector<1000xf32>
    %get3A_27 = arith.constant 0 : index
    %get3A_28 = arith.constant 0 : index
    %get3A_29 = arith.constant 0 : index
    %get3A_30 = vector.load %arg2[%get3A_27, %get3A_28, %get3A_29] : memref<2x1000x128xbf16, #tpu.memory_space<vmem>>, vector<2x1000x128xbf16>
    %convert_element_type3A = arith.extf %get3A_30 : vector<2x1000x128xbf16> to vector<2x1000x128xf32>
    %broadcast_in_dim3A_31 = vector.shape_cast %select_n3A : vector<1000xf32> to vector<1000x1xf32>
    %slice3A_32 = vector.extract_strided_slice %convert_element_type3A {offsets = [0, 0, 0], sizes = [1, 1000, 128], strides = [1, 1, 1]} : vector<2x1000x128xf32> to vector<1x1000x128xf32>
    %squeeze3A_33 = vector.shape_cast %slice3A_32 : vector<1x1000x128xf32> to vector<1000x128xf32>
    %mul3A = vector.broadcast %broadcast_in_dim3A_31 : vector<1000x1xf32> to vector<1000x128xf32>
    %mul3A_34 = arith.mulf %mul3A, %squeeze3A_33 : vector<1000x128xf32>
    %broadcast_in_dim3A_35 = vector.shape_cast %select_n3A_26 : vector<1000xf32> to vector<1000x1xf32>
    %slice3A_36 = vector.extract_strided_slice %convert_element_type3A {offsets = [1, 0, 0], sizes = [1, 1000, 128], strides = [1, 1, 1]} : vector<2x1000x128xf32> to vector<1x1000x128xf32>
    %squeeze3A_37 = vector.shape_cast %slice3A_36 : vector<1x1000x128xf32> to vector<1000x128xf32>
    %mul3A_38 = vector.broadcast %broadcast_in_dim3A_35 : vector<1000x1xf32> to vector<1000x128xf32>
    %mul3A_39 = arith.mulf %mul3A_38, %squeeze3A_37 : vector<1000x128xf32>
    %add3A = arith.addf %mul3A_34, %mul3A_39 : vector<1000x128xf32>
    %get3A_40 = arith.constant 0 : index
    %get3A_41 = arith.constant 0 : index
    %get3A_42 = vector.load %arg4[%get3A_40, %get3A_41] : memref<128x128xf32, #tpu.memory_space<vmem>>, vector<128x128xf32>
    %dot_general3A = arith.constant dense<0.000000e+00> : vector<1000x128xf32>
    %dot_general3A_43 = tpu.matmul %get3A_1, %get3A_42, %dot_general3A {dimension_numbers = #tpu.dot_dimension_numbers<[1], [1], [0], [0], [0, 0, 1, 0], [], []>, transpose_lhs_hint = false} : vector<1000x128xf32>, vector<128x128xf32>, vector<1000x128xf32> -> vector<1000x128xf32>
    %get3A_44 = arith.constant 0 : index
    %get3A_45 = arith.constant 0 : index
    %get3A_46 = vector.load %arg5[%get3A_44, %get3A_45] : memref<1x128xf32, #tpu.memory_space<vmem>>, vector<1x128xf32>
    %add3A_47 = vector.broadcast %get3A_46 : vector<1x128xf32> to vector<1000x128xf32>
    %add3A_48 = arith.addf %dot_general3A_43, %add3A_47 : vector<1000x128xf32>
    %add3A_49 = arith.addf %add3A_48, %add3A : vector<1000x128xf32>
    %swap3A = arith.constant 0 : index
    %swap3A_50 = arith.constant 0 : index
    %swap3A_51 = vector.load %arg6[%swap3A, %swap3A_50] : memref<1000x128xf32, #tpu.memory_space<vmem>>, vector<1000x128xf32>
    tpu.vector_store %arg6[%swap3A, %swap3A_50], %add3A_49 {strides = array<i32>} : memref<1000x128xf32, #tpu.memory_space<vmem>>, vector<1000x128xf32>,
    return
  }
  func.func @transform_0(%arg0: i32) -> (i32, i32) {
    %c0_i32 = arith.constant 0 : i32
    %c0_i32_0 = arith.constant 0 : i32
    return %arg0, %c0_i32 : i32, i32
  }
  func.func @transform_1(%arg0: i32) -> (i32, i32, i32) {
    %c0_i32 = arith.constant 0 : i32
    %c0_i32_0 = arith.constant 0 : i32
    %c0_i32_1 = arith.constant 0 : i32
    return %c0_i32, %arg0, %c0_i32_0 : i32, i32, i32
  }
  func.func @transform_2(%arg0: i32) -> (i32, i32, i32) {
    %c0_i32 = arith.constant 0 : i32
    %c0_i32_0 = arith.constant 0 : i32
    %c0_i32_1 = arith.constant 0 : i32
    return %c0_i32, %arg0, %c0_i32_0 : i32, i32, i32
  }
  func.func @transform_3(%arg0: i32) -> (i32, i32) {
    %c0_i32 = arith.constant 0 : i32
    %c0_i32_0 = arith.constant 0 : i32
    %c0_i32_1 = arith.constant 0 : i32
    return %c0_i32, %c0_i32_0 : i32, i32
  }
  func.func @transform_4(%arg0: i32) -> (i32, i32) {
    %c0_i32 = arith.constant 0 : i32
    %c0_i32_0 = arith.constant 0 : i32
    %c0_i32_1 = arith.constant 0 : i32
    return %c0_i32, %c0_i32_0 : i32, i32
  }
  func.func @transform_5(%arg0: i32) -> (i32, i32) {
    %c0_i32 = arith.constant 0 : i32
    %c0_i32_0 = arith.constant 0 : i32
    return %arg0, %c0_i32 : i32, i32
  }
}

</mosaic_0001>

<sc_bundles>
// kernel: kernel.5.cloned.1.call-start
scs
__scs_entry_jumppad:
0x0: {  	(pc) =	sbr.rel $0x88, $3  }
0x1: {  	(tag) =	ssettag $0x0;
	lr =	simm.s32 $0x1  }
0x2: {  	[smem:$0x3F9A] =	sst lr;
	_ =	strace $0xD0000000  }
0x3: {  	_ = 	snop  }
0x4: {  	_ = 	snop  }
0x5: {  	_ = 	snop  }
0x6: {  	_ = 	snop  }
0x7: {  	_ = 	snop  }
__scs_overlays_trampoline_lowered:
0x8: {  	[smem:$0x3FA9] =	sst s0  }
0x9: {  	[smem:$0x3FAA] =	sst s1  }
0xa: {  	[smem:$0x3FAB] =	sst s2  }
0xb: {  	[smem:$0x3FAC] =	sst s3  }
0xc: {  	[smem:$0x3FAD] =	sst s4  }
0xd: {  	[smem:$0x3FAE] =	sst s5  }
0xe: {  	[smem:$0x3FAF] =	sst s6  }
0xf: {  	[smem:$0x3FB0] =	sst s7  }
0x10: {  	[smem:$0x3FB1] =	sst s8  }
0x11: {  	[smem:$0x3FB2] =	sst s9;
	s0 =	simm.s32 @!p0 $0x0  }
0x12: {  	s1 =	sld [smem:$0x3F98];
	s0 =	simm.s32 @p0 $0x1  }
0x13: {  	[smem:$0x3FB3] =	sst s0;
	s0 =	simm.s32 @!p1 $0x0  }
0x14: {  	s2 =	sld [smem:$0x3F97];
	s0 =	simm.s32 @p1 $0x1  }
0x15: {  	[smem:$0x3FB4] =	sst s0;
	s0 =	simm.s32 @!p2 $0x0  }
0x16: {  	s3 =	sld [smem:$0x3FDB];
	s0 =	simm.s32 @p2 $0x1  }
0x17: {  	s4 =	simm.s32 $0x1BF5;
	[smem:$0x3FB6] =	sst s0  }
0x18: {  	s0 =	sld [smem:$0x3F99];
	_ =	swait.ge [sflag:s4], $0x0  }
0x19: {  	s7 =	sld [smem:$0x3F9A]  }
0x1a: {  	s8 =	sadd.s32 $0xFFFFE003, lr  }
0x1b: {  	s9 =	sadd.s32 $0xFFFFFEF7, lr;
	s5 =	simm.s32 $0xFFFFFFFF;
	p2 =	slt.u32 s8, $0xFFFFF086  }
0x1c: {  	p1 =	slt.u32 s9, $0xF7A;
	s5 =	simm.s32 @!p2 $0x0  }
0x1d: {  	s5 =	simm.s32 @p1 $0x1;
	p0 =	seq.s32 s7, s2  }
0x1e: {  	s7 =	smul.u32 @!p0 $0xF7A, s2;
	p2 =	seq.s32 @!p0 s5, $0x0  }
0x1f: {  	s9 =	smul.u32 $0xF7A, s1;
	s8 =	simm.s32 @!p0 $0x1BF5;
	p2 =	por !p2, p0  }
0x20: {  	[sflag:s8] =	ssyncset.s32 @!p0 $0xFFFFF086;
	s6 =	sadd.s32 @!p0 s3, s7;
	s7 =	simm.s32 @!p0 $0x108  }
0x21: {  	s3 =	sadd.s32 s3, s9;
	s6 =	sadd.s32 @!p0 $0x88, s6;
	s7 =	simm.s32 @p2 $0x1082  }
0x22: {  	[simem:s7], [sflag:s8] =	dma.local @!p0 [hbm:s6], $0xF7A  }
0x23: {  	s9 =	sor.u32 $0xD0000000, s2;
	s6 =	simm.s32 $0x108;
	_ =	swait.ge @!p0 [sflag:s8], $0x0  }
0x24: {  	s3 =	sadd.s32 $0x88, s3;
	s6 =	simm.s32 @!p1 $0x1082;
	[sflag:s4] =	ssyncset.s32 $0xFFFFF086  }
0x25: {  	[simem:s6], [sflag:s4] =	dma.local [hbm:s3], $0xF7A  }
0x26: {  	[smem:$0x3F9A] =	sst s1;
	(tag) =	ssettag s2;
	_ =	strace s9  }
0x27: {  	s1 =	sld [smem:$0x3FAA]  }
0x28: {  	s2 =	sld [smem:$0x3FAB]  }
0x29: {  	s4 =	sld [smem:$0x3FAD]  }
0x2a: {  	p0 =	seq.s32 s5, $0x0;
	s5 =	sld [smem:$0x3FAE]  }
0x2b: {  	s6 =	sld [smem:$0x3FAF]  }
0x2c: {  	s7 =	sld [smem:$0x3FB0]  }
0x2d: {  	s3 =	simm.s32 $0x108;
	s8 =	sld [smem:$0x3FB1]  }
0x2e: {  	s3 =	simm.s32 @!p0 $0x1082;
	s9 =	sld [smem:$0x3FB2]  }
0x2f: {  	lr =	sadd.s32 s0, s3;
	s0 =	sld [smem:$0x3FA9]  }
0x30: {  	s3 =	sld [smem:$0x3FAC]  }
0x31: {  	[smem:$0x3FB5] =	sst s10  }
0x32: {  	s10 =	sld [smem:$0x3FB3];
	_ =	sdelay $0x3  }
0x33: {  	p0 =	seq.s32 s10, $0x1;
	s10 =	sld [smem:$0x3FB5];
	_ =	sdelay $0x3  }
0x34: {  	[smem:$0x3FB5] =	sst s10  }
0x35: {  	s10 =	sld [smem:$0x3FB4];
	_ =	sdelay $0x3  }
0x36: {  	p1 =	seq.s32 s10, $0x1;
	s10 =	sld [smem:$0x3FB5];
	_ =	sdelay $0x3  }
0x37: {  	[smem:$0x3FB5] =	sst s10  }
0x38: {  	s10 =	sld [smem:$0x3FB6]  }
0x39: {  	_ = 	snop;
	(pc) =	sbr.ind lr, $3  }
0x3a: {  	_ = 	snop  }
0x3b: {  	_ = 	snop  }
0x3c: {  	p2 =	seq.s32 s10, $0x1;
	s10 =	sld [smem:$0x3FB5]  }
0x3d: {  	_ =	shalt  }
0x3e: {  	_ =	shalt  }
0x3f: {  	_ =	shalt  }
0x40: {  	_ =	shalt  }
0x41: {  	_ =	shalt  }
0x42: {  	_ =	shalt  }
0x43: {  	_ =	shalt  }
0x44: {  	_ =	shalt  }
0x45: {  	_ =	shalt  }
0x46: {  	_ =	shalt  }
0x47: {  	_ =	shalt  }
0x48: {  	_ =	shalt  }
0x49: {  	_ =	shalt  }
0x4a: {  	_ =	shalt  }
0x4b: {  	_ =	shalt  }
0x4c: {  	_ =	shalt  }
0x4d: {  	_ =	shalt  }
0x4e: {  	_ =	shalt  }
0x4f: {  	_ =	shalt  }
0x50: {  	_ =	shalt  }
0x51: {  	_ =	shalt  }
0x52: {  	_ =	shalt  }
0x53: {  	_ =	shalt  }
0x54: {  	_ =	shalt  }
0x55: {  	_ =	shalt  }
0x56: {  	_ =	shalt  }
0x57: {  	_ =	shalt  }
0x58: {  	_ =	shalt  }
0x59: {  	_ =	shalt  }
0x5a: {  	_ =	shalt  }
0x5b: {  	_ =	shalt  }
0x5c: {  	_ =	shalt  }
0x5d: {  	_ =	shalt  }
0x5e: {  	_ =	shalt  }
0x5f: {  	_ =	shalt  }
0x60: {  	_ =	shalt  }
0x61: {  	_ =	shalt  }
0x62: {  	_ =	shalt  }
0x63: {  	_ =	shalt  }
0x64: {  	_ =	shalt  }
0x65: {  	_ =	shalt  }
0x66: {  	_ =	shalt  }
0x67: {  	_ =	shalt  }
0x68: {  	_ =	shalt  }
0x69: {  	_ =	shalt  }
0x6a: {  	_ =	shalt  }
0x6b: {  	_ =	shalt  }
0x6c: {  	_ =	shalt  }
0x6d: {  	_ =	shalt  }
0x6e: {  	_ =	shalt  }
0x6f: {  	_ =	shalt  }
0x70: {  	_ =	shalt  }
0x71: {  	_ =	shalt  }
0x72: {  	_ =	shalt  }
0x73: {  	_ =	shalt  }
0x74: {  	_ =	shalt  }
0x75: {  	_ =	shalt  }
0x76: {  	_ =	shalt  }
0x77: {  	_ =	shalt  }
0x78: {  	_ =	shalt  }
0x79: {  	_ =	shalt  }
0x7a: {  	_ =	shalt  }
0x7b: {  	_ =	shalt  }
0x7c: {  	_ =	shalt  }
0x7d: {  	_ =	shalt  }
0x7e: {  	_ =	shalt  }
0x7f: {  	_ =	shalt  }
0x80: {  	_ =	shalt  }
0x81: {  	_ =	shalt  }
0x82: {  	_ =	shalt  }
0x83: {  	_ =	shalt  }
0x84: {  	_ =	shalt  }
0x85: {  	_ =	shalt  }
0x86: {  	_ =	shalt  }
0x87: {  	_ =	shalt  }
.Lfunc_end0:
.L_simem_size_0:
called_computation_lowered:
.L_overlay_start_0:
0x88: {  	s2 =	sld [smem:$0x3FD9]  }
0x89: {  	s3 =	sld [smem:$0x3FFE];
	_ =	sdelay $0x1  }
0x8a: {  	s1 =	srdreg.scid  }
0x8b: {  	s0 =	sand.u32 $0x1, s1  }
0x8c: {  	s17 =	sshll.u32 s0, $0xA;
	s2 =	sadd.s32 s3, s2  }
0x8d: {  	s2 =	sadd.s32 s2, s17  }
0x8e: {  	[smem:$0x3FC1] =	sst s2  }
0x8f: {  	_ = 	snop  }
0x90: {  	s2 =	sld [smem:$0x3FD0];
	(tm) =	ssettm $0x1  }
0x91: {  	s18 =	sld [smem:$0x3FFB];
	_ =	sdelay $0x3  }
0x92: {  	_ =	strace s18  }
0x93: {  	s3 =	sld [smem:$0x3FFC];
	_ =	sdelay $0x3  }
0x94: {  	_ =	strace s3  }
0x95: {  	s3 =	sld [smem:$0x3FFD];
	_ =	sdelay $0x3  }
0x96: {  	_ =	strace s3  }
0x97: {  	_ =	strace $0x8FFFFFFF  }
0x98: {  	s19 =	sld [smem:$0x3FDB];
	_ =	sdelay $0x1  }
0x99: {  	s4 =	simm.s32 $_scs_section_size  }
0x9a: {  	s5 =	simm.s32 $_size__tile_overlayer_lowered;
	s6 =	simm.s32 $_tile_overlayer_lowered  }
0x9b: {  	s22 =	simm.s32 $0x1BFF;
	s21 =	sshll.u32 s6, $0x1;
	s3 =	sadd.s32 s4, s19  }
0x9c: {  	s7 =	simm.s32 $0x0;
	s20 =	sshll.u32 s5, $0x1;
	s5 =	sadd.s32 s21, s3  }
0x9d: {  	[timem:s7], [sflag:s22] =	dma.local [hbm:s5], s20  }
0x9e: {  	_ =	swait.ge [sflag:s22], s20  }
0x9f: {  	s4 =	ssub.s32 $0x0, s20;
	[sflag:s22] =	ssyncset.done $0x0  }
0xa0: {  	[sflag:s22] =	ssyncadd.s32 s4;
	_ =	sdelay $0x1  }
0xa1: {  	s23 =	simm.s32 $0x1B8B  }
0xa2: {  	_ =	swait.ge [sflag:s23], $0x1  }
0xa3: {  	[sflag:s23] =	ssyncset.done $0x0  }
0xa4: {  	s25 =	simm.s32 $0x1B8E;
	s24 =	sld [smem:$0x3FFE];
	[sflag:s23] =	ssyncadd.s32 $0xFFFFFFFF  }
0xa5: {  	s26 =	simm.s32 $execute0_lowered;
	[smem:$0x3FD2] =	sst s25  }
0xa6: {  	s5 =	sshll.u32 s26, $0x1;
	_ =	strace $0x80000046;
	[dreg:$0x1] =	wrdreg $0xFFFFFFFF  }
0xa7: {  	s28 =	simm.s32 $_size_execute0_lowered;
	s3 =	sadd.s32 s3, s5;
	[dreg:$0x0] =	wrdreg $0x0  }
0xa8: {  	s5 =	sshll.u32 s28, $0x1;
	[dreg:$0x2] =	wrdreg s3  }
0xa9: {  	[dreg:$0x3] =	wrdreg s5  }
0xaa: {  	[dreg:$0x4] =	wrdreg $0xC0  }
0xab: {  	_ =	task [dreg:s7], $0x5FFFF  }
0xac: {  	[dreg:$0x1] =	wrdreg $0xFFFFFFFF  }
0xad: {  	[dreg:$0x0] =	wrdreg $0x60  }
0xae: {  	[dreg:$0x2] =	wrdreg s24  }
0xaf: {  	[dreg:$0x3] =	wrdreg s2  }
0xb0: {  	[dreg:$0x4] =	wrdreg $0xDF200  }
0xb1: {  	[dreg:$0x5] =	wrdreg $0x12F200  }
0xb2: {  	[dreg:$0x6] =	wrdreg $0x9  }
0xb3: {  	_ =	task.clear_ibuf [dreg:s7], $0x7FFFF;
	_ =	strace $0x90000046  }
0xb4: {  	s29 =	simm.s32 $0x9;
	_ =	strace $0x80000051  }
0xb5: {  	_ =	swait.ge [sflag:s29], $0x1  }
0xb6: {  	[sflag:s29] =	ssyncadd.s32 $0xFFFFFFFF  }
0xb7: {  	_ =	strace $0x90000051  }
0xb8: {  	_ =	sfence  }
0xb9: {  	s30 =	sld [smem:$0x0];
	_ =	sdelay $0x2  }
0xba: {  	s31 =	sshll.u32 s1, $0xD;
	s1 =	sshrl.u32 s1, $0x2  }
0xbb: {  	s3 =	sand.u32 $0x4000, s31;
	s1 =	sadd.s32 s1, s30  }
0xbc: {  	s0 =	sor.u32 s3, s0;
	s1 =	sshll.u32 s1, $0x11  }
0xbd: {  	s0 =	sor.u32 s1, s0  }
0xbe: {  	s0 =	sadd.s32 $0x8F2B, s0  }
0xbf: {  	[sflag:s0] =	ssyncadd.remote.s32 $0x1  }
0xc0: {  	_ =	sfence.sel $0xFFFF  }
0xc1: {  	[dreg:$0x0] =	wrdreg $0xFFFFFFFF;
	(pc) =	sbr.abs _section_cstart, $3  }
0xc2: {  	[dreg:$0x1] =	wrdreg $0xFFFFFFFF  }
0xc3: {  	_ =	task.clear_ibuf [dreg:s7], $0x2FFFF;
	_ =	strace $0x9FFFFFFF  }
0xc4: {  	(tm) =	ssettm $0x7FFFFFFF  }
0xc5: {  	_ =	shalt  }
tec
execute0_lowered:
.L_overlay_start_1:
0x0: {  	(tag) =	ssettag $0x1  }
0x1: {  	s0 =	rddreg [dreg:$0x0]  }
0x2: {  	s3 =	rddreg [dreg:$0x1]  }
0x3: {  	s1 =	rddreg [dreg:$0x2];
	s19 =	stileid.u32  }
0x4: {  	s2 =	rddreg [dreg:$0x3];
	s5 =	smul.u32 $0x1E00, s19  }
0x5: {  	s4 =	srdreg.scid;
	s30 =	simm.s32 $0xAF20;
	s6 =	smul.u32 $0x14000, s19  }
0x6: {  	s31 =	simm.s32 $0x4;
	s28 =	simm.s32 $0xAF0B;
	s10 =	smul.u32 $0x2800, s19  }
0x7: {  	s7 =	sand.u32 $0x1, s4;
	s4 =	simm.s32 $0x0;
	s13 =	smul.u32 $0x280, s19  }
0x8: {  	s29 =	simm.s32 $0xAF05;
	s8 =	smul.u32 $0x9C40, s7;
	[smem:$0x7FF] =	sst s4  }
0x9: {  	s9 =	sshll.u32 s7, $0x6;
	s26 =	ssub.s32 $0x2, s7;
	p0 =	sne.s32 s7, $0x0  }
0xa: {  	p1 =	seq.s32 s7, $0x0;
	s7 =	simm.s32 $0xAF0A;
	_ =	strace $0x80000047  }
0xb: {  	s5 =	sshrl.u32 s5, $0x3;
	s24 =	sor.u32 s9, s6;
	s25 =	sshrl.u32 s10, $0x3  }
0xc: {  	s15 =	sshrl.u32 s26, $0x1;
	s6 =	sshrl.u32 s6, $0x2;
	s16 =	sadd.s32 $0x80, s13  }
0xd: {  	s10 =	sadd.s32 s10, s2;
	s22 =	sadd.s32 $0x100, s13;
	s23 =	sadd.s32 $0x180, s13  }
0xe: {  	s13 =	sadd.s32 $0x200, s13;
	s11 =	sadd.s32 s8, s0;
	s12 =	sadd.s32 s5, s0  }
0xf: {  	s5 =	sshrl.u32 s24, $0x4;
	s9 =	sadd.s32 s25, s0;
	s15 =	ssub.s32 s26, s15  }
0x10: {  	s6 =	sadd.s32 s6, s1;
	s17 =	sshll.u32 s16, $0x5;
	[dreg:$0x6] =	wrdreg s10  }
0x11: {  	s20 =	sshll.u32 s16, $0x4;
	s24 =	sshll.u32 s22, $0x5;
	s10 =	sshll.u32 s22, $0x4  }
0x12: {  	s14 =	sadd.s32 s5, s0;
	s18 =	sadd.s32 s17, s1;
	[dreg:$0x5] =	wrdreg s6  }
0x13: {  	s21 =	sadd.s32 s20, s2;
	s25 =	sadd.s32 s24, s1;
	[dreg:$0x7] =	wrdreg s18  }
0x14: {  	s26 =	sadd.s32 s10, s2;
	s17 =	sshll.u32 s23, $0x4;
	[dreg:$0x8] =	wrdreg s21  }
0x15: {  	s20 =	sshll.u32 s13, $0x5;
	s13 =	sshll.u32 s13, $0x4;
	[dreg:$0x9] =	wrdreg s25  }
0x16: {  	vm2 =	vcmask $0xB08;
	vm0 =	vcmask $0x300;
	s16 =	sadd.s32 $0x1800, s11;
	s11 =	sadd.s32 $0x63400, s12;
	[dreg:$0xa] =	wrdreg s26  }
0x17: {  	vm3 =	vcmask $0x1310;
	vm4 =	vcmask $0x2320;
	vm10 =	vcmask $0xF0C;
	s24 =	sadd.s32 $0x15080, s0;
	s21 =	sadd.s32 s20, s1;
	[dreg:$0x10] =	wrdreg s11  }
0x18: {  	vm6 =	vcmask $0x704;
	vm5 =	vcmask $0x2B28;
	vm7 =	vcmask $0x1714;
	s18 =	sshll.u32 s23, $0x5;
	s22 =	sadd.s32 s13, s2;
	[dreg:$0xd] =	wrdreg s21  }
0x19: {  	vm11 =	vcmask $0x3330;
	vm12 =	vcmask $0x2724;
	vm14 =	vcmask $0x33C;
	s25 =	sadd.s32 $0x28900, s0;
	s13 =	sadd.s32 $0x67000, s12;
	[dreg:$0xe] =	wrdreg s22  }
0x1a: {  	v0 =	vimm.f32 $0.0e+00;
	v1 =	vimm.f32 $1.000000000e+00;
	v2 =	vimm.bf16 $0.0e+00;
	s26 =	sadd.s32 $0x3C180, s0;
	s10 =	sadd.s32 s18, s1;
	[dreg:$0x11] =	wrdreg s13  }
0x1b: {  	v3 =	vlaneseq.u32;
	vm0 =	vmor vm0, vm2;
	vm8 =	vmor vm6, vm10;
	s18 =	smul.u32 $0x3200, s19;
	s19 =	sadd.s32 s17, s2;
	[dreg:$0xb] =	wrdreg s10  }
0x1c: {  	vm14 =	vmor vm14, vm10;
	vm10 =	vcmask $0x3734;
	vm2 =	vmor vm2, vm7;
	s0 =	sadd.s32 $0x4FA00, s0;
	s21 =	sadd.s32 $0x6AC00, s14;
	[dreg:$0xc] =	wrdreg s19  }
0x1d: {  	vm1 =	vmor vm0, vm3;
	vm0 =	vcmask $0x1B18;
	vm9 =	vmor vm8, vm7;
	s17 =	sadd.s32 s8, s24;
	s22 =	sadd.s32 $0x7EC00, s14;
	[dreg:$0x12] =	wrdreg s21  }
0x1e: {  	vm8 =	vcmask $0x1F1C;
	vm3 =	vmor vm6, vm3;
	vm2 =	vmor vm2, vm4;
	s20 =	sadd.s32 s8, s0;
	s24 =	sadd.s32 $0x97C00, s9;
	[dreg:$0x13] =	wrdreg s22  }
0x1f: {  	vm1 =	vmor vm1, vm0;
	vm9 =	vmor vm9, vm8;
	vm14 =	vmor vm14, vm0;
	s19 =	sadd.s32 s8, s26;
	[dreg:$0x15] =	wrdreg s24;
	s21 =	simm.s32 $0xAF08  }
0x20: {  	vm0 =	vcmask $0x3F3C;
	vm3 =	vmor vm3, vm8;
	vm1 =	vmor vm1, vm4;
	s22 =	simm.s32 $0x80;
	s24 =	simm.s32 $0x1;
	s23 =	sshrl.u32 s18, $0x3  }
.Ltmp0:
0x21: {  	vm13 =	vmor vm9, vm12;
	vm9 =	vcmask $0x2F2C;
	vm12 =	vmor vm14, vm12;
	s18 =	sadd.s32 s8, s25;
	s25 =	smax.u32 s15, $0x1;
	(pc) =	sbr.rel .LBB2_1-.Ltmp0, $4  }
0x22: {  	vm4 =	vcmask $0x3B38;
	vm1 =	vmor vm1, vm5;
	vm13 =	vmor vm13, vm9;
	s5 =	sadd.s32 s3, s23;
	s23 =	sadd.s32 $0x92C00, s9;
	[dreg:$0x16] =	wrdreg s25  }
0x23: {  	vm6 =	vmor vm2, vm9;
	vm5 =	vmor vm3, vm5;
	vm13 =	vmor vm13, vm10;
	s15 =	simm.s32 $0xAF06;
	s3 =	simm.s32 $0xAF00;
	[dreg:$0x14] =	wrdreg s23  }
0x24: {  	vm3 =	vmor vm6, vm4;
	vm0 =	vmor vm13, vm0;
	vm13 =	vmor vm1, vm11;
	s25 =	simm.s32 $0x2;
	[dreg:$0xf] =	wrdreg s5;
	s26 =	sadd.s32 $0x6400, s5  }
0x25: {  	vm1 =	vmor vm12, vm11;
	vm2 =	vmor vm13, vm4;
	vm4 =	vmor vm5, vm10;
	s23 =	simm.s32 $0xBF20;
	[dreg:$0x17] =	wrdreg s26;
	s26 =	simm.s32 $0x3  }
.LBB2_29:
0x26: {  	s0 =	simm.s32 $0x6D80  }
0x27: {  	[tilespmem:s23], [sflag:$0x2] =	stream.indirect.gather [hbm4b:s18+s22], $0x20, s0, s22, $0x2000b8;
	[tilespmem:$0x15720] =	vst v63  }
0x28: {  	_ =	swait.ge [sflag:s24], $0x1000  }
0x29: {  	[sflag:s24] =	ssyncset.done $0x0  }
0x2a: {  	s11 =	simm.s32 $0x9F00;
	[sflag:s24] =	ssyncadd.s32 $0xFFFFF000  }
0x2b: {  	[spmem:s1] =	stream.indirect.scatter.add.bf16 [tilespmem:s30], [sflag:$0x4], $0x20, s11, s22, $0x2000b8;
	[tilespmem:$0x15720] =	vst v63  }
0x2c: {  	_ =	swait.ge [sflag:s31], $0x1000  }
0x2d: {  	[sflag:s31] =	ssyncset.done $0x0  }
0x2e: {  	[sflag:s31] =	ssyncadd.s32 $0xFFFFF000  }
0x2f: {  	_ =	swait.ge [sflag:s25], $0x1000  }
0x30: {  	[sflag:s25] =	ssyncset.done $0x0  }
0x31: {  	s12 =	simm.s32 $0x9F80;
	[sflag:s25] =	ssyncadd.s32 $0xFFFFF000  }
0x32: {  	[spmem:s1] =	stream.indirect.scatter.add.bf16 [tilespmem:s23], [sflag:$0x4], $0x20, s12, s22, $0x2000b8;
	[tilespmem:$0x15720] =	vst v63  }
0x33: {  	_ =	swait.ge [sflag:s31], $0x1000  }
0x34: {  	[sflag:s31] =	ssyncset.done $0x0  }
0x35: {  	s0 =	simm.s32 @!p1 $0x3;
	[sflag:s31] =	ssyncadd.s32 $0xFFFFF000  }
0x36: {  	_ =	swait.ge @!p1 [sflag:s0], $0x800  }
0x37: {  	[sflag:s0] =	ssyncset.done @!p1 $0x0  }
0x38: {  	[sflag:s0] =	ssyncadd.s32 @!p1 $0xFFFFF800  }
0x39: {  	_ =	swait.ge @!p1 [sflag:s0], $0x800  }
0x3a: {  	[sflag:s0] =	ssyncset.done @!p1 $0x0  }
0x3b: {  	[sflag:s0] =	ssyncadd.s32 @!p1 $0xFFFFF800  }
0x3c: {  	s13 =	simm.s32 $0x6E00;
	_ =	strace $0x9000004E  }
0x3d: {  	[tilespmem:s30], [sflag:$0x1] =	stream.indirect.gather [hbm4b:s19+s22], $0x20, s13, s22, $0xb8;
	[tilespmem:$0x15720] =	vst v63  }
0x3e: {  	s14 =	simm.s32 $0x6E80;
	_ =	strace $0x8000004F  }
0x3f: {  	[tilespmem:s23], [sflag:$0x2] =	stream.indirect.gather [hbm4b:s19+s22], $0x20, s14, s22, $0x2000b8;
	[tilespmem:$0x15720] =	vst v63  }
0x40: {  	_ =	swait.ge [sflag:s24], $0x1000  }
0x41: {  	[sflag:s24] =	ssyncset.done $0x0  }
0x42: {  	s5 =	simm.s32 $0x9600;
	[sflag:s24] =	ssyncadd.s32 $0xFFFFF000  }
0x43: {  	[spmem:s1] =	stream.indirect.scatter.add.bf16 [tilespmem:s30], [sflag:$0x4], $0x20, s5, s22, $0x2000b8;
	[tilespmem:$0x15720] =	vst v63  }
0x44: {  	_ =	swait.ge [sflag:s31], $0x1000  }
0x45: {  	[sflag:s31] =	ssyncset.done $0x0  }
0x46: {  	s10 =	simm.s32 $0x6F00;
	[sflag:s31] =	ssyncadd.s32 $0xFFFFF000  }
0x47: {  	[tilespmem:s30], [sflag:$0x1] =	stream.indirect.gather [hbm4b:s19+s22], $0x20, s10, s22, $0x2000b8;
	[tilespmem:$0x15720] =	vst v63  }
0x48: {  	_ =	swait.ge [sflag:s25], $0x1000  }
0x49: {  	[sflag:s25] =	ssyncset.done $0x0  }
0x4a: {  	s10 =	simm.s32 $0x9680;
	[sflag:s25] =	ssyncadd.s32 $0xFFFFF000  }
0x4b: {  	[spmem:s1] =	stream.indirect.scatter.add.bf16 [tilespmem:s23], [sflag:$0x4], $0x20, s10, s22, $0x2000b8;
	[tilespmem:$0x15720] =	vst v63  }
0x4c: {  	_ =	swait.ge [sflag:s31], $0x1000  }
0x4d: {  	[sflag:s31] =	ssyncset.done $0x0  }
0x4e: {  	s11 =	simm.s32 $0x6F80;
	[sflag:s31] =	ssyncadd.s32 $0xFFFFF000  }
0x4f: {  	[tilespmem:s23], [sflag:$0x2] =	stream.indirect.gather [hbm4b:s19+s22], $0x20, s11, s22, $0x2000b8;
	[tilespmem:$0x15720] =	vst v63  }
0x50: {  	_ =	swait.ge [sflag:s24], $0x1000  }
0x51: {  	[sflag:s24] =	ssyncset.done $0x0  }
0x52: {  	s11 =	simm.s32 $0x9700;
	[sflag:s24] =	ssyncadd.s32 $0xFFFFF000  }
0x53: {  	[spmem:s1] =	stream.indirect.scatter.add.bf16 [tilespmem:s30], [sflag:$0x4], $0x20, s11, s22, $0x2000b8;
	[tilespmem:$0x15720] =	vst v63  }
0x54: {  	_ =	swait.ge [sflag:s31], $0x1000  }
0x55: {  	[sflag:s31] =	ssyncset.done $0x0  }
0x56: {  	s12 =	simm.s32 $0x7000;
	[sflag:s31] =	ssyncadd.s32 $0xFFFFF000  }
0x57: {  	[tilespmem:s30], [sflag:$0x1] =	stream.indirect.gather [hbm4b:s19+s22], $0x20, s12, s22, $0x2000b8;
	[tilespmem:$0x15720] =	vst v63  }
0x58: {  	_ =	swait.ge [sflag:s25], $0x1000  }
0x59: {  	[sflag:s25] =	ssyncset.done $0x0  }
0x5a: {  	s12 =	simm.s32 $0x9780;
	[sflag:s25] =	ssyncadd.s32 $0xFFFFF000  }
0x5b: {  	[spmem:s1] =	stream.indirect.scatter.add.bf16 [tilespmem:s23], [sflag:$0x4], $0x20, s12, s22, $0x2000b8;
	[tilespmem:$0x15720] =	vst v63  }
0x5c: {  	_ =	swait.ge [sflag:s31], $0x1000  }
0x5d: {  	[sflag:s31] =	ssyncset.done $0x0  }
0x5e: {  	s13 =	simm.s32 $0x7080;
	[sflag:s31] =	ssyncadd.s32 $0xFFFFF000  }
0x5f: {  	[tilespmem:s23], [sflag:$0x2] =	stream.indirect.gather [hbm4b:s19+s22], $0x20, s13, s22, $0x2000b8;
	[tilespmem:$0x15720] =	vst v63  }
0x60: {  	_ =	swait.ge [sflag:s24], $0x1000  }
0x61: {  	[sflag:s24] =	ssyncset.done $0x0  }
0x62: {  	s13 =	simm.s32 $0x9800;
	[sflag:s24] =	ssyncadd.s32 $0xFFFFF000  }
0x63: {  	[spmem:s1] =	stream.indirect.scatter.add.bf16 [tilespmem:s30], [sflag:$0x4], $0x20, s13, s22, $0x2000b8;
	[tilespmem:$0x15720] =	vst v63  }
0x64: {  	_ =	swait.ge [sflag:s31], $0x1000  }
0x65: {  	[sflag:s31] =	ssyncset.done $0x0  }
0x66: {  	s14 =	simm.s32 $0x7100;
	[sflag:s31] =	ssyncadd.s32 $0xFFFFF000  }
0x67: {  	[tilespmem:s30], [sflag:$0x1] =	stream.indirect.gather [hbm4b:s19+s22], $0x20, s14, s22, $0x2000b8;
	[tilespmem:$0x15720] =	vst v63  }
0x68: {  	_ =	swait.ge [sflag:s25], $0x1000  }
0x69: {  	[sflag:s25] =	ssyncset.done $0x0  }
0x6a: {  	s14 =	simm.s32 $0x9880;
	[sflag:s25] =	ssyncadd.s32 $0xFFFFF000  }
0x6b: {  	[spmem:s1] =	stream.indirect.scatter.add.bf16 [tilespmem:s23], [sflag:$0x4], $0x20, s14, s22, $0x2000b8;
	[tilespmem:$0x15720] =	vst v63  }
0x6c: {  	_ =	swait.ge [sflag:s31], $0x1000  }
0x6d: {  	[sflag:s31] =	ssyncset.done $0x0  }
0x6e: {  	s9 =	simm.s32 $0x7180;
	[sflag:s31] =	ssyncadd.s32 $0xFFFFF000  }
0x6f: {  	[tilespmem:s23], [sflag:$0x2] =	stream.indirect.gather [hbm4b:s19+s22], $0x20, s9, s22, $0x2000b8;
	[tilespmem:$0x15720] =	vst v63  }
0x70: {  	_ =	swait.ge [sflag:s24], $0x1000  }
0x71: {  	[sflag:s24] =	ssyncset.done $0x0  }
0x72: {  	s9 =	simm.s32 $0x9900;
	[sflag:s24] =	ssyncadd.s32 $0xFFFFF000  }
0x73: {  	[spmem:s1] =	stream.indirect.scatter.add.bf16 [tilespmem:s30], [sflag:$0x4], $0x20, s9, s22, $0x2000b8;
	[tilespmem:$0x15720] =	vst v63  }
0x74: {  	_ =	swait.ge [sflag:s31], $0x1000  }
0x75: {  	[sflag:s31] =	ssyncset.done $0x0  }
0x76: {  	s6 =	simm.s32 $0x7200;
	[sflag:s31] =	ssyncadd.s32 $0xFFFFF000  }
0x77: {  	[tilespmem:s30], [sflag:$0x1] =	stream.indirect.gather [hbm4b:s19+s22], $0x20, s6, s22, $0x2000b8;
	[tilespmem:$0x15720] =	vst v63  }
0x78: {  	_ =	swait.ge [sflag:s25], $0x1000  }
0x79: {  	s8 =	smov.u32 s4;
	[sflag:s25] =	ssyncset.done $0x0  }
0x7a: {  	s4 =	smov.u32 s8;
	s8 =	simm.s32 $0x9980;
	[sflag:s25] =	ssyncadd.s32 $0xFFFFF000  }
0x7b: {  	[spmem:s1] =	stream.indirect.scatter.add.bf16 [tilespmem:s23], [sflag:$0x4], $0x20, s8, s22, $0x2000b8;
	[tilespmem:$0x15720] =	vst v63  }
0x7c: {  	_ =	swait.ge [sflag:s31], $0x1000  }
0x7d: {  	[sflag:s31] =	ssyncset.done $0x0  }
0x7e: {  	s5 =	simm.s32 $0x7280;
	[sflag:s31] =	ssyncadd.s32 $0xFFFFF000  }
0x7f: {  	[tilespmem:s23], [sflag:$0x2] =	stream.indirect.gather [hbm4b:s19+s22], $0x20, s5, s22, $0x2000b8;
	[tilespmem:$0x15720] =	vst v63  }
0x80: {  	_ =	swait.ge [sflag:s24], $0x1000  }
0x81: {  	[sflag:s24] =	ssyncset.done $0x0  }
0x82: {  	s5 =	simm.s32 $0x9A00;
	[sflag:s24] =	ssyncadd.s32 $0xFFFFF000  }
0x83: {  	[spmem:s1] =	stream.indirect.scatter.add.bf16 [tilespmem:s30], [sflag:$0x4], $0x20, s5, s22, $0x2000b8;
	[tilespmem:$0x15720] =	vst v63  }
0x84: {  	_ =	swait.ge [sflag:s31], $0x1000  }
0x85: {  	[sflag:s31] =	ssyncset.done $0x0  }
0x86: {  	s6 =	simm.s32 $0x7300;
	[sflag:s31] =	ssyncadd.s32 $0xFFFFF000  }
0x87: {  	[tilespmem:s30], [sflag:$0x1] =	stream.indirect.gather [hbm4b:s19+s22], $0x20, s6, s22, $0x2000b8;
	[tilespmem:$0x15720] =	vst v63  }
0x88: {  	_ =	swait.ge [sflag:s25], $0x1000  }
0x89: {  	[sflag:s25] =	ssyncset.done $0x0  }
0x8a: {  	s6 =	simm.s32 $0x9A80;
	[sflag:s25] =	ssyncadd.s32 $0xFFFFF000  }
0x8b: {  	[spmem:s1] =	stream.indirect.scatter.add.bf16 [tilespmem:s23], [sflag:$0x4], $0x20, s6, s22, $0x2000b8;
	[tilespmem:$0x15720] =	vst v63  }
0x8c: {  	_ =	swait.ge [sflag:s31], $0x1000  }
0x8d: {  	[sflag:s31] =	ssyncset.done $0x0  }
0x8e: {  	s0 =	simm.s32 $0x7380;
	[sflag:s31] =	ssyncadd.s32 $0xFFFFF000  }
0x8f: {  	[tilespmem:s23], [sflag:$0x2] =	stream.indirect.gather [hbm4b:s19+s22], $0x20, s0, s22, $0x2000b8;
	[tilespmem:$0x15720] =	vst v63  }
0x90: {  	_ =	swait.ge [sflag:s24], $0x1000  }
0x91: {  	[sflag:s24] =	ssyncset.done $0x0  }
0x92: {  	s0 =	simm.s32 $0x9B00;
	[sflag:s24] =	ssyncadd.s32 $0xFFFFF000  }
0x93: {  	[spmem:s1] =	stream.indirect.scatter.add.bf16 [tilespmem:s30], [sflag:$0x4], $0x20, s0, s22, $0x2000b8;
	[tilespmem:$0x15720] =	vst v63  }
0x94: {  	_ =	swait.ge [sflag:s31], $0x1000  }
0x95: {  	[sflag:s31] =	ssyncset.done $0x0  }
0x96: {  	s0 =	simm.s32 $0x7400;
	[sflag:s31] =	ssyncadd.s32 $0xFFFFF000  }
0x97: {  	[tilespmem:s30], [sflag:$0x1] =	stream.indirect.gather [hbm4b:s19+s22], $0x20, s0, s22, $0x2000b8;
	[tilespmem:$0x15720] =	vst v63  }
0x98: {  	_ =	swait.ge [sflag:s25], $0x1000  }
0x99: {  	[sflag:s25] =	ssyncset.done $0x0  }
0x9a: {  	s0 =	simm.s32 $0x9B80;
	[sflag:s25] =	ssyncadd.s32 $0xFFFFF000  }
0x9b: {  	[spmem:s1] =	stream.indirect.scatter.add.bf16 [tilespmem:s23], [sflag:$0x4], $0x20, s0, s22, $0x2000b8;
	[tilespmem:$0x15720] =	vst v63  }
0x9c: {  	_ =	swait.ge [sflag:s31], $0x1000  }
0x9d: {  	[sflag:s31] =	ssyncset.done $0x0  }
0x9e: {  	s0 =	simm.s32 $0x7480;
	[sflag:s31] =	ssyncadd.s32 $0xFFFFF000  }
0x9f: {  	[tilespmem:s23], [sflag:$0x2] =	stream.indirect.gather [hbm4b:s19+s22], $0x20, s0, s22, $0x2000b8;
	[tilespmem:$0x15720] =	vst v63  }
0xa0: {  	_ =	swait.ge [sflag:s24], $0x1000  }
0xa1: {  	[sflag:s24] =	ssyncset.done $0x0  }
0xa2: {  	s0 =	simm.s32 $0x9C00;
	[sflag:s24] =	ssyncadd.s32 $0xFFFFF000  }
0xa3: {  	[spmem:s1] =	stream.indirect.scatter.add.bf16 [tilespmem:s30], [sflag:$0x4], $0x20, s0, s22, $0x2000b8;
	[tilespmem:$0x15720] =	vst v63  }
0xa4: {  	_ =	swait.ge [sflag:s31], $0x1000  }
0xa5: {  	[sflag:s31] =	ssyncset.done $0x0  }
0xa6: {  	s0 =	simm.s32 $0x7500;
	[sflag:s31] =	ssyncadd.s32 $0xFFFFF000  }
0xa7: {  	[tilespmem:s30], [sflag:$0x1] =	stream.indirect.gather [hbm4b:s19+s22], $0x20, s0, s22, $0x2000b8;
	[tilespmem:$0x15720] =	vst v63  }
0xa8: {  	_ =	swait.ge [sflag:s25], $0x1000  }
0xa9: {  	[sflag:s25] =	ssyncset.done $0x0  }
0xaa: {  	s0 =	simm.s32 $0x9C80;
	[sflag:s25] =	ssyncadd.s32 $0xFFFFF000  }
0xab: {  	[spmem:s1] =	stream.indirect.scatter.add.bf16 [tilespmem:s23], [sflag:$0x4], $0x20, s0, s22, $0x2000b8;
	[tilespmem:$0x15720] =	vst v63  }
0xac: {  	_ =	swait.ge [sflag:s31], $0x1000  }
0xad: {  	[sflag:s31] =	ssyncset.done $0x0  }
0xae: {  	s0 =	simm.s32 $0x7580;
	[sflag:s31] =	ssyncadd.s32 $0xFFFFF000  }
0xaf: {  	[tilespmem:s23], [sflag:$0x2] =	stream.indirect.gather [hbm4b:s19+s22], $0x20, s0, s22, $0x2000b8;
	[tilespmem:$0x15720] =	vst v63  }
0xb0: {  	_ =	swait.ge [sflag:s24], $0x1000  }
0xb1: {  	[sflag:s24] =	ssyncset.done $0x0  }
0xb2: {  	s0 =	simm.s32 $0x9D00;
	[sflag:s24] =	ssyncadd.s32 $0xFFFFF000  }
0xb3: {  	[spmem:s1] =	stream.indirect.scatter.add.bf16 [tilespmem:s30], [sflag:$0x4], $0x20, s0, s22, $0x2000b8;
	[tilespmem:$0x15720] =	vst v63  }
0xb4: {  	_ =	swait.ge [sflag:s31], $0x1000  }
0xb5: {  	[sflag:s31] =	ssyncset.done $0x0  }
0xb6: {  	s0 =	simm.s32 $0x7600;
	[sflag:s31] =	ssyncadd.s32 $0xFFFFF000  }
0xb7: {  	[tilespmem:s30], [sflag:$0x1] =	stream.indirect.gather [hbm4b:s19+s22], $0x20, s0, s22, $0x2000b8;
	[tilespmem:$0x15720] =	vst v63  }
0xb8: {  	_ =	swait.ge [sflag:s25], $0x1000  }
0xb9: {  	[sflag:s25] =	ssyncset.done $0x0  }
0xba: {  	s0 =	simm.s32 $0x9D80;
	[sflag:s25] =	ssyncadd.s32 $0xFFFFF000  }
0xbb: {  	[spmem:s1] =	stream.indirect.scatter.add.bf16 [tilespmem:s23], [sflag:$0x4], $0x20, s0, s22, $0x2000b8;
	[tilespmem:$0x15720] =	vst v63  }
0xbc: {  	_ =	swait.ge [sflag:s31], $0x1000  }
0xbd: {  	[sflag:s31] =	ssyncset.done $0x0  }
0xbe: {  	s0 =	simm.s32 $0x7680;
	[sflag:s31] =	ssyncadd.s32 $0xFFFFF000  }
0xbf: {  	[tilespmem:s23], [sflag:$0x2] =	stream.indirect.gather [hbm4b:s19+s22], $0x20, s0, s22, $0x2000b8;
	[tilespmem:$0x15720] =	vst v63  }
0xc0: {  	_ =	swait.ge [sflag:s24], $0x1000  }
0xc1: {  	[sflag:s24] =	ssyncset.done $0x0  }
0xc2: {  	s0 =	simm.s32 $0x9E00;
	[sflag:s24] =	ssyncadd.s32 $0xFFFFF000  }
0xc3: {  	[spmem:s1] =	stream.indirect.scatter.add.bf16 [tilespmem:s30], [sflag:$0x4], $0x20, s0, s22, $0x2000b8;
	[tilespmem:$0x15720] =	vst v63  }
0xc4: {  	_ =	swait.ge [sflag:s31], $0x1000  }
0xc5: {  	[sflag:s31] =	ssyncset.done $0x0  }
0xc6: {  	s0 =	simm.s32 $0x7700;
	[sflag:s31] =	ssyncadd.s32 $0xFFFFF000  }
0xc7: {  	[tilespmem:s30], [sflag:$0x1] =	stream.indirect.gather [hbm4b:s19+s22], $0x20, s0, s22, $0x2000b8;
	[tilespmem:$0x15720] =	vst v63  }
0xc8: {  	_ =	swait.ge [sflag:s25], $0x1000  }
0xc9: {  	[sflag:s25] =	ssyncset.done $0x0  }
0xca: {  	s0 =	simm.s32 $0x9E80;
	[sflag:s25] =	ssyncadd.s32 $0xFFFFF000  }
0xcb: {  	[spmem:s1] =	stream.indirect.scatter.add.bf16 [tilespmem:s23], [sflag:$0x4], $0x20, s0, s22, $0x2000b8;
	[tilespmem:$0x15720] =	vst v63  }
0xcc: {  	_ =	swait.ge [sflag:s31], $0x1000  }
0xcd: {  	[sflag:s31] =	ssyncset.done $0x0  }
0xce: {  	s0 =	simm.s32 $0x7780;
	[sflag:s31] =	ssyncadd.s32 $0xFFFFF000  }
0xcf: {  	[tilespmem:s23], [sflag:$0x2] =	stream.indirect.gather [hbm4b:s19+s22], $0x20, s0, s22, $0x2000b8;
	[tilespmem:$0x15720] =	vst v63  }
0xd0: {  	_ =	swait.ge [sflag:s24], $0x1000  }
0xd1: {  	[sflag:s24] =	ssyncset.done $0x0  }
0xd2: {  	s0 =	simm.s32 $0x9F00;
	[sflag:s24] =	ssyncadd.s32 $0xFFFFF000  }
0xd3: {  	[spmem:s1] =	stream.indirect.scatter.add.bf16 [tilespmem:s30], [sflag:$0x4], $0x20, s0, s22, $0x2000b8;
	[tilespmem:$0x15720] =	vst v63  }
0xd4: {  	_ =	swait.ge [sflag:s31], $0x1000  }
0xd5: {  	[sflag:s31] =	ssyncset.done $0x0  }
0xd6: {  	[sflag:s31] =	ssyncadd.s32 $0xFFFFF000  }
0xd7: {  	_ =	swait.ge [sflag:s25], $0x1000  }
0xd8: {  	[sflag:s25] =	ssyncset.done $0x0  }
0xd9: {  	s0 =	simm.s32 $0x9F80;
	[sflag:s25] =	ssyncadd.s32 $0xFFFFF000  }
0xda: {  	[spmem:s1] =	stream.indirect.scatter.add.bf16 [tilespmem:s23], [sflag:$0x4], $0x20, s0, s22, $0x2000b8;
	[tilespmem:$0x15720] =	vst v63  }
0xdb: {  	_ =	swait.ge [sflag:s31], $0x1000  }
0xdc: {  	[sflag:s31] =	ssyncset.done $0x0  }
0xdd: {  	[sflag:s31] =	ssyncadd.s32 $0xFFFFF000  }
0xde: {  	s0 =	simm.s32 $0x7800;
	_ =	strace $0x9000004F  }
0xdf: {  	[tilespmem:s30], [sflag:$0x1] =	stream.indirect.gather [hbm4b:s20+s22], $0x20, s0, s22, $0xb8;
	[tilespmem:$0x15720] =	vst v63  }
0xe0: {  	s0 =	simm.s32 $0x7880;
	_ =	strace $0x80000050  }
0xe1: {  	[tilespmem:s23], [sflag:$0x2] =	stream.indirect.gather [hbm4b:s20+s22], $0x20, s0, s22, $0x2000b8;
	[tilespmem:$0x15720] =	vst v63  }
0xe2: {  	_ =	swait.ge [sflag:s24], $0x1000  }
0xe3: {  	[sflag:s24] =	ssyncset.done $0x0  }
0xe4: {  	s0 =	simm.s32 $0x9600;
	[sflag:s24] =	ssyncadd.s32 $0xFFFFF000  }
0xe5: {  	[spmem:s1] =	stream.indirect.scatter.add.bf16 [tilespmem:s30], [sflag:$0x4], $0x20, s0, s22, $0x2000b8;
	[tilespmem:$0x15720] =	vst v63  }
0xe6: {  	_ =	swait.ge [sflag:s31], $0x1000  }
0xe7: {  	[sflag:s31] =	ssyncset.done $0x0  }
0xe8: {  	s0 =	simm.s32 $0x7900;
	[sflag:s31] =	ssyncadd.s32 $0xFFFFF000  }
0xe9: {  	[tilespmem:s30], [sflag:$0x1] =	stream.indirect.gather [hbm4b:s20+s22], $0x20, s0, s22, $0x2000b8;
	[tilespmem:$0x15720] =	vst v63  }
0xea: {  	_ =	swait.ge [sflag:s25], $0x1000  }
0xeb: {  	[sflag:s25] =	ssyncset.done $0x0  }
0xec: {  	[sflag:s25] =	ssyncadd.s32 $0xFFFFF000  }
0xed: {  	[spmem:s1] =	stream.indirect.scatter.add.bf16 [tilespmem:s23], [sflag:$0x4], $0x20, s10, s22, $0x2000b8;
	[tilespmem:$0x15720] =	vst v63  }
0xee: {  	_ =	swait.ge [sflag:s31], $0x1000  }
0xef: {  	[sflag:s31] =	ssyncset.done $0x0  }
0xf0: {  	s10 =	simm.s32 $0x7980;
	[sflag:s31] =	ssyncadd.s32 $0xFFFFF000  }
0xf1: {  	[tilespmem:s23], [sflag:$0x2] =	stream.indirect.gather [hbm4b:s20+s22], $0x20, s10, s22, $0x2000b8;
	[tilespmem:$0x15720] =	vst v63  }
0xf2: {  	_ =	swait.ge [sflag:s24], $0x1000  }
0xf3: {  	[sflag:s24] =	ssyncset.done $0x0  }
0xf4: {  	[sflag:s24] =	ssyncadd.s32 $0xFFFFF000  }
0xf5: {  	[spmem:s1] =	stream.indirect.scatter.add.bf16 [tilespmem:s30], [sflag:$0x4], $0x20, s11, s22, $0x2000b8;
	[tilespmem:$0x15720] =	vst v63  }
0xf6: {  	_ =	swait.ge [sflag:s31], $0x1000  }
0xf7: {  	[sflag:s31] =	ssyncset.done $0x0  }
0xf8: {  	s10 =	simm.s32 $0x7A00;
	[sflag:s31] =	ssyncadd.s32 $0xFFFFF000  }
0xf9: {  	[tilespmem:s30], [sflag:$0x1] =	stream.indirect.gather [hbm4b:s20+s22], $0x20, s10, s22, $0x2000b8;
	[tilespmem:$0x15720] =	vst v63  }
0xfa: {  	_ =	swait.ge [sflag:s25], $0x1000  }
0xfb: {  	[sflag:s25] =	ssyncset.done $0x0  }
0xfc: {  	[sflag:s25] =	ssyncadd.s32 $0xFFFFF000  }
0xfd: {  	[spmem:s1] =	stream.indirect.scatter.add.bf16 [tilespmem:s23], [sflag:$0x4], $0x20, s12, s22, $0x2000b8;
	[tilespmem:$0x15720] =	vst v63  }
0xfe: {  	_ =	swait.ge [sflag:s31], $0x1000  }
0xff: {  	[sflag:s31] =	ssyncset.done $0x0  }
0x100: {  	s11 =	simm.s32 $0x7A80;
	[sflag:s31] =	ssyncadd.s32 $0xFFFFF000  }
0x101: {  	[tilespmem:s23], [sflag:$0x2] =	stream.indirect.gather [hbm4b:s20+s22], $0x20, s11, s22, $0x2000b8;
	[tilespmem:$0x15720] =	vst v63  }
0x102: {  	_ =	swait.ge [sflag:s24], $0x1000  }
0x103: {  	[sflag:s24] =	ssyncset.done $0x0  }
0x104: {  	[sflag:s24] =	ssyncadd.s32 $0xFFFFF000  }
0x105: {  	[spmem:s1] =	stream.indirect.scatter.add.bf16 [tilespmem:s30], [sflag:$0x4], $0x20, s13, s22, $0x2000b8;
	[tilespmem:$0x15720] =	vst v63  }
0x106: {  	_ =	swait.ge [sflag:s31], $0x1000  }
0x107: {  	[sflag:s31] =	ssyncset.done $0x0  }
0x108: {  	s12 =	simm.s32 $0x7B00;
	[sflag:s31] =	ssyncadd.s32 $0xFFFFF000  }
0x109: {  	[tilespmem:s30], [sflag:$0x1] =	stream.indirect.gather [hbm4b:s20+s22], $0x20, s12, s22, $0x2000b8;
	[tilespmem:$0x15720] =	vst v63  }
0x10a: {  	_ =	swait.ge [sflag:s25], $0x1000  }
0x10b: {  	[sflag:s25] =	ssyncset.done $0x0  }
0x10c: {  	[sflag:s25] =	ssyncadd.s32 $0xFFFFF000  }
0x10d: {  	[spmem:s1] =	stream.indirect.scatter.add.bf16 [tilespmem:s23], [sflag:$0x4], $0x20, s14, s22, $0x2000b8;
	[tilespmem:$0x15720] =	vst v63  }
0x10e: {  	_ =	swait.ge [sflag:s31], $0x1000  }
0x10f: {  	[sflag:s31] =	ssyncset.done $0x0  }
0x110: {  	s13 =	simm.s32 $0x7B80;
	[sflag:s31] =	ssyncadd.s32 $0xFFFFF000  }
0x111: {  	[tilespmem:s23], [sflag:$0x2] =	stream.indirect.gather [hbm4b:s20+s22], $0x20, s13, s22, $0x2000b8;
	[tilespmem:$0x15720] =	vst v63  }
0x112: {  	_ =	swait.ge [sflag:s24], $0x1000  }
0x113: {  	[sflag:s24] =	ssyncset.done $0x0  }
0x114: {  	[sflag:s24] =	ssyncadd.s32 $0xFFFFF000  }
0x115: {  	[spmem:s1] =	stream.indirect.scatter.add.bf16 [tilespmem:s30], [sflag:$0x4], $0x20, s9, s22, $0x2000b8;
	[tilespmem:$0x15720] =	vst v63  }
0x116: {  	_ =	swait.ge [sflag:s31], $0x1000  }
0x117: {  	[sflag:s31] =	ssyncset.done $0x0  }
0x118: {  	s14 =	simm.s32 $0x7C00;
	[sflag:s31] =	ssyncadd.s32 $0xFFFFF000  }
0x119: {  	[tilespmem:s30], [sflag:$0x1] =	stream.indirect.gather [hbm4b:s20+s22], $0x20, s14, s22, $0x2000b8;
	[tilespmem:$0x15720] =	vst v63  }
0x11a: {  	_ =	swait.ge [sflag:s25], $0x1000  }
0x11b: {  	[sflag:s25] =	ssyncset.done $0x0  }
0x11c: {  	[sflag:s25] =	ssyncadd.s32 $0xFFFFF000  }
0x11d: {  	[spmem:s1] =	stream.indirect.scatter.add.bf16 [tilespmem:s23], [sflag:$0x4], $0x20, s8, s22, $0x2000b8;
	[tilespmem:$0x15720] =	vst v63  }
0x11e: {  	_ =	swait.ge [sflag:s31], $0x1000  }
0x11f: {  	[sflag:s31] =	ssyncset.done $0x0  }
0x120: {  	s8 =	simm.s32 $0x7C80;
	[sflag:s31] =	ssyncadd.s32 $0xFFFFF000  }
0x121: {  	[tilespmem:s23], [sflag:$0x2] =	stream.indirect.gather [hbm4b:s20+s22], $0x20, s8, s22, $0x2000b8;
	[tilespmem:$0x15720] =	vst v63  }
0x122: {  	_ =	swait.ge [sflag:s24], $0x1000  }
0x123: {  	[sflag:s24] =	ssyncset.done $0x0  }
0x124: {  	[sflag:s24] =	ssyncadd.s32 $0xFFFFF000  }
0x125: {  	[spmem:s1] =	stream.indirect.scatter.add.bf16 [tilespmem:s30], [sflag:$0x4], $0x20, s5, s22, $0x2000b8;
	[tilespmem:$0x15720] =	vst v63  }
0x126: {  	_ =	swait.ge [sflag:s31], $0x1000  }
0x127: {  	[sflag:s31] =	ssyncset.done $0x0  }
0x128: {  	s9 =	simm.s32 $0x7D00;
	[sflag:s31] =	ssyncadd.s32 $0xFFFFF000  }
0x129: {  	[tilespmem:s30], [sflag:$0x1] =	stream.indirect.gather [hbm4b:s20+s22], $0x20, s9, s22, $0x2000b8;
	[tilespmem:$0x15720] =	vst v63  }
0x12a: {  	_ =	swait.ge [sflag:s25], $0x1000  }
0x12b: {  	[sflag:s25] =	ssyncset.done $0x0  }
0x12c: {  	[sflag:s25] =	ssyncadd.s32 $0xFFFFF000  }
0x12d: {  	[spmem:s1] =	stream.indirect.scatter.add.bf16 [tilespmem:s23], [sflag:$0x4], $0x20, s6, s22, $0x2000b8;
	[tilespmem:$0x15720] =	vst v63  }
0x12e: {  	_ =	swait.ge [sflag:s31], $0x1000  }
0x12f: {  	[sflag:s31] =	ssyncset.done $0x0  }
0x130: {  	s10 =	simm.s32 $0x7D80;
	[sflag:s31] =	ssyncadd.s32 $0xFFFFF000  }
0x131: {  	[tilespmem:s23], [sflag:$0x2] =	stream.indirect.gather [hbm4b:s20+s22], $0x20, s10, s22, $0x2000b8;
	[tilespmem:$0x15720] =	vst v63  }
0x132: {  	_ =	swait.ge [sflag:s24], $0x1000  }
0x133: {  	[sflag:s24] =	ssyncset.done $0x0  }
0x134: {  	s11 =	simm.s32 $0x9B00;
	[sflag:s24] =	ssyncadd.s32 $0xFFFFF000  }
0x135: {  	[spmem:s1] =	stream.indirect.scatter.add.bf16 [tilespmem:s30], [sflag:$0x4], $0x20, s11, s22, $0x2000b8;
	[tilespmem:$0x15720] =	vst v63  }
0x136: {  	_ =	swait.ge [sflag:s31], $0x1000  }
0x137: {  	[sflag:s31] =	ssyncset.done $0x0  }
0x138: {  	s12 =	simm.s32 $0x7E00;
	[sflag:s31] =	ssyncadd.s32 $0xFFFFF000  }
0x139: {  	[tilespmem:s30], [sflag:$0x1] =	stream.indirect.gather [hbm4b:s20+s22], $0x20, s12, s22, $0x2000b8;
	[tilespmem:$0x15720] =	vst v63  }
0x13a: {  	_ =	swait.ge [sflag:s25], $0x1000  }
0x13b: {  	[sflag:s25] =	ssyncset.done $0x0  }
0x13c: {  	s13 =	simm.s32 $0x9B80;
	[sflag:s25] =	ssyncadd.s32 $0xFFFFF000  }
0x13d: {  	[spmem:s1] =	stream.indirect.scatter.add.bf16 [tilespmem:s23], [sflag:$0x4], $0x20, s13, s22, $0x2000b8;
	[tilespmem:$0x15720] =	vst v63  }
0x13e: {  	_ =	swait.ge [sflag:s31], $0x1000  }
0x13f: {  	[sflag:s31] =	ssyncset.done $0x0  }
0x140: {  	s14 =	simm.s32 $0x7E80;
	[sflag:s31] =	ssyncadd.s32 $0xFFFFF000  }
0x141: {  	[tilespmem:s23], [sflag:$0x2] =	stream.indirect.gather [hbm4b:s20+s22], $0x20, s14, s22, $0x2000b8;
	[tilespmem:$0x15720] =	vst v63  }
0x142: {  	_ =	swait.ge [sflag:s24], $0x1000  }
0x143: {  	[sflag:s24] =	ssyncset.done $0x0  }
0x144: {  	s5 =	simm.s32 $0x9C00;
	[sflag:s24] =	ssyncadd.s32 $0xFFFFF000  }
0x145: {  	[spmem:s1] =	stream.indirect.scatter.add.bf16 [tilespmem:s30], [sflag:$0x4], $0x20, s5, s22, $0x2000b8;
	[tilespmem:$0x15720] =	vst v63  }
0x146: {  	_ =	swait.ge [sflag:s31], $0x1000  }
0x147: {  	[sflag:s31] =	ssyncset.done $0x0  }
0x148: {  	s6 =	simm.s32 $0x7F00;
	[sflag:s31] =	ssyncadd.s32 $0xFFFFF000  }
0x149: {  	[tilespmem:s30], [sflag:$0x1] =	stream.indirect.gather [hbm4b:s20+s22], $0x20, s6, s22, $0x2000b8;
	[tilespmem:$0x15720] =	vst v63  }
0x14a: {  	_ =	swait.ge [sflag:s25], $0x1000  }
0x14b: {  	[sflag:s25] =	ssyncset.done $0x0  }
0x14c: {  	s8 =	simm.s32 $0x9C80;
	[sflag:s25] =	ssyncadd.s32 $0xFFFFF000  }
0x14d: {  	[spmem:s1] =	stream.indirect.scatter.add.bf16 [tilespmem:s23], [sflag:$0x4], $0x20, s8, s22, $0x2000b8;
	[tilespmem:$0x15720] =	vst v63  }
0x14e: {  	_ =	swait.ge [sflag:s31], $0x1000  }
0x14f: {  	[sflag:s31] =	ssyncset.done $0x0  }
0x150: {  	s9 =	simm.s32 $0x7F80;
	[sflag:s31] =	ssyncadd.s32 $0xFFFFF000  }
0x151: {  	[tilespmem:s23], [sflag:$0x2] =	stream.indirect.gather [hbm4b:s20+s22], $0x20, s9, s22, $0x2000b8;
	[tilespmem:$0x15720] =	vst v63  }
0x152: {  	_ =	swait.ge [sflag:s24], $0x1000  }
0x153: {  	[sflag:s24] =	ssyncset.done $0x0  }
0x154: {  	s10 =	simm.s32 $0x9D00;
	[sflag:s24] =	ssyncadd.s32 $0xFFFFF000  }
0x155: {  	[spmem:s1] =	stream.indirect.scatter.add.bf16 [tilespmem:s30], [sflag:$0x4], $0x20, s10, s22, $0x2000b8;
	[tilespmem:$0x15720] =	vst v63  }
0x156: {  	_ =	swait.ge [sflag:s31], $0x1000  }
0x157: {  	[sflag:s31] =	ssyncset.done $0x0  }
0x158: {  	s11 =	simm.s32 $0x8000;
	[sflag:s31] =	ssyncadd.s32 $0xFFFFF000  }
0x159: {  	[tilespmem:s30], [sflag:$0x1] =	stream.indirect.gather [hbm4b:s20+s22], $0x20, s11, s22, $0x2000b8;
	[tilespmem:$0x15720] =	vst v63  }
0x15a: {  	_ =	swait.ge [sflag:s25], $0x1000  }
0x15b: {  	[sflag:s25] =	ssyncset.done $0x0  }
0x15c: {  	s12 =	simm.s32 $0x9D80;
	[sflag:s25] =	ssyncadd.s32 $0xFFFFF000  }
0x15d: {  	[spmem:s1] =	stream.indirect.scatter.add.bf16 [tilespmem:s23], [sflag:$0x4], $0x20, s12, s22, $0x2000b8;
	[tilespmem:$0x15720] =	vst v63  }
0x15e: {  	_ =	swait.ge [sflag:s31], $0x1000  }
0x15f: {  	[sflag:s31] =	ssyncset.done $0x0  }
0x160: {  	s13 =	simm.s32 $0x8080;
	[sflag:s31] =	ssyncadd.s32 $0xFFFFF000  }
0x161: {  	[tilespmem:s23], [sflag:$0x2] =	stream.indirect.gather [hbm4b:s20+s22], $0x20, s13, s22, $0x2000b8;
	[tilespmem:$0x15720] =	vst v63  }
0x162: {  	_ =	swait.ge [sflag:s24], $0x1000  }
0x163: {  	[sflag:s24] =	ssyncset.done $0x0  }
0x164: {  	s14 =	simm.s32 $0x9E00;
	[sflag:s24] =	ssyncadd.s32 $0xFFFFF000  }
0x165: {  	[spmem:s1] =	stream.indirect.scatter.add.bf16 [tilespmem:s30], [sflag:$0x4], $0x20, s14, s22, $0x2000b8;
	[tilespmem:$0x15720] =	vst v63  }
0x166: {  	_ =	swait.ge [sflag:s31], $0x1000  }
0x167: {  	[sflag:s31] =	ssyncset.done $0x0  }
0x168: {  	s5 =	simm.s32 $0x8100;
	[sflag:s31] =	ssyncadd.s32 $0xFFFFF000  }
0x169: {  	[tilespmem:s30], [sflag:$0x1] =	stream.indirect.gather [hbm4b:s20+s22], $0x20, s5, s22, $0x2000b8;
	[tilespmem:$0x15720] =	vst v63  }
0x16a: {  	_ =	swait.ge [sflag:s25], $0x1000  }
0x16b: {  	[sflag:s25] =	ssyncset.done $0x0  }
0x16c: {  	s6 =	simm.s32 $0x9E80;
	[sflag:s25] =	ssyncadd.s32 $0xFFFFF000  }
0x16d: {  	[spmem:s1] =	stream.indirect.scatter.add.bf16 [tilespmem:s23], [sflag:$0x4], $0x20, s6, s22, $0x2000b8;
	[tilespmem:$0x15720] =	vst v63  }
0x16e: {  	_ =	swait.ge [sflag:s31], $0x1000  }
0x16f: {  	[sflag:s31] =	ssyncset.done $0x0  }
0x170: {  	s8 =	simm.s32 $0x8180;
	[sflag:s31] =	ssyncadd.s32 $0xFFFFF000  }
0x171: {  	[tilespmem:s23], [sflag:$0x2] =	stream.indirect.gather [hbm4b:s20+s22], $0x20, s8, s22, $0x2000b8;
	[tilespmem:$0x15720] =	vst v63  }
0x172: {  	_ =	swait.ge [sflag:s24], $0x1000  }
0x173: {  	[sflag:s24] =	ssyncset.done $0x0  }
0x174: {  	s9 =	simm.s32 $0x9F00;
	[sflag:s24] =	ssyncadd.s32 $0xFFFFF000  }
0x175: {  	[spmem:s1] =	stream.indirect.scatter.add.bf16 [tilespmem:s30], [sflag:$0x4], $0x20, s9, s22, $0x2000b8;
	[tilespmem:$0x15720] =	vst v63  }
0x176: {  	_ =	swait.ge [sflag:s31], $0x1000  }
0x177: {  	[sflag:s31] =	ssyncset.done $0x0  }
0x178: {  	[sflag:s31] =	ssyncadd.s32 $0xFFFFF000  }
0x179: {  	_ =	swait.ge [sflag:s25], $0x1000  }
0x17a: {  	[sflag:s25] =	ssyncset.done $0x0  }
0x17b: {  	s10 =	simm.s32 $0x9F80;
	[sflag:s25] =	ssyncadd.s32 $0xFFFFF000  }
0x17c: {  	[spmem:s1] =	stream.indirect.scatter.add.bf16 [tilespmem:s23], [sflag:$0x4], $0x20, s10, s22, $0x2000b8;
	[tilespmem:$0x15720] =	vst v63  }
0x17d: {  	_ =	swait.ge [sflag:s31], $0x1000  }
0x17e: {  	[sflag:s31] =	ssyncset.done $0x0  }
0x17f: {  	[sflag:s31] =	ssyncadd.s32 $0xFFFFF000  }
0x180: {  	_ =	strace $0x90000050  }
0x181: {  	[bflag:$0x0] =	sbarrier.arrive $0xFFFF  }
0x182: {  	s11 =	rddreg [dreg:$0x13]  }
0x183: {  	s6 =	rddreg [dreg:$0x18]  }
0x184: {  	s12 =	simm.s32 $0x8;
	s13 =	rddreg [dreg:$0x19]  }
0x185: {  	[hbm:s11@s12], [sflag:s6] =	dma.strided [spmem:s13@s31], $0xA00, s24, $0x4   }
0x186: {  	_ =	swait.ge [sflag:s31], $0xA00  }
0x187: {  	[sflag:s31] =	ssyncset.done $0x0;
	s0 =	rddreg [dreg:$0x6]  }
0x188: {  	s5 =	rddreg [dreg:$0x15];
	[sflag:s31] =	ssyncadd.s32 $0xFFFFF600;
	s0 =	sshrl.u32 @!p1 s0, $0x3  }
0x189: {  	[hbm:s5], [sflag:s6] =	dma.local @!p1 [spmem:s0], $0x500  }
0x18a: {  	s0 =	simm.s32 @!p1 $0x4  }
0x18b: {  	_ =	swait.ge @!p1 [sflag:s0], $0x500  }
0x18c: {  	s4 =	sadd.s32 $0x1, s4;
	s14 =	rddreg [dreg:$0x16]  }
0x18d: {  	p2 =	sne.s32 s4, s14  }
.Ltmp1:
0x18e: {  	_ = 	snop;
	(pc) =	sbr.rel @!p2 .LBB2_30-.Ltmp1, $3  }
0x18f: {  	_ =	sdelay $0x1  }
0x190: {  	[sflag:s0] =	ssyncset.done @!p1 $0x0  }
0x191: {  	s6 =	rddreg [dreg:$0x5];
	[sflag:s0] =	ssyncadd.s32 @!p1 $0xFFFFFB00  }
.LBB2_1:
0x192: {  	s8 =	simm.s32 $0x40;
	s9 =	simm.s32 $0x0  }
.LBB2_2:
0x193: {  	p2 =	sne.s32 s8, $0x1FC0;
	[tilespmem:s9+$0xCF20] =	vst v0;
	s9 =	smov.u32 s8;
	s8 =	sadd.s32 $0x40, s8  }
.Ltmp2:
0x194: {  	(pc) =	sbr.rel @p2 .LBB2_2-.Ltmp2, $2  }
0x195: {  	_ =	sdelay $0x2  }
0x196: {  	s9 =	sshra.s32 s9, $0x2  }
0x197: {  	[tilespmem:s9+$0xCF20] =	vst v0;
	s8 =	simm.s32 $0x40;
	s9 =	simm.s32 $0x0  }
.LBB2_4:
0x198: {  	p2 =	sne.s32 s8, $0x1FC0;
	[tilespmem:s9+$0xD720] =	vst v1;
	s9 =	smov.u32 s8;
	s8 =	sadd.s32 $0x40, s8  }
.Ltmp3:
0x199: {  	(pc) =	sbr.rel @p2 .LBB2_4-.Ltmp3, $2  }
0x19a: {  	_ =	sdelay $0x2  }
0x19b: {  	s9 =	sshra.s32 s9, $0x2  }
0x19c: {  	[tilespmem:s9+$0xD720] =	vst v1;
	s8 =	simm.s32 $0x80;
	s9 =	simm.s32 $0x0  }
.LBB2_6:
0x19d: {  	p2 =	sne.s32 s8, $0x3F80;
	[tilespmem:s9+$0xAF20] =	vst v2;
	s10 =	smov.u32 s8;
	s8 =	sadd.s32 $0x80, s8  }
.Ltmp4:
0x19e: {  	[tilespmem:s9+$0xAF30] =	vst v2;
	(pc) =	sbr.rel @p2 .LBB2_6-.Ltmp4, $2  }
0x19f: {  	_ =	sdelay $0x2  }
0x1a0: {  	s9 =	sshra.s32 s10, $0x2  }
0x1a1: {  	[tilespmem:s9+$0xAF20] =	vst v2  }
0x1a2: {  	[tilespmem:s9+$0xAF30] =	vst v2  }
0x1a3: {  	[spmem:s6] =	stream.linear.scatter [tilespmem:s30], [sflag:$0x4], $0x1000, $0x38;
	[tilespmem:$0x15720] =	vst v63  }
0x1a4: {  	_ =	swait.ge [sflag:s31], $0x1000  }
0x1a5: {  	[sflag:s31] =	ssyncset.done $0x0  }
0x1a6: {  	s5 =	simm.s32 $0xCF20;
	s0 =	rddreg [dreg:$0x6];
	[sflag:s31] =	ssyncadd.s32 $0xFFFFF000  }
0x1a7: {  	[spmem:s0] =	stream.linear.scatter [tilespmem:s5], [sflag:$0x4], $0x800, $0x38;
	[tilespmem:$0x15720] =	vst v63  }
0x1a8: {  	_ =	swait.ge [sflag:s31], $0x800  }
0x1a9: {  	[sflag:s31] =	ssyncset.done $0x0  }
0x1aa: {  	s10 =	rddreg [dreg:$0x7];
	[sflag:s31] =	ssyncadd.s32 $0xFFFFF800  }
0x1ab: {  	[spmem:s10] =	stream.linear.scatter [tilespmem:s30], [sflag:$0x4], $0x1000, $0x38;
	[tilespmem:$0x15720] =	vst v63  }
0x1ac: {  	_ =	swait.ge [sflag:s31], $0x1000  }
0x1ad: {  	[sflag:s31] =	ssyncset.done $0x0  }
0x1ae: {  	s11 =	rddreg [dreg:$0x8];
	[sflag:s31] =	ssyncadd.s32 $0xFFFFF000  }
0x1af: {  	[spmem:s11] =	stream.linear.scatter [tilespmem:s5], [sflag:$0x4], $0x800, $0x38;
	[tilespmem:$0x15720] =	vst v63  }
0x1b0: {  	_ =	swait.ge [sflag:s31], $0x800  }
0x1b1: {  	[sflag:s31] =	ssyncset.done $0x0  }
0x1b2: {  	s12 =	rddreg [dreg:$0x9];
	[sflag:s31] =	ssyncadd.s32 $0xFFFFF800  }
0x1b3: {  	[spmem:s12] =	stream.linear.scatter [tilespmem:s30], [sflag:$0x4], $0x1000, $0x38;
	[tilespmem:$0x15720] =	vst v63  }
0x1b4: {  	_ =	swait.ge [sflag:s31], $0x1000  }
0x1b5: {  	[sflag:s31] =	ssyncset.done $0x0  }
0x1b6: {  	s13 =	rddreg [dreg:$0xa];
	[sflag:s31] =	ssyncadd.s32 $0xFFFFF000  }
0x1b7: {  	[spmem:s13] =	stream.linear.scatter [tilespmem:s5], [sflag:$0x4], $0x800, $0x38;
	[tilespmem:$0x15720] =	vst v63  }
0x1b8: {  	_ =	swait.ge [sflag:s31], $0x800  }
0x1b9: {  	[sflag:s31] =	ssyncset.done $0x0  }
0x1ba: {  	s14 =	rddreg [dreg:$0xb];
	[sflag:s31] =	ssyncadd.s32 $0xFFFFF800  }
0x1bb: {  	[spmem:s14] =	stream.linear.scatter [tilespmem:s30], [sflag:$0x4], $0x1000, $0x38;
	[tilespmem:$0x15720] =	vst v63  }
0x1bc: {  	_ =	swait.ge [sflag:s31], $0x1000  }
0x1bd: {  	[sflag:s31] =	ssyncset.done $0x0  }
0x1be: {  	s8 =	rddreg [dreg:$0xc];
	[sflag:s31] =	ssyncadd.s32 $0xFFFFF000  }
0x1bf: {  	[spmem:s8] =	stream.linear.scatter [tilespmem:s5], [sflag:$0x4], $0x800, $0x38;
	[tilespmem:$0x15720] =	vst v63  }
0x1c0: {  	_ =	swait.ge [sflag:s31], $0x800  }
0x1c1: {  	[sflag:s31] =	ssyncset.done $0x0  }
0x1c2: {  	s9 =	rddreg [dreg:$0xd];
	[sflag:s31] =	ssyncadd.s32 $0xFFFFF800  }
0x1c3: {  	[spmem:s9] =	stream.linear.scatter [tilespmem:s30], [sflag:$0x4], $0x1000, $0x38;
	[tilespmem:$0x15720] =	vst v63  }
0x1c4: {  	_ =	swait.ge [sflag:s31], $0x1000  }
0x1c5: {  	[sflag:s31] =	ssyncset.done $0x0  }
0x1c6: {  	s10 =	rddreg [dreg:$0xe];
	[sflag:s31] =	ssyncadd.s32 $0xFFFFF000  }
0x1c7: {  	[spmem:s10] =	stream.linear.scatter [tilespmem:s5], [sflag:$0x4], $0x800, $0x38;
	[tilespmem:$0x15720] =	vst v63  }
0x1c8: {  	_ =	swait.ge [sflag:s31], $0x800  }
0x1c9: {  	[sflag:s31] =	ssyncset.done $0x0  }
0x1ca: {  	[sflag:s31] =	ssyncadd.s32 $0xFFFFF800  }
0x1cb: {  	[bflag:$0x0] =	sbarrier.arrive $0xFFFF  }
0x1cc: {  	_ =	strace $0x80000048  }
0x1cd: {  	s8 =	simm.s32 $0x0;
	s11 =	rddreg [dreg:$0xf]  }
0x1ce: {  	[tilespmem:s8], [sflag:$0x4] =	stream.linear.gather [hbm4b:s11+s8], $0x3200, $0x200038;
	[tilespmem:$0x15720] =	vst v63  }
0x1cf: {  	_ =	swait.ge [sflag:s31], $0x3200  }
0x1d0: {  	[sflag:s31] =	ssyncset.done $0x0  }
0x1d1: {  	s13 =	simm.s32 $0x3200;
	s12 =	rddreg [dreg:$0x17];
	[sflag:s31] =	ssyncadd.s32 $0xFFFFCE00  }
0x1d2: {  	[tilespmem:s13], [sflag:$0x4] =	stream.linear.gather [hbm4b:s12+s8], $0x3200, $0x200038;
	[tilespmem:$0x15720] =	vst v63  }
0x1d3: {  	_ =	swait.ge [sflag:s31], $0x3200  }
0x1d4: {  	[sflag:s31] =	ssyncset.done $0x0  }
0x1d5: {  	[sflag:s31] =	ssyncadd.s32 $0xFFFFCE00  }
0x1d6: {  	_ =	strace $0x90000048  }
0x1d7: {  	s9 =	simm.s32 $0x10;
	_ =	strace $0x80000049  }
0x1d8: {  	v4 =	vld [tilespmem:s9+$0xFFFFFFF0]  }
0x1d9: {  	v5 =	vld [tilespmem:s9+$0x0];
	_ =	sdelay $0x3  }
0x1da: {  	s10 =	simm.s32 $0x3210;
	vm5 =	vlt.s32 v4, $0x270F  }
0x1db: {  	v6 =	vld [tilespmem:s10+$0x0];
	v4 =	vnsel vm5, $0x270F, v4;
	vm5 =	vlt.s32 v5, $0x270F  }
0x1dc: {  	v7 =	vld [tilespmem:s10+$0xFFFFFFF0];
	[tilespmem:s3+$0x0] =	vst.msk vm2, v4;
	v5 =	vnsel vm5, $0x270F, v5  }
0x1dd: {  	[tilespmem:s21+$0x0] =	vst.msk vm2, v5  }
0x1de: {  	v8 =	vld [tilespmem:$0xAF00];
	_ =	sdelay $0x1  }
0x1df: {  	s11 =	simm.s32 $0x0  }
0x1e0: {  	s13 =	sand.u32 $0x70, s8;
	s12 =	sand.u32 $0xFFFFFF80, s11  }
0x1e1: {  	s12 =	sor.u32 s13, s12  }
0x1e2: {  	[tilespmem:s12+$0x6400] =	vst v8  }
0x1e3: {  	[tilespmem:s3+$0x0] =	vst.msk vm0, v4  }
0x1e4: {  	[tilespmem:s21+$0x0] =	vst.msk vm0, v5  }
0x1e5: {  	v4 =	vld [tilespmem:$0xAF00];
	_ =	sdelay $0x2  }
0x1e6: {  	s11 =	sand.u32 $0x3FFFFF80, s11  }
0x1e7: {  	s11 =	sor.u32 s13, s11  }
0x1e8: {  	[tilespmem:s11+$0x7D00] =	vst v4  }
0x1e9: {  	[tilespmem:s3+$0x0] =	vst.msk vm2, v7  }
0x1ea: {  	[tilespmem:s21+$0x0] =	vst.msk vm2, v6  }
0x1eb: {  	v4 =	vld [tilespmem:$0xAF00];
	_ =	sdelay $0x3  }
0x1ec: {  	s14 =	sadd.s32 $0x2710, s13  }
0x1ed: {  	v5 =	vor.u32 s14, v3;
	vm5 =	veq.s32 v4, $0x2710  }
0x1ee: {  	s11 =	simm.s32 $0x1;
	v4 =	vsel vm5, v5, v4  }
.LBB2_8:
0x1ef: {  	[tilespmem:s12+$0x9600] =	vst v4;
	s9 =	sadd.s32 $0x20, s9;
	s10 =	sadd.s32 $0x20, s10;
	s8 =	sadd.s32 $0x10, s8  }
0x1f0: {  	p2 =	sne.s32 s11, $0x18F;
	s12 =	smov.u32 s11;
	s11 =	sadd.s32 $0x1, s11;
	v4 =	vld [tilespmem:s9+$0xFFFFFFF0]  }
0x1f1: {  	v5 =	vld [tilespmem:s9+$0x0];
	_ =	sdelay $0x3  }
0x1f2: {  	v6 =	vld [tilespmem:s10+$0x0];
	vm5 =	vlt.s32 v4, $0x270F  }
0x1f3: {  	v7 =	vld [tilespmem:s10+$0xFFFFFFF0];
	v4 =	vnsel vm5, $0x270F, v4;
	vm5 =	vlt.s32 v5, $0x270F  }
0x1f4: {  	[tilespmem:s3+$0x0] =	vst.msk vm2, v4;
	v5 =	vnsel vm5, $0x270F, v5  }
0x1f5: {  	[tilespmem:s21+$0x0] =	vst.msk vm2, v5  }
0x1f6: {  	v8 =	vld [tilespmem:$0xAF00];
	_ =	sdelay $0x1  }
0x1f7: {  	s12 =	sshll.u32 s12, $0x4  }
0x1f8: {  	s13 =	sand.u32 $0x70, s8;
	s14 =	sand.u32 $0xFFFFFF80, s12;
	s5 =	sand.u32 $0x3FFFFF80, s12  }
0x1f9: {  	s12 =	sor.u32 s13, s14;
	s14 =	sadd.s32 $0x2710, s13  }
0x1fa: {  	[tilespmem:s12+$0x6400] =	vst v8  }
0x1fb: {  	[tilespmem:s3+$0x0] =	vst.msk vm0, v4  }
0x1fc: {  	[tilespmem:s21+$0x0] =	vst.msk vm0, v5  }
0x1fd: {  	v4 =	vld [tilespmem:$0xAF00];
	_ =	sdelay $0x3  }
0x1fe: {  	s5 =	sor.u32 s13, s5  }
0x1ff: {  	[tilespmem:s5+$0x7D00] =	vst v4  }
0x200: {  	[tilespmem:s3+$0x0] =	vst.msk vm2, v7  }
0x201: {  	[tilespmem:s21+$0x0] =	vst.msk vm2, v6  }
0x202: {  	v4 =	vld [tilespmem:$0xAF00];
	_ =	sdelay $0x1  }
.Ltmp5:
0x203: {  	(pc) =	sbr.rel @p2 .LBB2_8-.Ltmp5, $3  }
0x204: {  	_ =	sdelay $0x1  }
0x205: {  	v5 =	vor.u32 s14, v3;
	vm5 =	veq.s32 v4, $0x2710  }
0x206: {  	v4 =	vsel vm5, v5, v4  }
.Ltmp6:
0x207: {  	(pc) =	sbr.rel .LBB2_10-.Ltmp6, $4  }
0x208: {  	[tilespmem:s12+$0x9600] =	vst v4;
	s0 =	simm.s32 $0x6400  }
0x209: {  	s8 =	simm.s32 $0x0;
	s9 =	simm.s32 $0x17;
	_ =	strace $0x90000049  }
0x20a: {  	[tilespmem:s30], [sflag:$0x1] =	stream.indirect.gather [hbm4b:s16+s22], $0x20, s0, s22, $0xb8;
	[tilespmem:$0x15720] =	vst v63  }
0x20b: {  	s10 =	simm.s32 $0x9680;
	s11 =	simm.s32 $0x6480;
	_ =	strace $0x8000004A  }
.LBB2_13:
0x20c: {  	s9 =	sadd.s32 $0xFFFFFFFF, s9;
	s10 =	sadd.s32 $0x100, s10;
	s11 =	sadd.s32 $0x100, s11  }
.LBB2_10:
0x20d: {  	s5 =	sadd.s32 @!p0 $0xFFFFFF80, s10;
	s12 =	simm.s32 @!p0 $0x80;
	s13 =	simm.s32 @!p0 $0xD720  }
0x20e: {  	[spmem:s2] =	stream.indirect.scatter.add.f32 @!p0 [tilespmem:s13], [sflag:$0x3], $0x10, s5, s12, $0x2000b8;
	[tilespmem:$0x15720] =	vst v63  }
0x20f: {  	_ = 	snop  }
0x210: {  	[spmem:s2] =	stream.indirect.scatter.add.f32 @!p0 [tilespmem:s13], [sflag:$0x3], $0x10, s10, s12, $0x2000b8;
	[tilespmem:$0x15720] =	vst v63  }
0x211: {  	_ = 	snop  }
0x212: {  	[tilespmem:s23], [sflag:$0x2] =	stream.indirect.gather [hbm4b:s16+s22], $0x20, s11, s22, $0x2000b8;
	[tilespmem:$0x15720] =	vst v63  }
0x213: {  	_ =	swait.ge [sflag:s24], $0x1000  }
0x214: {  	[sflag:s24] =	ssyncset.done $0x0  }
0x215: {  	s13 =	sadd.s32 $0xFFFFFF80, s10;
	[sflag:s24] =	ssyncadd.s32 $0xFFFFF000  }
0x216: {  	[spmem:s1] =	stream.indirect.scatter.add.bf16 [tilespmem:s30], [sflag:$0x4], $0x20, s13, s22, $0x2000b8;
	[tilespmem:$0x15720] =	vst v63  }
0x217: {  	_ =	swait.ge [sflag:s31], $0x1000  }
0x218: {  	[sflag:s31] =	ssyncset.done $0x0  }
0x219: {  	s14 =	sadd.s32 $0x80, s11;
	[sflag:s31] =	ssyncadd.s32 $0xFFFFF000  }
0x21a: {  	[tilespmem:s30], [sflag:$0x1] =	stream.indirect.gather [hbm4b:s16+s22], $0x20, s14, s22, $0x2000b8;
	[tilespmem:$0x15720] =	vst v63  }
0x21b: {  	_ =	swait.ge [sflag:s25], $0x1000  }
0x21c: {  	[sflag:s25] =	ssyncset.done $0x0  }
.Ltmp7:
0x21d: {  	[sflag:s25] =	ssyncadd.s32 $0xFFFFF000;
	(pc) =	sbr.rel @p0 .LBB2_14-.Ltmp7, $4  }
0x21e: {  	[spmem:s1] =	stream.indirect.scatter.add.bf16 [tilespmem:s23], [sflag:$0x4], $0x20, s10, s22, $0x2000b8;
	[tilespmem:$0x15720] =	vst v63  }
0x21f: {  	_ =	swait.ge [sflag:s31], $0x1000  }
0x220: {  	[sflag:s31] =	ssyncset.done $0x0  }
0x221: {  	[sflag:s31] =	ssyncadd.s32 $0xFFFFF000  }
0x222: {  	_ =	swait.ge [sflag:s26], $0x800;
	p2 =	seq.s32 s9, $0x0  }
.Ltmp8:
0x223: {  	[sflag:s26] =	ssyncset.done $0x0;
	(pc) =	sbr.rel @p2 .LBB2_16-.Ltmp8, $4  }
0x224: {  	[sflag:s26] =	ssyncadd.s32 $0xFFFFF800  }
0x225: {  	_ =	swait.ge [sflag:s26], $0x800  }
0x226: {  	[sflag:s26] =	ssyncset.done $0x0  }
0x227: {  	[sflag:s26] =	ssyncadd.s32 $0xFFFFF800  }
.Ltmp9:
0x228: {  	(pc) =	sbr.rel .LBB2_13-.Ltmp9, $2  }
0x229: {  	_ =	sdelay $0x2  }
0x22a: {  	s8 =	sadd.s32 $0x1, s8  }
.LBB2_14:
0x22b: {  	p2 =	seq.s32 s9, $0x0  }
.Ltmp10:
0x22c: {  	_ = 	snop;
	(pc) =	sbr.rel @p2 .LBB2_17-.Ltmp10, $1  }
0x22d: {  	_ =	sdelay $0x3  }
.Ltmp11:
0x22e: {  	(pc) =	sbr.rel .LBB2_13-.Ltmp11, $2  }
0x22f: {  	_ =	sdelay $0x2  }
0x230: {  	s8 =	sadd.s32 $0x1, s8  }
.LBB2_16:
0x231: {  	s0 =	simm.s32 $0xAE00;
	s5 =	simm.s32 $0xD720  }
0x232: {  	[spmem:s2] =	stream.indirect.scatter.add.f32 [tilespmem:s5], [sflag:$0x3], $0x10, s0, s22, $0x2000b8;
	[tilespmem:$0x15720] =	vst v63  }
0x233: {  	s14 =	simm.s32 $0xAE80  }
0x234: {  	[spmem:s2] =	stream.indirect.scatter.add.f32 [tilespmem:s5], [sflag:$0x3], $0x10, s14, s22, $0x2000b8;
	[tilespmem:$0x15720] =	vst v63  }
.LBB2_17:
0x235: {  	s0 =	simm.s32 $0x7C80  }
0x236: {  	[tilespmem:s23], [sflag:$0x2] =	stream.indirect.gather [hbm4b:s16+s22], $0x20, s0, s22, $0x2000b8;
	[tilespmem:$0x15720] =	vst v63  }
0x237: {  	_ =	swait.ge [sflag:s24], $0x1000  }
0x238: {  	[sflag:s24] =	ssyncset.done $0x0  }
0x239: {  	s8 =	simm.s32 $0xAE00;
	[sflag:s24] =	ssyncadd.s32 $0xFFFFF000  }
0x23a: {  	[spmem:s1] =	stream.indirect.scatter.add.bf16 [tilespmem:s30], [sflag:$0x4], $0x20, s8, s22, $0x2000b8;
	[tilespmem:$0x15720] =	vst v63  }
0x23b: {  	_ =	swait.ge [sflag:s31], $0x1000  }
0x23c: {  	[sflag:s31] =	ssyncset.done $0x0  }
0x23d: {  	[sflag:s31] =	ssyncadd.s32 $0xFFFFF000  }
0x23e: {  	_ =	swait.ge [sflag:s25], $0x1000  }
0x23f: {  	[sflag:s25] =	ssyncset.done $0x0  }
0x240: {  	s9 =	simm.s32 $0xAE80;
	[sflag:s25] =	ssyncadd.s32 $0xFFFFF000  }
0x241: {  	[spmem:s1] =	stream.indirect.scatter.add.bf16 [tilespmem:s23], [sflag:$0x4], $0x20, s9, s22, $0x2000b8;
	[tilespmem:$0x15720] =	vst v63  }
0x242: {  	_ =	swait.ge [sflag:s31], $0x1000  }
0x243: {  	[sflag:s31] =	ssyncset.done $0x0  }
0x244: {  	s5 =	simm.s32 @!p0 $0x3;
	[sflag:s31] =	ssyncadd.s32 $0xFFFFF000  }
0x245: {  	_ =	swait.ge @!p0 [sflag:s5], $0x800  }
0x246: {  	[sflag:s5] =	ssyncset.done @!p0 $0x0  }
0x247: {  	[sflag:s5] =	ssyncadd.s32 @!p0 $0xFFFFF800  }
0x248: {  	_ =	swait.ge @!p0 [sflag:s5], $0x800  }
0x249: {  	[sflag:s5] =	ssyncset.done @!p0 $0x0  }
0x24a: {  	[sflag:s5] =	ssyncadd.s32 @!p0 $0xFFFFF800  }
0x24b: {  	s10 =	simm.s32 $0x7D00;
	_ =	strace $0x9000004A  }
0x24c: {  	[tilespmem:s30], [sflag:$0x1] =	stream.indirect.gather [hbm4b:s17+s22], $0x20, s10, s22, $0xb8;
	[tilespmem:$0x15720] =	vst v63  }
0x24d: {  	s11 =	simm.s32 $0x7D80;
	_ =	strace $0x8000004B  }
0x24e: {  	[tilespmem:s23], [sflag:$0x2] =	stream.indirect.gather [hbm4b:s17+s22], $0x20, s11, s22, $0x2000b8;
	[tilespmem:$0x15720] =	vst v63  }
0x24f: {  	_ =	swait.ge [sflag:s24], $0x1000  }
0x250: {  	[sflag:s24] =	ssyncset.done $0x0  }
0x251: {  	s12 =	simm.s32 $0x9600;
	[sflag:s24] =	ssyncadd.s32 $0xFFFFF000  }
0x252: {  	[spmem:s1] =	stream.indirect.scatter.add.bf16 [tilespmem:s30], [sflag:$0x4], $0x20, s12, s22, $0x2000b8;
	[tilespmem:$0x15720] =	vst v63  }
0x253: {  	_ =	swait.ge [sflag:s31], $0x1000  }
0x254: {  	[sflag:s31] =	ssyncset.done $0x0  }
0x255: {  	s13 =	simm.s32 $0x7E00;
	[sflag:s31] =	ssyncadd.s32 $0xFFFFF000  }
0x256: {  	[tilespmem:s30], [sflag:$0x1] =	stream.indirect.gather [hbm4b:s17+s22], $0x20, s13, s22, $0x2000b8;
	[tilespmem:$0x15720] =	vst v63  }
0x257: {  	_ =	swait.ge [sflag:s25], $0x1000  }
0x258: {  	[sflag:s25] =	ssyncset.done $0x0  }
0x259: {  	s14 =	simm.s32 $0x9680;
	[sflag:s25] =	ssyncadd.s32 $0xFFFFF000  }
0x25a: {  	[spmem:s1] =	stream.indirect.scatter.add.bf16 [tilespmem:s23], [sflag:$0x4], $0x20, s14, s22, $0x2000b8;
	[tilespmem:$0x15720] =	vst v63  }
0x25b: {  	_ =	swait.ge [sflag:s31], $0x1000  }
0x25c: {  	s8 =	simm.s32 $0x100;
	s9 =	simm.s32 $0x800;
	[sflag:s31] =	ssyncset.done $0x0  }
.LBB2_18:
0x25d: {  	s5 =	sadd.s32 $0x7D80, s8  }
0x25e: {  	[sflag:s31] =	ssyncadd.s32 $0xFFFFF000;
	s10 =	smov.u32 s9;
	s11 =	sadd.s32 $0x400, s9  }
0x25f: {  	[tilespmem:s23], [sflag:$0x2] =	stream.indirect.gather [hbm4b:s17+s22], $0x20, s5, s22, $0x2000b8;
	[tilespmem:$0x15720] =	vst v63  }
0x260: {  	p2 =	sne.s32 s9, $0x5C00;
	_ =	swait.ge [sflag:s24], $0x1000  }
0x261: {  	[sflag:s24] =	ssyncset.done $0x0  }
0x262: {  	s5 =	sadd.s32 $0x9600, s8;
	[sflag:s24] =	ssyncadd.s32 $0xFFFFF000  }
0x263: {  	[spmem:s1] =	stream.indirect.scatter.add.bf16 [tilespmem:s30], [sflag:$0x4], $0x20, s5, s22, $0x2000b8;
	[tilespmem:$0x15720] =	vst v63  }
0x264: {  	_ =	swait.ge [sflag:s31], $0x1000  }
0x265: {  	[sflag:s31] =	ssyncset.done $0x0  }
0x266: {  	s5 =	sadd.s32 $0x7E00, s8;
	[sflag:s31] =	ssyncadd.s32 $0xFFFFF000  }
0x267: {  	[tilespmem:s30], [sflag:$0x1] =	stream.indirect.gather [hbm4b:s17+s22], $0x20, s5, s22, $0x2000b8;
	[tilespmem:$0x15720] =	vst v63  }
0x268: {  	_ =	swait.ge [sflag:s25], $0x1000  }
.Ltmp12:
0x269: {  	[sflag:s25] =	ssyncset.done $0x0;
	(pc) =	sbr.rel @p2 .LBB2_18-.Ltmp12, $4  }
0x26a: {  	s5 =	sadd.s32 $0x9680, s8;
	[sflag:s25] =	ssyncadd.s32 $0xFFFFF000  }
0x26b: {  	[spmem:s1] =	stream.indirect.scatter.add.bf16 [tilespmem:s23], [sflag:$0x4], $0x20, s5, s22, $0x2000b8;
	[tilespmem:$0x15720] =	vst v63  }
0x26c: {  	_ =	swait.ge [sflag:s31], $0x1000  }
0x26d: {  	s9 =	smov.u32 s11;
	s8 =	sshra.s32 s10, $0x2;
	[sflag:s31] =	ssyncset.done $0x0  }
0x26e: {  	s5 =	sadd.s32 $0x7D80, s8;
	[sflag:s31] =	ssyncadd.s32 $0xFFFFF000  }
0x26f: {  	[tilespmem:s23], [sflag:$0x2] =	stream.indirect.gather [hbm4b:s17+s22], $0x20, s5, s22, $0x2000b8;
	[tilespmem:$0x15720] =	vst v63  }
0x270: {  	_ =	swait.ge [sflag:s24], $0x1000  }
0x271: {  	[sflag:s24] =	ssyncset.done $0x0  }
0x272: {  	s14 =	sadd.s32 $0x9600, s8;
	[sflag:s24] =	ssyncadd.s32 $0xFFFFF000  }
0x273: {  	[spmem:s1] =	stream.indirect.scatter.add.bf16 [tilespmem:s30], [sflag:$0x4], $0x20, s14, s22, $0x2000b8;
	[tilespmem:$0x15720] =	vst v63  }
0x274: {  	_ =	swait.ge [sflag:s31], $0x1000  }
0x275: {  	[sflag:s31] =	ssyncset.done $0x0  }
0x276: {  	s0 =	sadd.s32 $0x7E00, s8;
	[sflag:s31] =	ssyncadd.s32 $0xFFFFF000  }
0x277: {  	[tilespmem:s30], [sflag:$0x1] =	stream.indirect.gather [hbm4b:s17+s22], $0x20, s0, s22, $0x2000b8;
	[tilespmem:$0x15720] =	vst v63  }
0x278: {  	_ =	swait.ge [sflag:s25], $0x1000  }
0x279: {  	[sflag:s25] =	ssyncset.done $0x0  }
0x27a: {  	s8 =	sadd.s32 $0x9680, s8;
	[sflag:s25] =	ssyncadd.s32 $0xFFFFF000  }
0x27b: {  	[spmem:s1] =	stream.indirect.scatter.add.bf16 [tilespmem:s23], [sflag:$0x4], $0x20, s8, s22, $0x2000b8;
	[tilespmem:$0x15720] =	vst v63  }
0x27c: {  	_ =	swait.ge [sflag:s31], $0x1000  }
0x27d: {  	[sflag:s31] =	ssyncset.done $0x0  }
0x27e: {  	s0 =	simm.s32 $0x9580;
	[sflag:s31] =	ssyncadd.s32 $0xFFFFF000  }
0x27f: {  	[tilespmem:s23], [sflag:$0x2] =	stream.indirect.gather [hbm4b:s17+s22], $0x20, s0, s22, $0x2000b8;
	[tilespmem:$0x15720] =	vst v63  }
0x280: {  	_ =	swait.ge [sflag:s24], $0x1000  }
0x281: {  	[sflag:s24] =	ssyncset.done $0x0  }
0x282: {  	s9 =	simm.s32 $0xAE00;
	[sflag:s24] =	ssyncadd.s32 $0xFFFFF000  }
0x283: {  	[spmem:s1] =	stream.indirect.scatter.add.bf16 [tilespmem:s30], [sflag:$0x4], $0x20, s9, s22, $0x2000b8;
	[tilespmem:$0x15720] =	vst v63  }
0x284: {  	_ =	swait.ge [sflag:s31], $0x1000  }
0x285: {  	[sflag:s31] =	ssyncset.done $0x0  }
0x286: {  	[sflag:s31] =	ssyncadd.s32 $0xFFFFF000  }
0x287: {  	_ =	swait.ge [sflag:s25], $0x1000  }
0x288: {  	[sflag:s25] =	ssyncset.done $0x0  }
0x289: {  	s10 =	simm.s32 $0xAE80;
	[sflag:s25] =	ssyncadd.s32 $0xFFFFF000  }
0x28a: {  	[spmem:s1] =	stream.indirect.scatter.add.bf16 [tilespmem:s23], [sflag:$0x4], $0x20, s10, s22, $0x2000b8;
	[tilespmem:$0x15720] =	vst v63  }
0x28b: {  	_ =	swait.ge [sflag:s31], $0x1000  }
0x28c: {  	[sflag:s31] =	ssyncset.done $0x0  }
0x28d: {  	[sflag:s31] =	ssyncadd.s32 $0xFFFFF000  }
0x28e: {  	_ =	strace $0x9000004B  }
0x28f: {  	s11 =	stileid.u32;
	[bflag:$0x0] =	sbarrier.arrive $0xFFFF  }
0x290: {  	s12 =	sshll.u32 s11, $0x6;
	s9 =	sshrl.u32 s6, $0x3;
	s13 =	rddreg [dreg:$0x12]  }
0x291: {  	s14 =	simm.s32 $0x8;
	s8 =	sor.u32 $0x1C04, s12;
	[dreg:$0x19] =	wrdreg s9  }
0x292: {  	[hbm:s13@s14], [sflag:s8] =	dma.strided [spmem:s9@s31], $0xA00, s24, $0x4   }
0x293: {  	_ =	swait.ge [sflag:s31], $0xA00;
	[dreg:$0x18] =	wrdreg s8  }
0x294: {  	[sflag:s31] =	ssyncset.done $0x0;
	s0 =	rddreg [dreg:$0x6]  }
0x295: {  	[sflag:s31] =	ssyncadd.s32 $0xFFFFF600;
	s5 =	sshrl.u32 @!p0 s0, $0x3;
	s0 =	rddreg [dreg:$0x14]  }
0x296: {  	[hbm:s0], [sflag:s8] =	dma.local @!p0 [spmem:s5], $0x500  }
0x297: {  	s5 =	simm.s32 @!p0 $0x4  }
0x298: {  	_ =	swait.ge @!p0 [sflag:s5], $0x500  }
0x299: {  	[sflag:s5] =	ssyncset.done @!p0 $0x0  }
0x29a: {  	s11 =	simm.s32 $0x0;
	s10 =	simm.s32 $0x80;
	[sflag:s5] =	ssyncadd.s32 @!p0 $0xFFFFFB00  }
.LBB2_20:
0x29b: {  	p2 =	sne.s32 s10, $0x3F80;
	[tilespmem:s11+$0xAF20] =	vst v2;
	s5 =	smov.u32 s10;
	s10 =	sadd.s32 $0x80, s10  }
.Ltmp13:
0x29c: {  	[tilespmem:s11+$0xAF30] =	vst v2;
	(pc) =	sbr.rel @p2 .LBB2_20-.Ltmp13, $2  }
0x29d: {  	_ =	sdelay $0x2  }
0x29e: {  	s11 =	sshra.s32 s5, $0x2  }
0x29f: {  	[tilespmem:s11+$0xAF20] =	vst v2  }
0x2a0: {  	[tilespmem:s11+$0xAF30] =	vst v2  }
0x2a1: {  	[spmem:s6] =	stream.linear.scatter [tilespmem:s30], [sflag:$0x4], $0x1000, $0x38;
	[tilespmem:$0x15720] =	vst v63  }
0x2a2: {  	_ =	swait.ge [sflag:s31], $0x1000  }
0x2a3: {  	[sflag:s31] =	ssyncset.done $0x0  }
0x2a4: {  	s5 =	simm.s32 $0xCF20;
	s0 =	rddreg [dreg:$0x6];
	[sflag:s31] =	ssyncadd.s32 $0xFFFFF000  }
0x2a5: {  	[spmem:s0] =	stream.linear.scatter [tilespmem:s5], [sflag:$0x4], $0x800, $0x38;
	[tilespmem:$0x15720] =	vst v63  }
0x2a6: {  	_ =	swait.ge [sflag:s31], $0x800  }
0x2a7: {  	[sflag:s31] =	ssyncset.done $0x0  }
0x2a8: {  	s6 =	rddreg [dreg:$0x7];
	[sflag:s31] =	ssyncadd.s32 $0xFFFFF800  }
0x2a9: {  	[spmem:s6] =	stream.linear.scatter [tilespmem:s30], [sflag:$0x4], $0x1000, $0x38;
	[tilespmem:$0x15720] =	vst v63  }
0x2aa: {  	_ =	swait.ge [sflag:s31], $0x1000  }
0x2ab: {  	[sflag:s31] =	ssyncset.done $0x0  }
0x2ac: {  	s8 =	rddreg [dreg:$0x8];
	[sflag:s31] =	ssyncadd.s32 $0xFFFFF000  }
0x2ad: {  	[spmem:s8] =	stream.linear.scatter [tilespmem:s5], [sflag:$0x4], $0x800, $0x38;
	[tilespmem:$0x15720] =	vst v63  }
0x2ae: {  	_ =	swait.ge [sflag:s31], $0x800  }
0x2af: {  	[sflag:s31] =	ssyncset.done $0x0  }
0x2b0: {  	s9 =	rddreg [dreg:$0x9];
	[sflag:s31] =	ssyncadd.s32 $0xFFFFF800  }
0x2b1: {  	[spmem:s9] =	stream.linear.scatter [tilespmem:s30], [sflag:$0x4], $0x1000, $0x38;
	[tilespmem:$0x15720] =	vst v63  }
0x2b2: {  	_ =	swait.ge [sflag:s31], $0x1000  }
0x2b3: {  	[sflag:s31] =	ssyncset.done $0x0  }
0x2b4: {  	s10 =	rddreg [dreg:$0xa];
	[sflag:s31] =	ssyncadd.s32 $0xFFFFF000  }
0x2b5: {  	[spmem:s10] =	stream.linear.scatter [tilespmem:s5], [sflag:$0x4], $0x800, $0x38;
	[tilespmem:$0x15720] =	vst v63  }
0x2b6: {  	_ =	swait.ge [sflag:s31], $0x800  }
0x2b7: {  	[sflag:s31] =	ssyncset.done $0x0  }
0x2b8: {  	s11 =	rddreg [dreg:$0xb];
	[sflag:s31] =	ssyncadd.s32 $0xFFFFF800  }
0x2b9: {  	[spmem:s11] =	stream.linear.scatter [tilespmem:s30], [sflag:$0x4], $0x1000, $0x38;
	[tilespmem:$0x15720] =	vst v63  }
0x2ba: {  	_ =	swait.ge [sflag:s31], $0x1000  }
0x2bb: {  	[sflag:s31] =	ssyncset.done $0x0  }
0x2bc: {  	s12 =	rddreg [dreg:$0xc];
	[sflag:s31] =	ssyncadd.s32 $0xFFFFF000  }
0x2bd: {  	[spmem:s12] =	stream.linear.scatter [tilespmem:s5], [sflag:$0x4], $0x800, $0x38;
	[tilespmem:$0x15720] =	vst v63  }
0x2be: {  	_ =	swait.ge [sflag:s31], $0x800  }
0x2bf: {  	[sflag:s31] =	ssyncset.done $0x0  }
0x2c0: {  	s13 =	rddreg [dreg:$0xd];
	[sflag:s31] =	ssyncadd.s32 $0xFFFFF800  }
0x2c1: {  	[spmem:s13] =	stream.linear.scatter [tilespmem:s30], [sflag:$0x4], $0x1000, $0x38;
	[tilespmem:$0x15720] =	vst v63  }
0x2c2: {  	_ =	swait.ge [sflag:s31], $0x1000  }
0x2c3: {  	[sflag:s31] =	ssyncset.done $0x0  }
0x2c4: {  	s14 =	rddreg [dreg:$0xe];
	[sflag:s31] =	ssyncadd.s32 $0xFFFFF000  }
0x2c5: {  	[spmem:s14] =	stream.linear.scatter [tilespmem:s5], [sflag:$0x4], $0x800, $0x38;
	[tilespmem:$0x15720] =	vst v63  }
0x2c6: {  	_ =	swait.ge [sflag:s31], $0x800  }
0x2c7: {  	[sflag:s31] =	ssyncset.done $0x0  }
0x2c8: {  	[sflag:s31] =	ssyncadd.s32 $0xFFFFF800  }
0x2c9: {  	[bflag:$0x0] =	sbarrier.arrive $0xFFFF  }
0x2ca: {  	_ =	strace $0x8000004C  }
0x2cb: {  	s10 =	simm.s32 $0x0;
	s5 =	rddreg [dreg:$0x10]  }
0x2cc: {  	[tilespmem:s10], [sflag:$0x4] =	stream.linear.gather [hbm4b:s5+s10], $0x1E00, $0x200038;
	[tilespmem:$0x15720] =	vst v63  }
0x2cd: {  	_ =	swait.ge [sflag:s31], $0x1E00  }
0x2ce: {  	[sflag:s31] =	ssyncset.done $0x0  }
0x2cf: {  	s8 =	simm.s32 $0x3200;
	s6 =	rddreg [dreg:$0x11];
	[sflag:s31] =	ssyncadd.s32 $0xFFFFE200  }
0x2d0: {  	[tilespmem:s8], [sflag:$0x4] =	stream.linear.gather [hbm4b:s6+s10], $0x1E00, $0x200038;
	[tilespmem:$0x15720] =	vst v63  }
0x2d1: {  	_ =	swait.ge [sflag:s31], $0x1E00  }
0x2d2: {  	[sflag:s31] =	ssyncset.done $0x0  }
0x2d3: {  	[sflag:s31] =	ssyncadd.s32 $0xFFFFE200  }
0x2d4: {  	_ =	strace $0x9000004C  }
0x2d5: {  	s11 =	simm.s32 $0x10;
	_ =	strace $0x8000004D  }
0x2d6: {  	v4 =	vld [tilespmem:s11+$0xFFFFFFF0]  }
0x2d7: {  	v5 =	vld [tilespmem:s11+$0x0]  }
0x2d8: {  	v6 =	vld [tilespmem:s11+$0x10];
	_ =	sdelay $0x1  }
0x2d9: {  	s12 =	simm.s32 $0x3220  }
0x2da: {  	v7 =	vld [tilespmem:s12+$0x0];
	vm5 =	vlt.s32 v4, $0x270F  }
0x2db: {  	v8 =	vld [tilespmem:s12+$0xFFFFFFF0];
	v4 =	vnsel vm5, $0x270F, v4;
	vm5 =	vlt.s32 v5, $0x270F  }
0x2dc: {  	v9 =	vld [tilespmem:s12+$0xFFFFFFE0];
	[tilespmem:s3+$0x0] =	vst.msk vm1, v4;
	v5 =	vnsel vm5, $0x270F, v5;
	vm5 =	vlt.s32 v6, $0x270F  }
0x2dd: {  	[tilespmem:s15+$0x0] =	vst.msk vm3, v5;
	v6 =	vnsel vm5, $0x270F, v6  }
0x2de: {  	[tilespmem:s28+$0x0] =	vst.msk vm4, v6  }
0x2df: {  	v10 =	vld [tilespmem:$0xAF00];
	_ =	sdelay $0x1  }
0x2e0: {  	s9 =	simm.s32 $0x0  }
0x2e1: {  	s13 =	sand.u32 $0x70, s10;
	s14 =	sand.u32 $0xFFFFFF80, s9  }
0x2e2: {  	s14 =	sor.u32 s13, s14  }
0x2e3: {  	[tilespmem:s14+$0x6400] =	vst v10  }
0x2e4: {  	[tilespmem:s3+$0x0] =	vst.msk vm4, v4  }
0x2e5: {  	[tilespmem:s29+$0x0] =	vst.msk vm1, v5  }
0x2e6: {  	[tilespmem:s28+$0x0] =	vst.msk vm3, v6  }
0x2e7: {  	v10 =	vld [tilespmem:$0xAF00];
	_ =	sdelay $0x2  }
0x2e8: {  	s5 =	sand.u32 $0x3FFFFF80, s9  }
0x2e9: {  	s5 =	sor.u32 s13, s5  }
0x2ea: {  	[tilespmem:s5+$0x6E00] =	vst v10  }
0x2eb: {  	[tilespmem:s3+$0x0] =	vst.msk vm3, v4  }
0x2ec: {  	[tilespmem:s29+$0x0] =	vst.msk vm4, v5  }
0x2ed: {  	[tilespmem:s7+$0x0] =	vst.msk vm1, v6  }
0x2ee: {  	v4 =	vld [tilespmem:$0xAF00];
	_ =	sdelay $0x4  }
0x2ef: {  	[tilespmem:s5+$0x7800] =	vst v4  }
0x2f0: {  	[tilespmem:s3+$0x0] =	vst.msk vm1, v9  }
0x2f1: {  	[tilespmem:s15+$0x0] =	vst.msk vm3, v8  }
0x2f2: {  	[tilespmem:s28+$0x0] =	vst.msk vm4, v7  }
0x2f3: {  	v4 =	vld [tilespmem:$0xAF00];
	_ =	sdelay $0x3  }
0x2f4: {  	s13 =	sadd.s32 $0x2710, s13  }
0x2f5: {  	v5 =	vor.u32 s13, v3;
	vm5 =	veq.s32 v4, $0x2710  }
0x2f6: {  	s13 =	simm.s32 $0x1;
	v4 =	vsel vm5, v5, v4  }
.LBB2_22:
0x2f7: {  	[tilespmem:s14+$0x9600] =	vst v4;
	s10 =	sadd.s32 $0x10, s10;
	s11 =	sadd.s32 $0x30, s11;
	s12 =	sadd.s32 $0x30, s12  }
0x2f8: {  	p2 =	sne.s32 s13, $0x9F;
	s5 =	smov.u32 s13;
	s13 =	sadd.s32 $0x1, s13;
	v4 =	vld [tilespmem:s11+$0xFFFFFFF0]  }
0x2f9: {  	v5 =	vld [tilespmem:s11+$0x0]  }
0x2fa: {  	v6 =	vld [tilespmem:s11+$0x10];
	_ =	sdelay $0x1  }
0x2fb: {  	v7 =	vld [tilespmem:s12+$0x0]  }
0x2fc: {  	v8 =	vld [tilespmem:s12+$0xFFFFFFF0];
	vm5 =	vlt.s32 v4, $0x270F  }
0x2fd: {  	v9 =	vld [tilespmem:s12+$0xFFFFFFE0];
	v4 =	vnsel vm5, $0x270F, v4;
	vm5 =	vlt.s32 v5, $0x270F  }
0x2fe: {  	[tilespmem:s3+$0x0] =	vst.msk vm1, v4;
	v5 =	vnsel vm5, $0x270F, v5;
	vm5 =	vlt.s32 v6, $0x270F  }
0x2ff: {  	[tilespmem:s15+$0x0] =	vst.msk vm3, v5;
	v6 =	vnsel vm5, $0x270F, v6  }
0x300: {  	[tilespmem:s28+$0x0] =	vst.msk vm4, v6  }
0x301: {  	v10 =	vld [tilespmem:$0xAF00];
	_ =	sdelay $0x1  }
0x302: {  	s5 =	sshll.u32 s5, $0x4  }
0x303: {  	s6 =	sand.u32 $0x70, s10;
	s14 =	sand.u32 $0xFFFFFF80, s5;
	s5 =	sand.u32 $0x3FFFFF80, s5  }
0x304: {  	s0 =	sadd.s32 $0x2710, s6;
	s14 =	sor.u32 s6, s14  }
0x305: {  	[tilespmem:s14+$0x6400] =	vst v10  }
0x306: {  	[tilespmem:s3+$0x0] =	vst.msk vm4, v4  }
0x307: {  	[tilespmem:s29+$0x0] =	vst.msk vm1, v5  }
0x308: {  	[tilespmem:s28+$0x0] =	vst.msk vm3, v6  }
0x309: {  	v10 =	vld [tilespmem:$0xAF00];
	_ =	sdelay $0x3  }
0x30a: {  	s5 =	sor.u32 s6, s5  }
0x30b: {  	[tilespmem:s5+$0x6E00] =	vst v10  }
0x30c: {  	[tilespmem:s3+$0x0] =	vst.msk vm3, v4  }
0x30d: {  	[tilespmem:s29+$0x0] =	vst.msk vm4, v5  }
0x30e: {  	[tilespmem:s7+$0x0] =	vst.msk vm1, v6  }
0x30f: {  	v4 =	vld [tilespmem:$0xAF00];
	_ =	sdelay $0x4  }
0x310: {  	[tilespmem:s5+$0x7800] =	vst v4  }
0x311: {  	[tilespmem:s3+$0x0] =	vst.msk vm1, v9  }
0x312: {  	[tilespmem:s15+$0x0] =	vst.msk vm3, v8  }
0x313: {  	[tilespmem:s28+$0x0] =	vst.msk vm4, v7  }
0x314: {  	v4 =	vld [tilespmem:$0xAF00];
	_ =	sdelay $0x1  }
.Ltmp14:
0x315: {  	(pc) =	sbr.rel @p2 .LBB2_22-.Ltmp14, $3  }
0x316: {  	_ =	sdelay $0x1  }
0x317: {  	v5 =	vor.u32 s0, v3;
	vm5 =	veq.s32 v4, $0x2710  }
0x318: {  	v4 =	vsel vm5, v5, v4  }
.Ltmp15:
0x319: {  	(pc) =	sbr.rel .LBB2_24-.Ltmp15, $4  }
0x31a: {  	[tilespmem:s14+$0x9600] =	vst v4;
	s0 =	simm.s32 $0x6400  }
0x31b: {  	s10 =	simm.s32 $0x0;
	s11 =	simm.s32 $0x8;
	_ =	strace $0x9000004D  }
0x31c: {  	[tilespmem:s30], [sflag:$0x1] =	stream.indirect.gather [hbm4b:s18+s22], $0x20, s0, s22, $0xb8;
	[tilespmem:$0x15720] =	vst v63  }
0x31d: {  	s12 =	simm.s32 $0x9680;
	s13 =	simm.s32 $0x6480;
	_ =	strace $0x8000004E  }
.LBB2_25:
0x31e: {  	p2 =	seq.s32 s11, $0x0  }
.Ltmp16:
0x31f: {  	_ = 	snop;
	(pc) =	sbr.rel @p2 .LBB2_29-.Ltmp16, $1  }
0x320: {  	_ =	sdelay $0x3  }
.LBB2_26:
0x321: {  	s11 =	sadd.s32 $0xFFFFFFFF, s11;
	s12 =	sadd.s32 $0x100, s12;
	s13 =	sadd.s32 $0x100, s13  }
.LBB2_24:
0x322: {  	s0 =	sadd.s32 @!p1 $0xFFFFFF80, s12;
	s5 =	simm.s32 @!p1 $0x80;
	s6 =	simm.s32 @!p1 $0xD720  }
0x323: {  	[spmem:s2] =	stream.indirect.scatter.add.f32 @!p1 [tilespmem:s6], [sflag:$0x3], $0x10, s0, s5, $0x2000b8;
	[tilespmem:$0x15720] =	vst v63  }
0x324: {  	_ = 	snop  }
0x325: {  	[spmem:s2] =	stream.indirect.scatter.add.f32 @!p1 [tilespmem:s6], [sflag:$0x3], $0x10, s12, s5, $0x2000b8;
	[tilespmem:$0x15720] =	vst v63  }
0x326: {  	_ = 	snop  }
0x327: {  	[tilespmem:s23], [sflag:$0x2] =	stream.indirect.gather [hbm4b:s18+s22], $0x20, s13, s22, $0x2000b8;
	[tilespmem:$0x15720] =	vst v63  }
0x328: {  	_ =	swait.ge [sflag:s24], $0x1000  }
0x329: {  	[sflag:s24] =	ssyncset.done $0x0  }
0x32a: {  	s9 =	sadd.s32 $0xFFFFFF80, s12;
	[sflag:s24] =	ssyncadd.s32 $0xFFFFF000  }
0x32b: {  	[spmem:s1] =	stream.indirect.scatter.add.bf16 [tilespmem:s30], [sflag:$0x4], $0x20, s9, s22, $0x2000b8;
	[tilespmem:$0x15720] =	vst v63  }
0x32c: {  	_ =	swait.ge [sflag:s31], $0x1000  }
0x32d: {  	[sflag:s31] =	ssyncset.done $0x0  }
0x32e: {  	s14 =	sadd.s32 $0x80, s13;
	[sflag:s31] =	ssyncadd.s32 $0xFFFFF000  }
0x32f: {  	[tilespmem:s30], [sflag:$0x1] =	stream.indirect.gather [hbm4b:s18+s22], $0x20, s14, s22, $0x2000b8;
	[tilespmem:$0x15720] =	vst v63  }
0x330: {  	_ =	swait.ge [sflag:s25], $0x1000  }
0x331: {  	[sflag:s25] =	ssyncset.done $0x0  }
.Ltmp17:
0x332: {  	[sflag:s25] =	ssyncadd.s32 $0xFFFFF000;
	(pc) =	sbr.rel @!p0 .LBB2_25-.Ltmp17, $4  }
0x333: {  	[spmem:s1] =	stream.indirect.scatter.add.bf16 [tilespmem:s23], [sflag:$0x4], $0x20, s12, s22, $0x2000b8;
	[tilespmem:$0x15720] =	vst v63  }
0x334: {  	_ =	swait.ge [sflag:s31], $0x1000  }
0x335: {  	[sflag:s31] =	ssyncset.done $0x0  }
0x336: {  	s10 =	sadd.s32 $0x1, s10;
	[sflag:s31] =	ssyncadd.s32 $0xFFFFF000  }
0x337: {  	_ =	swait.ge [sflag:s26], $0x800;
	p2 =	sne.s32 s11, $0x0  }
.Ltmp18:
0x338: {  	[sflag:s26] =	ssyncset.done $0x0;
	(pc) =	sbr.rel @p2 .LBB2_26-.Ltmp18, $4  }
0x339: {  	[sflag:s26] =	ssyncadd.s32 $0xFFFFF800  }
0x33a: {  	_ =	swait.ge [sflag:s26], $0x800  }
0x33b: {  	[sflag:s26] =	ssyncset.done $0x0  }
0x33c: {  	[sflag:s26] =	ssyncadd.s32 $0xFFFFF800  }
.Ltmp19:
0x33d: {  	(pc) =	sbr.rel .LBB2_29-.Ltmp19, $4  }
0x33e: {  	s0 =	simm.s32 $0xD720;
	s5 =	simm.s32 $0x9F00  }
0x33f: {  	[spmem:s2] =	stream.indirect.scatter.add.f32 [tilespmem:s0], [sflag:$0x3], $0x10, s5, s22, $0x2000b8;
	[tilespmem:$0x15720] =	vst v63  }
0x340: {  	s14 =	simm.s32 $0x9F80  }
0x341: {  	[spmem:s2] =	stream.indirect.scatter.add.f32 [tilespmem:s0], [sflag:$0x3], $0x10, s14, s22, $0x2000b8;
	[tilespmem:$0x15720] =	vst v63  }
.LBB2_30:
0x342: {  	_ =	sfence.sel $0x180000  }
0x343: {  	[bflag:$0x0] =	sbarrier.arrive $0xFFFF  }
0x344: {  	_ =	strace $0x90000047  }
0x345: {  	s0 =	stileid.u32;
	[bflag:$0x2] =	sbarrier.arrive $0xFFFF  }
0x346: {  	p0 =	sne.s32 s0, $0x0;
	s0 =	rddreg [dreg:$0x4]  }
0x347: {  	s0 =	sadd.s32 @!p0 $0x100000, s0  }
0x348: {  	[sflag:s0] =	ssyncadd.tile.s32 @!p0 $0x1;
	_ =	shalt  }
.Lfunc_end2:
_tile_overlayer_lowered:
.L_overlay_start_2:
0x349: {  	(tag) =	ssettag $0x2  }
0x34a: {  	s0 =	rddreg [dreg:$0x0];
	s2 =	stileid.u32  }
0x34b: {  	s1 =	rddreg [dreg:$0x1];
	p0 =	sne.s32 s2, $0x0  }
0x34c: {  	s3 =	rddreg [dreg:$0x2];
	[bflag:$0x3] =	sbarrier.arrive $0xFFFF;
	s2 =	simm.s32 @!p0 $0x1C04  }
0x34d: {  	[timem:s3], [sflag:s2] =	dma.local @!p0 [hbm:s0], s1  }
0x34e: {  	s0 =	simm.s32 @!p0 $0x4  }
0x34f: {  	_ =	swait.ge @!p0 [sflag:s0], s1  }
0x350: {  	s1 =	ssub.s32 @!p0 $0x0, s1;
	[sflag:s0] =	ssyncset.done @!p0 $0x0  }
0x351: {  	[sflag:s0] =	ssyncadd.s32 @!p0 s1  }
0x352: {  	[bflag:$0x3] =	sbarrier.arrive $0xFFFF  }
0x353: {  	_ =	shalt  }

</sc_bundles>
